<compile_context>
chip_gen: v7x
topology: tpu7x:2x2x1
jax: 0.10.2.dev20260603
libtpu: 0.0.44.dev20260713+nightly
codegen_flags: <defaults>
</compile_context>

<pallas_src>
import functools

import jax
import jax.numpy as jnp
from jax import lax
from jax.experimental import pallas as pl
from jax.experimental.pallas import tpu as pltpu
from jax.experimental.pallas import tpu_sc as plsc

NUM_ENTITIES = 1000000
EMBEDDING_DIM = 64
BATCH = 16384

_NC = 2
_NS = 16
_NW = _NC * _NS
_B_PER_W = BATCH // _NW
_WAVE = 11
_NWAVES = _B_PER_W // _WAVE
_TAIL = _B_PER_W - _NWAVES * _WAVE
_L = 16


@functools.partial(
    pl.kernel,
    out_type=jax.ShapeDtypeStruct((EMBEDDING_DIM, BATCH), jnp.float32),
    mesh=plsc.VectorSubcoreMesh(core_axis_name="c", subcore_axis_name="s"),
    compiler_params=pltpu.CompilerParams(needs_layout_passes=False),
    scratch_types=[
        pltpu.VMEM((_B_PER_W,), jnp.int32),
        pltpu.VMEM((_WAVE, EMBEDDING_DIM, 128), jnp.float32),
        pltpu.VMEM((EMBEDDING_DIM, _B_PER_W), jnp.float32),
        pltpu.SMEM((_B_PER_W,), jnp.int32),
        pltpu.SMEM((_B_PER_W,), jnp.int32),
        pltpu.SemaphoreType.DMA,
    ],
)
def _gather_kernel(idx_hbm, table_hbm, out_hbm, idx_v, ring_v, stage_v,
                   start_s, col_s, gsem):
    wid = lax.axis_index("s") * _NC + lax.axis_index("c")
    base = wid * _B_PER_W
    pltpu.sync_copy(idx_hbm.at[pl.ds(base, _B_PER_W)], idx_v)

    lane = lax.iota(jnp.int32, _L)

    def prep(c, _):
        chunk = idx_v[pl.ds(c * _L, _L)]
        starts = lax.shift_right_logical(chunk, 7) * 128
        cols = lax.rem(chunk, jnp.int32(128))
        for j in range(_L):
            start_s[c * _L + j] = lax.squeeze(
                lax.slice(starts, (j,), (j + 1,)), (0,))
            col_s[c * _L + j] = lax.squeeze(
                lax.slice(cols, (j,), (j + 1,)), (0,))
        return ()

    lax.fori_loop(0, _B_PER_W // _L, prep, ())

    def bcast(x):
        return lax.broadcast_in_dim(x, (_L,), ())

    def fire(t, s):
        st = pl.multiple_of(start_s[t], 128)
        pltpu.async_copy(
            table_hbm.at[pl.ds(0, EMBEDDING_DIM), pl.ds(st, 128)],
            ring_v.at[s], gsem)

    def drain(s):
        pltpu.make_async_copy(
            table_hbm.at[pl.ds(0, EMBEDDING_DIM), pl.ds(0, 128)],
            ring_v.at[s], gsem).wait()

    def extract(t, s):
        col = bcast(col_s[t])
        ocol = bcast(t)
        for k in range(EMBEDDING_DIM // _L):
            rows = k * _L + lane
            v = plsc.load_gather(
                ring_v, [jnp.full((_L,), s, jnp.int32), rows, col])
            plsc.store_scatter(stage_v, [rows, ocol], v)

    def wave(w, _):
        t0 = w * _WAVE
        for s in range(_WAVE):
            fire(t0 + s, s)
        for s in range(_WAVE):
            drain(s)
        for s in range(_WAVE):
            extract(t0 + s, s)
        return ()

    lax.fori_loop(0, _NWAVES, wave, ())

    t0 = _NWAVES * _WAVE
    for s in range(_TAIL):
        fire(t0 + s, s)
    for s in range(_TAIL):
        drain(s)
    for s in range(_TAIL):
        extract(t0 + s, s)

    pltpu.sync_copy(
        stage_v,
        out_hbm.at[pl.ds(0, EMBEDDING_DIM),
                   pl.ds(pl.multiple_of(base, _B_PER_W), _B_PER_W)])


def kernel(entities, entity_embeddings):
    idx = entities.astype(jnp.int32)
    out_t = _gather_kernel(idx, entity_embeddings.T)
    return out_t.T

# --- scband reference (transcript-rebuilt; emitter-appended) ---
"""Pipeline reference for scband-base-module-68358699483737 (READ-ONLY COPY).

The authoritative reference and input builder live on the scoring server;
editing this copy changes nothing except your own understanding.
"""

import jax, jax.numpy as jnp
import numpy as np

NUM_ENTITIES = 1000000
EMBEDDING_DIM = 64
BATCH = 16384

def setup_inputs(seed: int = 0) -> dict:
    key = jax.random.key(seed)
    k1, k2 = jax.random.split(key)
    entities = jax.random.randint(k1, (BATCH,), 0, NUM_ENTITIES, dtype=jnp.int64) if jax.config.jax_enable_x64 else jax.random.randint(k1, (BATCH,), 0, NUM_ENTITIES, dtype=jnp.int32)
    # Learned parameter: entity embedding table (nn.Embedding default init ~ N(0,1))
    entity_embeddings = jax.random.normal(k2, (NUM_ENTITIES, EMBEDDING_DIM), dtype=jnp.float32)
    return {"entities": entities, "entity_embeddings": entity_embeddings}

def reference(entities, entity_embeddings):
    # Faithful translation of BaseModule._get_entity_embeddings:
    #   self.entity_embeddings(entities).view(-1, self.embedding_dim)
    emb = jnp.take(entity_embeddings, entities, axis=0)
    return emb.reshape(-1, EMBEDDING_DIM)

if __name__ == "__main__":
    import jax
    _d = setup_inputs()
    print(jax.jit(kernel)(*tuple(_d.values())))

</pallas_src>

<mosaic_0001>
#map = affine_map<(d0, d1) -> (0)>
#map1 = affine_map<(d0, d1) -> (0, 0)>
module attributes {stable_mosaic.version = 14 : i64} {
  func.func @_gather_kernel(%arg0: i32, %arg1: i32, %arg2: memref<16384xi32, #tpu.memory_space<hbm>>, %arg3: memref<64x1000000xf32, #tpu.memory_space<hbm>>, %arg4: memref<64x16384xf32, #tpu.memory_space<hbm>>, %arg5: memref<512xi32, #tpu.memory_space<vmem>>, %arg6: memref<11x64x128xf32, #tpu.memory_space<vmem>>, %arg7: memref<64x512xf32, #tpu.memory_space<vmem>>, %arg8: memref<512xi32, #tpu.memory_space<smem>>, %arg9: memref<512xi32, #tpu.memory_space<smem>>, %arg10: memref<!tpu.dma_semaphore, #tpu.memory_space<semaphore_mem>>) attributes {dimension_semantics = [#tpu.dimension_semantics<core_parallel>, #tpu.dimension_semantics<subcore_parallel>], iteration_bounds = array<i64: 2, 16>, scalar_prefetch = 0 : i64, scratch_operands = 6 : i64, tpu.core_type = #tpu.core_type<sc_vector_subcore>, window_params = [{transform_indices = #map}, {transform_indices = #map1}, {transform_indices = #map1}]} {
    %mul3A = arith.constant 2 : i32
    %mul3A_0 = arith.muli %arg1, %mul3A : i32
    %add3A = arith.addi %mul3A_0, %arg0 : i32
    %mul3A_1 = arith.constant 512 : i32
    %mul3A_2 = arith.muli %add3A, %mul3A_1 : i32
    "tpu.region"() ({
      %run_scoped3A = tpu.sem_alloc : memref<!tpu.dma_semaphore, #tpu.memory_space<semaphore_mem>>
      %dma_start3A_379 = tpu.memref_slice %arg2[%mul3A_2] : memref<16384xi32, #tpu.memory_space<hbm>> -> memref<512xi32, #tpu.memory_space<hbm>>
      %dma_start3A_380 = tpu.memref_slice %arg2[%mul3A_2] : memref<16384xi32, #tpu.memory_space<hbm>> -> memref<512xi32, #tpu.memory_space<hbm>>
      tpu.enqueue_dma source(%dma_start3A_380 : memref<512xi32, #tpu.memory_space<hbm>>) target(%arg5 : memref<512xi32, #tpu.memory_space<vmem>>) target_semaphore(%run_scoped3A : memref<!tpu.dma_semaphore, #tpu.memory_space<semaphore_mem>>)
      %dma_wait3A_381 = tpu.memref_slice %arg2[%mul3A_2] : memref<16384xi32, #tpu.memory_space<hbm>> -> memref<512xi32, #tpu.memory_space<hbm>>
      %dma_wait3A_382 = tpu.memref_slice %arg2[%mul3A_2] : memref<16384xi32, #tpu.memory_space<hbm>> -> memref<512xi32, #tpu.memory_space<hbm>>
      tpu.wait_dma2 semaphore(%run_scoped3A : memref<!tpu.dma_semaphore, #tpu.memory_space<semaphore_mem>>) src(%dma_wait3A_382 : memref<512xi32, #tpu.memory_space<hbm>>) dst(%arg5 : memref<512xi32, #tpu.memory_space<vmem>>)
      tpu.yield
    }) : () -> ()
    %iota3A = tpu.iota {dimensions = array<i32: 0>} : vector<16xi32>
    %scan3A = arith.constant 0 : i32
    %scan3A_3 = arith.constant 32 : i32
    %scan3A_4 = arith.addi %scan3A, %scan3A_3 : i32
    %scan3A_5 = arith.constant 1 : i32
    scf.for %scan3A_379 = %scan3A to %scan3A_4 step %scan3A_5  : i32 {
      %mul3A_380 = arith.constant 16 : i32
      %mul3A_381 = arith.muli %scan3A_379, %mul3A_380 : i32
      %get3A_382 = arith.index_cast %mul3A_381 : i32 to index
      %get3A_383 = tpu.vector_load %arg5[%get3A_382] {strides = array<i32>} : memref<512xi32, #tpu.memory_space<vmem>>, vector<16xi32>,
      %shift_right_logical3A = arith.constant 7 : i32
      %shift_right_logical3A_384 = vector.broadcast %shift_right_logical3A : i32 to vector<16xi32>
      %shift_right_logical3A_385 = arith.shrui %get3A_383, %shift_right_logical3A_384 : vector<16xi32>
      %mul3A_386 = arith.constant 128 : i32
      %mul3A_387 = vector.broadcast %mul3A_386 : i32 to vector<16xi32>
      %mul3A_388 = arith.muli %shift_right_logical3A_385, %mul3A_387 : vector<16xi32>
      %rem3A = arith.constant 128 : i32
      %rem3A_389 = vector.broadcast %rem3A : i32 to vector<16xi32>
      %rem3A_390 = arith.remsi %get3A_383, %rem3A_389 : vector<16xi32>
      %slice3A = vector.extract_strided_slice %mul3A_388 {offsets = [0], sizes = [1], strides = [1]} : vector<16xi32> to vector<1xi32>
      %squeeze3A = vector.extract %slice3A[0] : i32 from vector<1xi32>
      %mul3A_391 = arith.constant 16 : i32
      %mul3A_392 = arith.muli %scan3A_379, %mul3A_391 : i32
      %add3A_393 = arith.constant 0 : i32
      %add3A_394 = arith.addi %mul3A_392, %add3A_393 : i32
      %swap3A = arith.index_cast %add3A_394 : i32 to index
      %swap3A_395 = memref.load %arg8[%swap3A] : memref<512xi32, #tpu.memory_space<smem>>
      memref.store %squeeze3A, %arg8[%swap3A] : memref<512xi32, #tpu.memory_space<smem>>
      %slice3A_396 = vector.extract_strided_slice %rem3A_390 {offsets = [0], sizes = [1], strides = [1]} : vector<16xi32> to vector<1xi32>
      %squeeze3A_397 = vector.extract %slice3A_396[0] : i32 from vector<1xi32>
      %mul3A_398 = arith.constant 16 : i32
      %mul3A_399 = arith.muli %scan3A_379, %mul3A_398 : i32
      %add3A_400 = arith.constant 0 : i32
      %add3A_401 = arith.addi %mul3A_399, %add3A_400 : i32
      %swap3A_402 = arith.index_cast %add3A_401 : i32 to index
      %swap3A_403 = memref.load %arg9[%swap3A_402] : memref<512xi32, #tpu.memory_space<smem>>
      memref.store %squeeze3A_397, %arg9[%swap3A_402] : memref<512xi32, #tpu.memory_space<smem>>
      %slice3A_404 = vector.extract_strided_slice %mul3A_388 {offsets = [1], sizes = [1], strides = [1]} : vector<16xi32> to vector<1xi32>
      %squeeze3A_405 = vector.extract %slice3A_404[0] : i32 from vector<1xi32>
      %mul3A_406 = arith.constant 16 : i32
      %mul3A_407 = arith.muli %scan3A_379, %mul3A_406 : i32
      %add3A_408 = arith.constant 1 : i32
      %add3A_409 = arith.addi %mul3A_407, %add3A_408 : i32
      %swap3A_410 = arith.index_cast %add3A_409 : i32 to index
      %swap3A_411 = memref.load %arg8[%swap3A_410] : memref<512xi32, #tpu.memory_space<smem>>
      memref.store %squeeze3A_405, %arg8[%swap3A_410] : memref<512xi32, #tpu.memory_space<smem>>
      %slice3A_412 = vector.extract_strided_slice %rem3A_390 {offsets = [1], sizes = [1], strides = [1]} : vector<16xi32> to vector<1xi32>
      %squeeze3A_413 = vector.extract %slice3A_412[0] : i32 from vector<1xi32>
      %mul3A_414 = arith.constant 16 : i32
      %mul3A_415 = arith.muli %scan3A_379, %mul3A_414 : i32
      %add3A_416 = arith.constant 1 : i32
      %add3A_417 = arith.addi %mul3A_415, %add3A_416 : i32
      %swap3A_418 = arith.index_cast %add3A_417 : i32 to index
      %swap3A_419 = memref.load %arg9[%swap3A_418] : memref<512xi32, #tpu.memory_space<smem>>
      memref.store %squeeze3A_413, %arg9[%swap3A_418] : memref<512xi32, #tpu.memory_space<smem>>
      %slice3A_420 = vector.extract_strided_slice %mul3A_388 {offsets = [2], sizes = [1], strides = [1]} : vector<16xi32> to vector<1xi32>
      %squeeze3A_421 = vector.extract %slice3A_420[0] : i32 from vector<1xi32>
      %mul3A_422 = arith.constant 16 : i32
      %mul3A_423 = arith.muli %scan3A_379, %mul3A_422 : i32
      %add3A_424 = arith.constant 2 : i32
      %add3A_425 = arith.addi %mul3A_423, %add3A_424 : i32
      %swap3A_426 = arith.index_cast %add3A_425 : i32 to index
      %swap3A_427 = memref.load %arg8[%swap3A_426] : memref<512xi32, #tpu.memory_space<smem>>
      memref.store %squeeze3A_421, %arg8[%swap3A_426] : memref<512xi32, #tpu.memory_space<smem>>
      %slice3A_428 = vector.extract_strided_slice %rem3A_390 {offsets = [2], sizes = [1], strides = [1]} : vector<16xi32> to vector<1xi32>
      %squeeze3A_429 = vector.extract %slice3A_428[0] : i32 from vector<1xi32>
      %mul3A_430 = arith.constant 16 : i32
      %mul3A_431 = arith.muli %scan3A_379, %mul3A_430 : i32
      %add3A_432 = arith.constant 2 : i32
      %add3A_433 = arith.addi %mul3A_431, %add3A_432 : i32
      %swap3A_434 = arith.index_cast %add3A_433 : i32 to index
      %swap3A_435 = memref.load %arg9[%swap3A_434] : memref<512xi32, #tpu.memory_space<smem>>
      memref.store %squeeze3A_429, %arg9[%swap3A_434] : memref<512xi32, #tpu.memory_space<smem>>
      %slice3A_436 = vector.extract_strided_slice %mul3A_388 {offsets = [3], sizes = [1], strides = [1]} : vector<16xi32> to vector<1xi32>
      %squeeze3A_437 = vector.extract %slice3A_436[0] : i32 from vector<1xi32>
      %mul3A_438 = arith.constant 16 : i32
      %mul3A_439 = arith.muli %scan3A_379, %mul3A_438 : i32
      %add3A_440 = arith.constant 3 : i32
      %add3A_441 = arith.addi %mul3A_439, %add3A_440 : i32
      %swap3A_442 = arith.index_cast %add3A_441 : i32 to index
      %swap3A_443 = memref.load %arg8[%swap3A_442] : memref<512xi32, #tpu.memory_space<smem>>
      memref.store %squeeze3A_437, %arg8[%swap3A_442] : memref<512xi32, #tpu.memory_space<smem>>
      %slice3A_444 = vector.extract_strided_slice %rem3A_390 {offsets = [3], sizes = [1], strides = [1]} : vector<16xi32> to vector<1xi32>
      %squeeze3A_445 = vector.extract %slice3A_444[0] : i32 from vector<1xi32>
      %mul3A_446 = arith.constant 16 : i32
      %mul3A_447 = arith.muli %scan3A_379, %mul3A_446 : i32
      %add3A_448 = arith.constant 3 : i32
      %add3A_449 = arith.addi %mul3A_447, %add3A_448 : i32
      %swap3A_450 = arith.index_cast %add3A_449 : i32 to index
      %swap3A_451 = memref.load %arg9[%swap3A_450] : memref<512xi32, #tpu.memory_space<smem>>
      memref.store %squeeze3A_445, %arg9[%swap3A_450] : memref<512xi32, #tpu.memory_space<smem>>
      %slice3A_452 = vector.extract_strided_slice %mul3A_388 {offsets = [4], sizes = [1], strides = [1]} : vector<16xi32> to vector<1xi32>
      %squeeze3A_453 = vector.extract %slice3A_452[0] : i32 from vector<1xi32>
      %mul3A_454 = arith.constant 16 : i32
      %mul3A_455 = arith.muli %scan3A_379, %mul3A_454 : i32
      %add3A_456 = arith.constant 4 : i32
      %add3A_457 = arith.addi %mul3A_455, %add3A_456 : i32
      %swap3A_458 = arith.index_cast %add3A_457 : i32 to index
      %swap3A_459 = memref.load %arg8[%swap3A_458] : memref<512xi32, #tpu.memory_space<smem>>
      memref.store %squeeze3A_453, %arg8[%swap3A_458] : memref<512xi32, #tpu.memory_space<smem>>
      %slice3A_460 = vector.extract_strided_slice %rem3A_390 {offsets = [4], sizes = [1], strides = [1]} : vector<16xi32> to vector<1xi32>
      %squeeze3A_461 = vector.extract %slice3A_460[0] : i32 from vector<1xi32>
      %mul3A_462 = arith.constant 16 : i32
      %mul3A_463 = arith.muli %scan3A_379, %mul3A_462 : i32
      %add3A_464 = arith.constant 4 : i32
      %add3A_465 = arith.addi %mul3A_463, %add3A_464 : i32
      %swap3A_466 = arith.index_cast %add3A_465 : i32 to index
      %swap3A_467 = memref.load %arg9[%swap3A_466] : memref<512xi32, #tpu.memory_space<smem>>
      memref.store %squeeze3A_461, %arg9[%swap3A_466] : memref<512xi32, #tpu.memory_space<smem>>
      %slice3A_468 = vector.extract_strided_slice %mul3A_388 {offsets = [5], sizes = [1], strides = [1]} : vector<16xi32> to vector<1xi32>
      %squeeze3A_469 = vector.extract %slice3A_468[0] : i32 from vector<1xi32>
      %mul3A_470 = arith.constant 16 : i32
      %mul3A_471 = arith.muli %scan3A_379, %mul3A_470 : i32
      %add3A_472 = arith.constant 5 : i32
      %add3A_473 = arith.addi %mul3A_471, %add3A_472 : i32
      %swap3A_474 = arith.index_cast %add3A_473 : i32 to index
      %swap3A_475 = memref.load %arg8[%swap3A_474] : memref<512xi32, #tpu.memory_space<smem>>
      memref.store %squeeze3A_469, %arg8[%swap3A_474] : memref<512xi32, #tpu.memory_space<smem>>
      %slice3A_476 = vector.extract_strided_slice %rem3A_390 {offsets = [5], sizes = [1], strides = [1]} : vector<16xi32> to vector<1xi32>
      %squeeze3A_477 = vector.extract %slice3A_476[0] : i32 from vector<1xi32>
      %mul3A_478 = arith.constant 16 : i32
      %mul3A_479 = arith.muli %scan3A_379, %mul3A_478 : i32
      %add3A_480 = arith.constant 5 : i32
      %add3A_481 = arith.addi %mul3A_479, %add3A_480 : i32
      %swap3A_482 = arith.index_cast %add3A_481 : i32 to index
      %swap3A_483 = memref.load %arg9[%swap3A_482] : memref<512xi32, #tpu.memory_space<smem>>
      memref.store %squeeze3A_477, %arg9[%swap3A_482] : memref<512xi32, #tpu.memory_space<smem>>
      %slice3A_484 = vector.extract_strided_slice %mul3A_388 {offsets = [6], sizes = [1], strides = [1]} : vector<16xi32> to vector<1xi32>
      %squeeze3A_485 = vector.extract %slice3A_484[0] : i32 from vector<1xi32>
      %mul3A_486 = arith.constant 16 : i32
      %mul3A_487 = arith.muli %scan3A_379, %mul3A_486 : i32
      %add3A_488 = arith.constant 6 : i32
      %add3A_489 = arith.addi %mul3A_487, %add3A_488 : i32
      %swap3A_490 = arith.index_cast %add3A_489 : i32 to index
      %swap3A_491 = memref.load %arg8[%swap3A_490] : memref<512xi32, #tpu.memory_space<smem>>
      memref.store %squeeze3A_485, %arg8[%swap3A_490] : memref<512xi32, #tpu.memory_space<smem>>
      %slice3A_492 = vector.extract_strided_slice %rem3A_390 {offsets = [6], sizes = [1], strides = [1]} : vector<16xi32> to vector<1xi32>
      %squeeze3A_493 = vector.extract %slice3A_492[0] : i32 from vector<1xi32>
      %mul3A_494 = arith.constant 16 : i32
      %mul3A_495 = arith.muli %scan3A_379, %mul3A_494 : i32
      %add3A_496 = arith.constant 6 : i32
      %add3A_497 = arith.addi %mul3A_495, %add3A_496 : i32
      %swap3A_498 = arith.index_cast %add3A_497 : i32 to index
      %swap3A_499 = memref.load %arg9[%swap3A_498] : memref<512xi32, #tpu.memory_space<smem>>
      memref.store %squeeze3A_493, %arg9[%swap3A_498] : memref<512xi32, #tpu.memory_space<smem>>
      %slice3A_500 = vector.extract_strided_slice %mul3A_388 {offsets = [7], sizes = [1], strides = [1]} : vector<16xi32> to vector<1xi32>
      %squeeze3A_501 = vector.extract %slice3A_500[0] : i32 from vector<1xi32>
      %mul3A_502 = arith.constant 16 : i32
      %mul3A_503 = arith.muli %scan3A_379, %mul3A_502 : i32
      %add3A_504 = arith.constant 7 : i32
      %add3A_505 = arith.addi %mul3A_503, %add3A_504 : i32
      %swap3A_506 = arith.index_cast %add3A_505 : i32 to index
      %swap3A_507 = memref.load %arg8[%swap3A_506] : memref<512xi32, #tpu.memory_space<smem>>
      memref.store %squeeze3A_501, %arg8[%swap3A_506] : memref<512xi32, #tpu.memory_space<smem>>
      %slice3A_508 = vector.extract_strided_slice %rem3A_390 {offsets = [7], sizes = [1], strides = [1]} : vector<16xi32> to vector<1xi32>
      %squeeze3A_509 = vector.extract %slice3A_508[0] : i32 from vector<1xi32>
      %mul3A_510 = arith.constant 16 : i32
      %mul3A_511 = arith.muli %scan3A_379, %mul3A_510 : i32
      %add3A_512 = arith.constant 7 : i32
      %add3A_513 = arith.addi %mul3A_511, %add3A_512 : i32
      %swap3A_514 = arith.index_cast %add3A_513 : i32 to index
      %swap3A_515 = memref.load %arg9[%swap3A_514] : memref<512xi32, #tpu.memory_space<smem>>
      memref.store %squeeze3A_509, %arg9[%swap3A_514] : memref<512xi32, #tpu.memory_space<smem>>
      %slice3A_516 = vector.extract_strided_slice %mul3A_388 {offsets = [8], sizes = [1], strides = [1]} : vector<16xi32> to vector<1xi32>
      %squeeze3A_517 = vector.extract %slice3A_516[0] : i32 from vector<1xi32>
      %mul3A_518 = arith.constant 16 : i32
      %mul3A_519 = arith.muli %scan3A_379, %mul3A_518 : i32
      %add3A_520 = arith.constant 8 : i32
      %add3A_521 = arith.addi %mul3A_519, %add3A_520 : i32
      %swap3A_522 = arith.index_cast %add3A_521 : i32 to index
      %swap3A_523 = memref.load %arg8[%swap3A_522] : memref<512xi32, #tpu.memory_space<smem>>
      memref.store %squeeze3A_517, %arg8[%swap3A_522] : memref<512xi32, #tpu.memory_space<smem>>
      %slice3A_524 = vector.extract_strided_slice %rem3A_390 {offsets = [8], sizes = [1], strides = [1]} : vector<16xi32> to vector<1xi32>
      %squeeze3A_525 = vector.extract %slice3A_524[0] : i32 from vector<1xi32>
      %mul3A_526 = arith.constant 16 : i32
      %mul3A_527 = arith.muli %scan3A_379, %mul3A_526 : i32
      %add3A_528 = arith.constant 8 : i32
      %add3A_529 = arith.addi %mul3A_527, %add3A_528 : i32
      %swap3A_530 = arith.index_cast %add3A_529 : i32 to index
      %swap3A_531 = memref.load %arg9[%swap3A_530] : memref<512xi32, #tpu.memory_space<smem>>
      memref.store %squeeze3A_525, %arg9[%swap3A_530] : memref<512xi32, #tpu.memory_space<smem>>
      %slice3A_532 = vector.extract_strided_slice %mul3A_388 {offsets = [9], sizes = [1], strides = [1]} : vector<16xi32> to vector<1xi32>
      %squeeze3A_533 = vector.extract %slice3A_532[0] : i32 from vector<1xi32>
      %mul3A_534 = arith.constant 16 : i32
      %mul3A_535 = arith.muli %scan3A_379, %mul3A_534 : i32
      %add3A_536 = arith.constant 9 : i32
      %add3A_537 = arith.addi %mul3A_535, %add3A_536 : i32
      %swap3A_538 = arith.index_cast %add3A_537 : i32 to index
      %swap3A_539 = memref.load %arg8[%swap3A_538] : memref<512xi32, #tpu.memory_space<smem>>
      memref.store %squeeze3A_533, %arg8[%swap3A_538] : memref<512xi32, #tpu.memory_space<smem>>
      %slice3A_540 = vector.extract_strided_slice %rem3A_390 {offsets = [9], sizes = [1], strides = [1]} : vector<16xi32> to vector<1xi32>
      %squeeze3A_541 = vector.extract %slice3A_540[0] : i32 from vector<1xi32>
      %mul3A_542 = arith.constant 16 : i32
      %mul3A_543 = arith.muli %scan3A_379, %mul3A_542 : i32
      %add3A_544 = arith.constant 9 : i32
      %add3A_545 = arith.addi %mul3A_543, %add3A_544 : i32
      %swap3A_546 = arith.index_cast %add3A_545 : i32 to index
      %swap3A_547 = memref.load %arg9[%swap3A_546] : memref<512xi32, #tpu.memory_space<smem>>
      memref.store %squeeze3A_541, %arg9[%swap3A_546] : memref<512xi32, #tpu.memory_space<smem>>
      %slice3A_548 = vector.extract_strided_slice %mul3A_388 {offsets = [10], sizes = [1], strides = [1]} : vector<16xi32> to vector<1xi32>
      %squeeze3A_549 = vector.extract %slice3A_548[0] : i32 from vector<1xi32>
      %mul3A_550 = arith.constant 16 : i32
      %mul3A_551 = arith.muli %scan3A_379, %mul3A_550 : i32
      %add3A_552 = arith.constant 10 : i32
      %add3A_553 = arith.addi %mul3A_551, %add3A_552 : i32
      %swap3A_554 = arith.index_cast %add3A_553 : i32 to index
      %swap3A_555 = memref.load %arg8[%swap3A_554] : memref<512xi32, #tpu.memory_space<smem>>
      memref.store %squeeze3A_549, %arg8[%swap3A_554] : memref<512xi32, #tpu.memory_space<smem>>
      %slice3A_556 = vector.extract_strided_slice %rem3A_390 {offsets = [10], sizes = [1], strides = [1]} : vector<16xi32> to vector<1xi32>
      %squeeze3A_557 = vector.extract %slice3A_556[0] : i32 from vector<1xi32>
      %mul3A_558 = arith.constant 16 : i32
      %mul3A_559 = arith.muli %scan3A_379, %mul3A_558 : i32
      %add3A_560 = arith.constant 10 : i32
      %add3A_561 = arith.addi %mul3A_559, %add3A_560 : i32
      %swap3A_562 = arith.index_cast %add3A_561 : i32 to index
      %swap3A_563 = memref.load %arg9[%swap3A_562] : memref<512xi32, #tpu.memory_space<smem>>
      memref.store %squeeze3A_557, %arg9[%swap3A_562] : memref<512xi32, #tpu.memory_space<smem>>
      %slice3A_564 = vector.extract_strided_slice %mul3A_388 {offsets = [11], sizes = [1], strides = [1]} : vector<16xi32> to vector<1xi32>
      %squeeze3A_565 = vector.extract %slice3A_564[0] : i32 from vector<1xi32>
      %mul3A_566 = arith.constant 16 : i32
      %mul3A_567 = arith.muli %scan3A_379, %mul3A_566 : i32
      %add3A_568 = arith.constant 11 : i32
      %add3A_569 = arith.addi %mul3A_567, %add3A_568 : i32
      %swap3A_570 = arith.index_cast %add3A_569 : i32 to index
      %swap3A_571 = memref.load %arg8[%swap3A_570] : memref<512xi32, #tpu.memory_space<smem>>
      memref.store %squeeze3A_565, %arg8[%swap3A_570] : memref<512xi32, #tpu.memory_space<smem>>
      %slice3A_572 = vector.extract_strided_slice %rem3A_390 {offsets = [11], sizes = [1], strides = [1]} : vector<16xi32> to vector<1xi32>
      %squeeze3A_573 = vector.extract %slice3A_572[0] : i32 from vector<1xi32>
      %mul3A_574 = arith.constant 16 : i32
      %mul3A_575 = arith.muli %scan3A_379, %mul3A_574 : i32
      %add3A_576 = arith.constant 11 : i32
      %add3A_577 = arith.addi %mul3A_575, %add3A_576 : i32
      %swap3A_578 = arith.index_cast %add3A_577 : i32 to index
      %swap3A_579 = memref.load %arg9[%swap3A_578] : memref<512xi32, #tpu.memory_space<smem>>
      memref.store %squeeze3A_573, %arg9[%swap3A_578] : memref<512xi32, #tpu.memory_space<smem>>
      %slice3A_580 = vector.extract_strided_slice %mul3A_388 {offsets = [12], sizes = [1], strides = [1]} : vector<16xi32> to vector<1xi32>
      %squeeze3A_581 = vector.extract %slice3A_580[0] : i32 from vector<1xi32>
      %mul3A_582 = arith.constant 16 : i32
      %mul3A_583 = arith.muli %scan3A_379, %mul3A_582 : i32
      %add3A_584 = arith.constant 12 : i32
      %add3A_585 = arith.addi %mul3A_583, %add3A_584 : i32
      %swap3A_586 = arith.index_cast %add3A_585 : i32 to index
      %swap3A_587 = memref.load %arg8[%swap3A_586] : memref<512xi32, #tpu.memory_space<smem>>
      memref.store %squeeze3A_581, %arg8[%swap3A_586] : memref<512xi32, #tpu.memory_space<smem>>
      %slice3A_588 = vector.extract_strided_slice %rem3A_390 {offsets = [12], sizes = [1], strides = [1]} : vector<16xi32> to vector<1xi32>
      %squeeze3A_589 = vector.extract %slice3A_588[0] : i32 from vector<1xi32>
      %mul3A_590 = arith.constant 16 : i32
      %mul3A_591 = arith.muli %scan3A_379, %mul3A_590 : i32
      %add3A_592 = arith.constant 12 : i32
      %add3A_593 = arith.addi %mul3A_591, %add3A_592 : i32
      %swap3A_594 = arith.index_cast %add3A_593 : i32 to index
      %swap3A_595 = memref.load %arg9[%swap3A_594] : memref<512xi32, #tpu.memory_space<smem>>
      memref.store %squeeze3A_589, %arg9[%swap3A_594] : memref<512xi32, #tpu.memory_space<smem>>
      %slice3A_596 = vector.extract_strided_slice %mul3A_388 {offsets = [13], sizes = [1], strides = [1]} : vector<16xi32> to vector<1xi32>
      %squeeze3A_597 = vector.extract %slice3A_596[0] : i32 from vector<1xi32>
      %mul3A_598 = arith.constant 16 : i32
      %mul3A_599 = arith.muli %scan3A_379, %mul3A_598 : i32
      %add3A_600 = arith.constant 13 : i32
      %add3A_601 = arith.addi %mul3A_599, %add3A_600 : i32
      %swap3A_602 = arith.index_cast %add3A_601 : i32 to index
      %swap3A_603 = memref.load %arg8[%swap3A_602] : memref<512xi32, #tpu.memory_space<smem>>
      memref.store %squeeze3A_597, %arg8[%swap3A_602] : memref<512xi32, #tpu.memory_space<smem>>
      %slice3A_604 = vector.extract_strided_slice %rem3A_390 {offsets = [13], sizes = [1], strides = [1]} : vector<16xi32> to vector<1xi32>
      %squeeze3A_605 = vector.extract %slice3A_604[0] : i32 from vector<1xi32>
      %mul3A_606 = arith.constant 16 : i32
      %mul3A_607 = arith.muli %scan3A_379, %mul3A_606 : i32
      %add3A_608 = arith.constant 13 : i32
      %add3A_609 = arith.addi %mul3A_607, %add3A_608 : i32
      %swap3A_610 = arith.index_cast %add3A_609 : i32 to index
      %swap3A_611 = memref.load %arg9[%swap3A_610] : memref<512xi32, #tpu.memory_space<smem>>
      memref.store %squeeze3A_605, %arg9[%swap3A_610] : memref<512xi32, #tpu.memory_space<smem>>
      %slice3A_612 = vector.extract_strided_slice %mul3A_388 {offsets = [14], sizes = [1], strides = [1]} : vector<16xi32> to vector<1xi32>
      %squeeze3A_613 = vector.extract %slice3A_612[0] : i32 from vector<1xi32>
      %mul3A_614 = arith.constant 16 : i32
      %mul3A_615 = arith.muli %scan3A_379, %mul3A_614 : i32
      %add3A_616 = arith.constant 14 : i32
      %add3A_617 = arith.addi %mul3A_615, %add3A_616 : i32
      %swap3A_618 = arith.index_cast %add3A_617 : i32 to index
      %swap3A_619 = memref.load %arg8[%swap3A_618] : memref<512xi32, #tpu.memory_space<smem>>
      memref.store %squeeze3A_613, %arg8[%swap3A_618] : memref<512xi32, #tpu.memory_space<smem>>
      %slice3A_620 = vector.extract_strided_slice %rem3A_390 {offsets = [14], sizes = [1], strides = [1]} : vector<16xi32> to vector<1xi32>
      %squeeze3A_621 = vector.extract %slice3A_620[0] : i32 from vector<1xi32>
      %mul3A_622 = arith.constant 16 : i32
      %mul3A_623 = arith.muli %scan3A_379, %mul3A_622 : i32
      %add3A_624 = arith.constant 14 : i32
      %add3A_625 = arith.addi %mul3A_623, %add3A_624 : i32
      %swap3A_626 = arith.index_cast %add3A_625 : i32 to index
      %swap3A_627 = memref.load %arg9[%swap3A_626] : memref<512xi32, #tpu.memory_space<smem>>
      memref.store %squeeze3A_621, %arg9[%swap3A_626] : memref<512xi32, #tpu.memory_space<smem>>
      %slice3A_628 = vector.extract_strided_slice %mul3A_388 {offsets = [15], sizes = [1], strides = [1]} : vector<16xi32> to vector<1xi32>
      %squeeze3A_629 = vector.extract %slice3A_628[0] : i32 from vector<1xi32>
      %mul3A_630 = arith.constant 16 : i32
      %mul3A_631 = arith.muli %scan3A_379, %mul3A_630 : i32
      %add3A_632 = arith.constant 15 : i32
      %add3A_633 = arith.addi %mul3A_631, %add3A_632 : i32
      %swap3A_634 = arith.index_cast %add3A_633 : i32 to index
      %swap3A_635 = memref.load %arg8[%swap3A_634] : memref<512xi32, #tpu.memory_space<smem>>
      memref.store %squeeze3A_629, %arg8[%swap3A_634] : memref<512xi32, #tpu.memory_space<smem>>
      %slice3A_636 = vector.extract_strided_slice %rem3A_390 {offsets = [15], sizes = [1], strides = [1]} : vector<16xi32> to vector<1xi32>
      %squeeze3A_637 = vector.extract %slice3A_636[0] : i32 from vector<1xi32>
      %mul3A_638 = arith.constant 16 : i32
      %mul3A_639 = arith.muli %scan3A_379, %mul3A_638 : i32
      %add3A_640 = arith.constant 15 : i32
      %add3A_641 = arith.addi %mul3A_639, %add3A_640 : i32
      %swap3A_642 = arith.index_cast %add3A_641 : i32 to index
      %swap3A_643 = memref.load %arg9[%swap3A_642] : memref<512xi32, #tpu.memory_space<smem>>
      memref.store %squeeze3A_637, %arg9[%swap3A_642] : memref<512xi32, #tpu.memory_space<smem>>
    }
    %scan3A_6 = arith.constant 32 : i32
    %scan3A_7 = arith.constant 0 : i32
    %scan3A_8 = arith.constant 46 : i32
    %scan3A_9 = arith.addi %scan3A_7, %scan3A_8 : i32
    %scan3A_10 = arith.constant 1 : i32
    scf.for %scan3A_379 = %scan3A_7 to %scan3A_9 step %scan3A_10  : i32 {
      %mul3A_380 = arith.constant 11 : i32
      %mul3A_381 = arith.muli %scan3A_379, %mul3A_380 : i32
      %add3A_382 = arith.constant 0 : i32
      %add3A_383 = arith.addi %mul3A_381, %add3A_382 : i32
      %get3A_384 = arith.index_cast %add3A_383 : i32 to index
      %get3A_385 = memref.load %arg8[%get3A_384] : memref<512xi32, #tpu.memory_space<smem>>
      %multiple_of3A_386 = tpu.assume_multiple %get3A_385, 128 : i32
      %dma_start3A_387 = arith.constant 0 : i32
      %dma_start3A_388 = arith.constant 0 : i32
      %dma_start3A_389 = arith.constant 0 : i32
      %dma_start3A_390 = tpu.memref_slice %arg6[%dma_start3A_387, %dma_start3A_388, %dma_start3A_389] : memref<11x64x128xf32, #tpu.memory_space<vmem>> -> memref<1x64x128xf32, #tpu.memory_space<vmem>>
      %dma_start3A_391 = tpu.memref_squeeze %dma_start3A_390 : memref<1x64x128xf32, #tpu.memory_space<vmem>> -> memref<64x128xf32, #tpu.memory_space<vmem>>
      %dma_start3A_392 = arith.constant 0 : i32
      %dma_start3A_393 = tpu.memref_slice %arg3[%dma_start3A_392, %multiple_of3A_386] : memref<64x1000000xf32, #tpu.memory_space<hbm>> -> memref<64x128xf32, #tpu.memory_space<hbm>>
      %dma_start3A_394 = arith.constant 0 : i32
      %dma_start3A_395 = arith.constant 0 : i32
      %dma_start3A_396 = tpu.memref_slice %arg6[%dma_start3A_387, %dma_start3A_394, %dma_start3A_395] : memref<11x64x128xf32, #tpu.memory_space<vmem>> -> memref<1x64x128xf32, #tpu.memory_space<vmem>>
      %dma_start3A_397 = tpu.memref_squeeze %dma_start3A_396 : memref<1x64x128xf32, #tpu.memory_space<vmem>> -> memref<64x128xf32, #tpu.memory_space<vmem>>
      %dma_start3A_398 = arith.constant 0 : i32
      %dma_start3A_399 = tpu.memref_slice %arg3[%dma_start3A_398, %multiple_of3A_386] : memref<64x1000000xf32, #tpu.memory_space<hbm>> -> memref<64x128xf32, #tpu.memory_space<hbm>>
      tpu.enqueue_dma source(%dma_start3A_399 : memref<64x128xf32, #tpu.memory_space<hbm>>) target(%dma_start3A_397 : memref<64x128xf32, #tpu.memory_space<vmem>>) target_semaphore(%arg10 : memref<!tpu.dma_semaphore, #tpu.memory_space<semaphore_mem>>)
      %add3A_400 = arith.constant 1 : i32
      %add3A_401 = arith.addi %mul3A_381, %add3A_400 : i32
      %get3A_402 = arith.index_cast %add3A_401 : i32 to index
      %get3A_403 = memref.load %arg8[%get3A_402] : memref<512xi32, #tpu.memory_space<smem>>
      %multiple_of3A_404 = tpu.assume_multiple %get3A_403, 128 : i32
      %dma_start3A_405 = arith.constant 1 : i32
      %dma_start3A_406 = arith.constant 0 : i32
      %dma_start3A_407 = arith.constant 0 : i32
      %dma_start3A_408 = tpu.memref_slice %arg6[%dma_start3A_405, %dma_start3A_406, %dma_start3A_407] : memref<11x64x128xf32, #tpu.memory_space<vmem>> -> memref<1x64x128xf32, #tpu.memory_space<vmem>>
      %dma_start3A_409 = tpu.memref_squeeze %dma_start3A_408 : memref<1x64x128xf32, #tpu.memory_space<vmem>> -> memref<64x128xf32, #tpu.memory_space<vmem>>
      %dma_start3A_410 = arith.constant 0 : i32
      %dma_start3A_411 = tpu.memref_slice %arg3[%dma_start3A_410, %multiple_of3A_404] : memref<64x1000000xf32, #tpu.memory_space<hbm>> -> memref<64x128xf32, #tpu.memory_space<hbm>>
      %dma_start3A_412 = arith.constant 0 : i32
      %dma_start3A_413 = arith.constant 0 : i32
      %dma_start3A_414 = tpu.memref_slice %arg6[%dma_start3A_405, %dma_start3A_412, %dma_start3A_413] : memref<11x64x128xf32, #tpu.memory_space<vmem>> -> memref<1x64x128xf32, #tpu.memory_space<vmem>>
      %dma_start3A_415 = tpu.memref_squeeze %dma_start3A_414 : memref<1x64x128xf32, #tpu.memory_space<vmem>> -> memref<64x128xf32, #tpu.memory_space<vmem>>
      %dma_start3A_416 = arith.constant 0 : i32
      %dma_start3A_417 = tpu.memref_slice %arg3[%dma_start3A_416, %multiple_of3A_404] : memref<64x1000000xf32, #tpu.memory_space<hbm>> -> memref<64x128xf32, #tpu.memory_space<hbm>>
      tpu.enqueue_dma source(%dma_start3A_417 : memref<64x128xf32, #tpu.memory_space<hbm>>) target(%dma_start3A_415 : memref<64x128xf32, #tpu.memory_space<vmem>>) target_semaphore(%arg10 : memref<!tpu.dma_semaphore, #tpu.memory_space<semaphore_mem>>)
      %add3A_418 = arith.constant 2 : i32
      %add3A_419 = arith.addi %mul3A_381, %add3A_418 : i32
      %get3A_420 = arith.index_cast %add3A_419 : i32 to index
      %get3A_421 = memref.load %arg8[%get3A_420] : memref<512xi32, #tpu.memory_space<smem>>
      %multiple_of3A_422 = tpu.assume_multiple %get3A_421, 128 : i32
      %dma_start3A_423 = arith.constant 2 : i32
      %dma_start3A_424 = arith.constant 0 : i32
      %dma_start3A_425 = arith.constant 0 : i32
      %dma_start3A_426 = tpu.memref_slice %arg6[%dma_start3A_423, %dma_start3A_424, %dma_start3A_425] : memref<11x64x128xf32, #tpu.memory_space<vmem>> -> memref<1x64x128xf32, #tpu.memory_space<vmem>>
      %dma_start3A_427 = tpu.memref_squeeze %dma_start3A_426 : memref<1x64x128xf32, #tpu.memory_space<vmem>> -> memref<64x128xf32, #tpu.memory_space<vmem>>
      %dma_start3A_428 = arith.constant 0 : i32
      %dma_start3A_429 = tpu.memref_slice %arg3[%dma_start3A_428, %multiple_of3A_422] : memref<64x1000000xf32, #tpu.memory_space<hbm>> -> memref<64x128xf32, #tpu.memory_space<hbm>>
      %dma_start3A_430 = arith.constant 0 : i32
      %dma_start3A_431 = arith.constant 0 : i32
      %dma_start3A_432 = tpu.memref_slice %arg6[%dma_start3A_423, %dma_start3A_430, %dma_start3A_431] : memref<11x64x128xf32, #tpu.memory_space<vmem>> -> memref<1x64x128xf32, #tpu.memory_space<vmem>>
      %dma_start3A_433 = tpu.memref_squeeze %dma_start3A_432 : memref<1x64x128xf32, #tpu.memory_space<vmem>> -> memref<64x128xf32, #tpu.memory_space<vmem>>
      %dma_start3A_434 = arith.constant 0 : i32
      %dma_start3A_435 = tpu.memref_slice %arg3[%dma_start3A_434, %multiple_of3A_422] : memref<64x1000000xf32, #tpu.memory_space<hbm>> -> memref<64x128xf32, #tpu.memory_space<hbm>>
      tpu.enqueue_dma source(%dma_start3A_435 : memref<64x128xf32, #tpu.memory_space<hbm>>) target(%dma_start3A_433 : memref<64x128xf32, #tpu.memory_space<vmem>>) target_semaphore(%arg10 : memref<!tpu.dma_semaphore, #tpu.memory_space<semaphore_mem>>)
      %add3A_436 = arith.constant 3 : i32
      %add3A_437 = arith.addi %mul3A_381, %add3A_436 : i32
      %get3A_438 = arith.index_cast %add3A_437 : i32 to index
      %get3A_439 = memref.load %arg8[%get3A_438] : memref<512xi32, #tpu.memory_space<smem>>
      %multiple_of3A_440 = tpu.assume_multiple %get3A_439, 128 : i32
      %dma_start3A_441 = arith.constant 3 : i32
      %dma_start3A_442 = arith.constant 0 : i32
      %dma_start3A_443 = arith.constant 0 : i32
      %dma_start3A_444 = tpu.memref_slice %arg6[%dma_start3A_441, %dma_start3A_442, %dma_start3A_443] : memref<11x64x128xf32, #tpu.memory_space<vmem>> -> memref<1x64x128xf32, #tpu.memory_space<vmem>>
      %dma_start3A_445 = tpu.memref_squeeze %dma_start3A_444 : memref<1x64x128xf32, #tpu.memory_space<vmem>> -> memref<64x128xf32, #tpu.memory_space<vmem>>
      %dma_start3A_446 = arith.constant 0 : i32
      %dma_start3A_447 = tpu.memref_slice %arg3[%dma_start3A_446, %multiple_of3A_440] : memref<64x1000000xf32, #tpu.memory_space<hbm>> -> memref<64x128xf32, #tpu.memory_space<hbm>>
      %dma_start3A_448 = arith.constant 0 : i32
      %dma_start3A_449 = arith.constant 0 : i32
      %dma_start3A_450 = tpu.memref_slice %arg6[%dma_start3A_441, %dma_start3A_448, %dma_start3A_449] : memref<11x64x128xf32, #tpu.memory_space<vmem>> -> memref<1x64x128xf32, #tpu.memory_space<vmem>>
      %dma_start3A_451 = tpu.memref_squeeze %dma_start3A_450 : memref<1x64x128xf32, #tpu.memory_space<vmem>> -> memref<64x128xf32, #tpu.memory_space<vmem>>
      %dma_start3A_452 = arith.constant 0 : i32
      %dma_start3A_453 = tpu.memref_slice %arg3[%dma_start3A_452, %multiple_of3A_440] : memref<64x1000000xf32, #tpu.memory_space<hbm>> -> memref<64x128xf32, #tpu.memory_space<hbm>>
      tpu.enqueue_dma source(%dma_start3A_453 : memref<64x128xf32, #tpu.memory_space<hbm>>) target(%dma_start3A_451 : memref<64x128xf32, #tpu.memory_space<vmem>>) target_semaphore(%arg10 : memref<!tpu.dma_semaphore, #tpu.memory_space<semaphore_mem>>)
      %add3A_454 = arith.constant 4 : i32
      %add3A_455 = arith.addi %mul3A_381, %add3A_454 : i32
      %get3A_456 = arith.index_cast %add3A_455 : i32 to index
      %get3A_457 = memref.load %arg8[%get3A_456] : memref<512xi32, #tpu.memory_space<smem>>
      %multiple_of3A_458 = tpu.assume_multiple %get3A_457, 128 : i32
      %dma_start3A_459 = arith.constant 4 : i32
      %dma_start3A_460 = arith.constant 0 : i32
      %dma_start3A_461 = arith.constant 0 : i32
      %dma_start3A_462 = tpu.memref_slice %arg6[%dma_start3A_459, %dma_start3A_460, %dma_start3A_461] : memref<11x64x128xf32, #tpu.memory_space<vmem>> -> memref<1x64x128xf32, #tpu.memory_space<vmem>>
      %dma_start3A_463 = tpu.memref_squeeze %dma_start3A_462 : memref<1x64x128xf32, #tpu.memory_space<vmem>> -> memref<64x128xf32, #tpu.memory_space<vmem>>
      %dma_start3A_464 = arith.constant 0 : i32
      %dma_start3A_465 = tpu.memref_slice %arg3[%dma_start3A_464, %multiple_of3A_458] : memref<64x1000000xf32, #tpu.memory_space<hbm>> -> memref<64x128xf32, #tpu.memory_space<hbm>>
      %dma_start3A_466 = arith.constant 0 : i32
      %dma_start3A_467 = arith.constant 0 : i32
      %dma_start3A_468 = tpu.memref_slice %arg6[%dma_start3A_459, %dma_start3A_466, %dma_start3A_467] : memref<11x64x128xf32, #tpu.memory_space<vmem>> -> memref<1x64x128xf32, #tpu.memory_space<vmem>>
      %dma_start3A_469 = tpu.memref_squeeze %dma_start3A_468 : memref<1x64x128xf32, #tpu.memory_space<vmem>> -> memref<64x128xf32, #tpu.memory_space<vmem>>
      %dma_start3A_470 = arith.constant 0 : i32
      %dma_start3A_471 = tpu.memref_slice %arg3[%dma_start3A_470, %multiple_of3A_458] : memref<64x1000000xf32, #tpu.memory_space<hbm>> -> memref<64x128xf32, #tpu.memory_space<hbm>>
      tpu.enqueue_dma source(%dma_start3A_471 : memref<64x128xf32, #tpu.memory_space<hbm>>) target(%dma_start3A_469 : memref<64x128xf32, #tpu.memory_space<vmem>>) target_semaphore(%arg10 : memref<!tpu.dma_semaphore, #tpu.memory_space<semaphore_mem>>)
      %add3A_472 = arith.constant 5 : i32
      %add3A_473 = arith.addi %mul3A_381, %add3A_472 : i32
      %get3A_474 = arith.index_cast %add3A_473 : i32 to index
      %get3A_475 = memref.load %arg8[%get3A_474] : memref<512xi32, #tpu.memory_space<smem>>
      %multiple_of3A_476 = tpu.assume_multiple %get3A_475, 128 : i32
      %dma_start3A_477 = arith.constant 5 : i32
      %dma_start3A_478 = arith.constant 0 : i32
      %dma_start3A_479 = arith.constant 0 : i32
      %dma_start3A_480 = tpu.memref_slice %arg6[%dma_start3A_477, %dma_start3A_478, %dma_start3A_479] : memref<11x64x128xf32, #tpu.memory_space<vmem>> -> memref<1x64x128xf32, #tpu.memory_space<vmem>>
      %dma_start3A_481 = tpu.memref_squeeze %dma_start3A_480 : memref<1x64x128xf32, #tpu.memory_space<vmem>> -> memref<64x128xf32, #tpu.memory_space<vmem>>
      %dma_start3A_482 = arith.constant 0 : i32
      %dma_start3A_483 = tpu.memref_slice %arg3[%dma_start3A_482, %multiple_of3A_476] : memref<64x1000000xf32, #tpu.memory_space<hbm>> -> memref<64x128xf32, #tpu.memory_space<hbm>>
      %dma_start3A_484 = arith.constant 0 : i32
      %dma_start3A_485 = arith.constant 0 : i32
      %dma_start3A_486 = tpu.memref_slice %arg6[%dma_start3A_477, %dma_start3A_484, %dma_start3A_485] : memref<11x64x128xf32, #tpu.memory_space<vmem>> -> memref<1x64x128xf32, #tpu.memory_space<vmem>>
      %dma_start3A_487 = tpu.memref_squeeze %dma_start3A_486 : memref<1x64x128xf32, #tpu.memory_space<vmem>> -> memref<64x128xf32, #tpu.memory_space<vmem>>
      %dma_start3A_488 = arith.constant 0 : i32
      %dma_start3A_489 = tpu.memref_slice %arg3[%dma_start3A_488, %multiple_of3A_476] : memref<64x1000000xf32, #tpu.memory_space<hbm>> -> memref<64x128xf32, #tpu.memory_space<hbm>>
      tpu.enqueue_dma source(%dma_start3A_489 : memref<64x128xf32, #tpu.memory_space<hbm>>) target(%dma_start3A_487 : memref<64x128xf32, #tpu.memory_space<vmem>>) target_semaphore(%arg10 : memref<!tpu.dma_semaphore, #tpu.memory_space<semaphore_mem>>)
      %add3A_490 = arith.constant 6 : i32
      %add3A_491 = arith.addi %mul3A_381, %add3A_490 : i32
      %get3A_492 = arith.index_cast %add3A_491 : i32 to index
      %get3A_493 = memref.load %arg8[%get3A_492] : memref<512xi32, #tpu.memory_space<smem>>
      %multiple_of3A_494 = tpu.assume_multiple %get3A_493, 128 : i32
      %dma_start3A_495 = arith.constant 6 : i32
      %dma_start3A_496 = arith.constant 0 : i32
      %dma_start3A_497 = arith.constant 0 : i32
      %dma_start3A_498 = tpu.memref_slice %arg6[%dma_start3A_495, %dma_start3A_496, %dma_start3A_497] : memref<11x64x128xf32, #tpu.memory_space<vmem>> -> memref<1x64x128xf32, #tpu.memory_space<vmem>>
      %dma_start3A_499 = tpu.memref_squeeze %dma_start3A_498 : memref<1x64x128xf32, #tpu.memory_space<vmem>> -> memref<64x128xf32, #tpu.memory_space<vmem>>
      %dma_start3A_500 = arith.constant 0 : i32
      %dma_start3A_501 = tpu.memref_slice %arg3[%dma_start3A_500, %multiple_of3A_494] : memref<64x1000000xf32, #tpu.memory_space<hbm>> -> memref<64x128xf32, #tpu.memory_space<hbm>>
      %dma_start3A_502 = arith.constant 0 : i32
      %dma_start3A_503 = arith.constant 0 : i32
      %dma_start3A_504 = tpu.memref_slice %arg6[%dma_start3A_495, %dma_start3A_502, %dma_start3A_503] : memref<11x64x128xf32, #tpu.memory_space<vmem>> -> memref<1x64x128xf32, #tpu.memory_space<vmem>>
      %dma_start3A_505 = tpu.memref_squeeze %dma_start3A_504 : memref<1x64x128xf32, #tpu.memory_space<vmem>> -> memref<64x128xf32, #tpu.memory_space<vmem>>
      %dma_start3A_506 = arith.constant 0 : i32
      %dma_start3A_507 = tpu.memref_slice %arg3[%dma_start3A_506, %multiple_of3A_494] : memref<64x1000000xf32, #tpu.memory_space<hbm>> -> memref<64x128xf32, #tpu.memory_space<hbm>>
      tpu.enqueue_dma source(%dma_start3A_507 : memref<64x128xf32, #tpu.memory_space<hbm>>) target(%dma_start3A_505 : memref<64x128xf32, #tpu.memory_space<vmem>>) target_semaphore(%arg10 : memref<!tpu.dma_semaphore, #tpu.memory_space<semaphore_mem>>)
      %add3A_508 = arith.constant 7 : i32
      %add3A_509 = arith.addi %mul3A_381, %add3A_508 : i32
      %get3A_510 = arith.index_cast %add3A_509 : i32 to index
      %get3A_511 = memref.load %arg8[%get3A_510] : memref<512xi32, #tpu.memory_space<smem>>
      %multiple_of3A_512 = tpu.assume_multiple %get3A_511, 128 : i32
      %dma_start3A_513 = arith.constant 7 : i32
      %dma_start3A_514 = arith.constant 0 : i32
      %dma_start3A_515 = arith.constant 0 : i32
      %dma_start3A_516 = tpu.memref_slice %arg6[%dma_start3A_513, %dma_start3A_514, %dma_start3A_515] : memref<11x64x128xf32, #tpu.memory_space<vmem>> -> memref<1x64x128xf32, #tpu.memory_space<vmem>>
      %dma_start3A_517 = tpu.memref_squeeze %dma_start3A_516 : memref<1x64x128xf32, #tpu.memory_space<vmem>> -> memref<64x128xf32, #tpu.memory_space<vmem>>
      %dma_start3A_518 = arith.constant 0 : i32
      %dma_start3A_519 = tpu.memref_slice %arg3[%dma_start3A_518, %multiple_of3A_512] : memref<64x1000000xf32, #tpu.memory_space<hbm>> -> memref<64x128xf32, #tpu.memory_space<hbm>>
      %dma_start3A_520 = arith.constant 0 : i32
      %dma_start3A_521 = arith.constant 0 : i32
      %dma_start3A_522 = tpu.memref_slice %arg6[%dma_start3A_513, %dma_start3A_520, %dma_start3A_521] : memref<11x64x128xf32, #tpu.memory_space<vmem>> -> memref<1x64x128xf32, #tpu.memory_space<vmem>>
      %dma_start3A_523 = tpu.memref_squeeze %dma_start3A_522 : memref<1x64x128xf32, #tpu.memory_space<vmem>> -> memref<64x128xf32, #tpu.memory_space<vmem>>
      %dma_start3A_524 = arith.constant 0 : i32
      %dma_start3A_525 = tpu.memref_slice %arg3[%dma_start3A_524, %multiple_of3A_512] : memref<64x1000000xf32, #tpu.memory_space<hbm>> -> memref<64x128xf32, #tpu.memory_space<hbm>>
      tpu.enqueue_dma source(%dma_start3A_525 : memref<64x128xf32, #tpu.memory_space<hbm>>) target(%dma_start3A_523 : memref<64x128xf32, #tpu.memory_space<vmem>>) target_semaphore(%arg10 : memref<!tpu.dma_semaphore, #tpu.memory_space<semaphore_mem>>)
      %add3A_526 = arith.constant 8 : i32
      %add3A_527 = arith.addi %mul3A_381, %add3A_526 : i32
      %get3A_528 = arith.index_cast %add3A_527 : i32 to index
      %get3A_529 = memref.load %arg8[%get3A_528] : memref<512xi32, #tpu.memory_space<smem>>
      %multiple_of3A_530 = tpu.assume_multiple %get3A_529, 128 : i32
      %dma_start3A_531 = arith.constant 8 : i32
      %dma_start3A_532 = arith.constant 0 : i32
      %dma_start3A_533 = arith.constant 0 : i32
      %dma_start3A_534 = tpu.memref_slice %arg6[%dma_start3A_531, %dma_start3A_532, %dma_start3A_533] : memref<11x64x128xf32, #tpu.memory_space<vmem>> -> memref<1x64x128xf32, #tpu.memory_space<vmem>>
      %dma_start3A_535 = tpu.memref_squeeze %dma_start3A_534 : memref<1x64x128xf32, #tpu.memory_space<vmem>> -> memref<64x128xf32, #tpu.memory_space<vmem>>
      %dma_start3A_536 = arith.constant 0 : i32
      %dma_start3A_537 = tpu.memref_slice %arg3[%dma_start3A_536, %multiple_of3A_530] : memref<64x1000000xf32, #tpu.memory_space<hbm>> -> memref<64x128xf32, #tpu.memory_space<hbm>>
      %dma_start3A_538 = arith.constant 0 : i32
      %dma_start3A_539 = arith.constant 0 : i32
      %dma_start3A_540 = tpu.memref_slice %arg6[%dma_start3A_531, %dma_start3A_538, %dma_start3A_539] : memref<11x64x128xf32, #tpu.memory_space<vmem>> -> memref<1x64x128xf32, #tpu.memory_space<vmem>>
      %dma_start3A_541 = tpu.memref_squeeze %dma_start3A_540 : memref<1x64x128xf32, #tpu.memory_space<vmem>> -> memref<64x128xf32, #tpu.memory_space<vmem>>
      %dma_start3A_542 = arith.constant 0 : i32
      %dma_start3A_543 = tpu.memref_slice %arg3[%dma_start3A_542, %multiple_of3A_530] : memref<64x1000000xf32, #tpu.memory_space<hbm>> -> memref<64x128xf32, #tpu.memory_space<hbm>>
      tpu.enqueue_dma source(%dma_start3A_543 : memref<64x128xf32, #tpu.memory_space<hbm>>) target(%dma_start3A_541 : memref<64x128xf32, #tpu.memory_space<vmem>>) target_semaphore(%arg10 : memref<!tpu.dma_semaphore, #tpu.memory_space<semaphore_mem>>)
      %add3A_544 = arith.constant 9 : i32
      %add3A_545 = arith.addi %mul3A_381, %add3A_544 : i32
      %get3A_546 = arith.index_cast %add3A_545 : i32 to index
      %get3A_547 = memref.load %arg8[%get3A_546] : memref<512xi32, #tpu.memory_space<smem>>
      %multiple_of3A_548 = tpu.assume_multiple %get3A_547, 128 : i32
      %dma_start3A_549 = arith.constant 9 : i32
      %dma_start3A_550 = arith.constant 0 : i32
      %dma_start3A_551 = arith.constant 0 : i32
      %dma_start3A_552 = tpu.memref_slice %arg6[%dma_start3A_549, %dma_start3A_550, %dma_start3A_551] : memref<11x64x128xf32, #tpu.memory_space<vmem>> -> memref<1x64x128xf32, #tpu.memory_space<vmem>>
      %dma_start3A_553 = tpu.memref_squeeze %dma_start3A_552 : memref<1x64x128xf32, #tpu.memory_space<vmem>> -> memref<64x128xf32, #tpu.memory_space<vmem>>
      %dma_start3A_554 = arith.constant 0 : i32
      %dma_start3A_555 = tpu.memref_slice %arg3[%dma_start3A_554, %multiple_of3A_548] : memref<64x1000000xf32, #tpu.memory_space<hbm>> -> memref<64x128xf32, #tpu.memory_space<hbm>>
      %dma_start3A_556 = arith.constant 0 : i32
      %dma_start3A_557 = arith.constant 0 : i32
      %dma_start3A_558 = tpu.memref_slice %arg6[%dma_start3A_549, %dma_start3A_556, %dma_start3A_557] : memref<11x64x128xf32, #tpu.memory_space<vmem>> -> memref<1x64x128xf32, #tpu.memory_space<vmem>>
      %dma_start3A_559 = tpu.memref_squeeze %dma_start3A_558 : memref<1x64x128xf32, #tpu.memory_space<vmem>> -> memref<64x128xf32, #tpu.memory_space<vmem>>
      %dma_start3A_560 = arith.constant 0 : i32
      %dma_start3A_561 = tpu.memref_slice %arg3[%dma_start3A_560, %multiple_of3A_548] : memref<64x1000000xf32, #tpu.memory_space<hbm>> -> memref<64x128xf32, #tpu.memory_space<hbm>>
      tpu.enqueue_dma source(%dma_start3A_561 : memref<64x128xf32, #tpu.memory_space<hbm>>) target(%dma_start3A_559 : memref<64x128xf32, #tpu.memory_space<vmem>>) target_semaphore(%arg10 : memref<!tpu.dma_semaphore, #tpu.memory_space<semaphore_mem>>)
      %add3A_562 = arith.constant 10 : i32
      %add3A_563 = arith.addi %mul3A_381, %add3A_562 : i32
      %get3A_564 = arith.index_cast %add3A_563 : i32 to index
      %get3A_565 = memref.load %arg8[%get3A_564] : memref<512xi32, #tpu.memory_space<smem>>
      %multiple_of3A_566 = tpu.assume_multiple %get3A_565, 128 : i32
      %dma_start3A_567 = arith.constant 10 : i32
      %dma_start3A_568 = arith.constant 0 : i32
      %dma_start3A_569 = arith.constant 0 : i32
      %dma_start3A_570 = tpu.memref_slice %arg6[%dma_start3A_567, %dma_start3A_568, %dma_start3A_569] : memref<11x64x128xf32, #tpu.memory_space<vmem>> -> memref<1x64x128xf32, #tpu.memory_space<vmem>>
      %dma_start3A_571 = tpu.memref_squeeze %dma_start3A_570 : memref<1x64x128xf32, #tpu.memory_space<vmem>> -> memref<64x128xf32, #tpu.memory_space<vmem>>
      %dma_start3A_572 = arith.constant 0 : i32
      %dma_start3A_573 = tpu.memref_slice %arg3[%dma_start3A_572, %multiple_of3A_566] : memref<64x1000000xf32, #tpu.memory_space<hbm>> -> memref<64x128xf32, #tpu.memory_space<hbm>>
      %dma_start3A_574 = arith.constant 0 : i32
      %dma_start3A_575 = arith.constant 0 : i32
      %dma_start3A_576 = tpu.memref_slice %arg6[%dma_start3A_567, %dma_start3A_574, %dma_start3A_575] : memref<11x64x128xf32, #tpu.memory_space<vmem>> -> memref<1x64x128xf32, #tpu.memory_space<vmem>>
      %dma_start3A_577 = tpu.memref_squeeze %dma_start3A_576 : memref<1x64x128xf32, #tpu.memory_space<vmem>> -> memref<64x128xf32, #tpu.memory_space<vmem>>
      %dma_start3A_578 = arith.constant 0 : i32
      %dma_start3A_579 = tpu.memref_slice %arg3[%dma_start3A_578, %multiple_of3A_566] : memref<64x1000000xf32, #tpu.memory_space<hbm>> -> memref<64x128xf32, #tpu.memory_space<hbm>>
      tpu.enqueue_dma source(%dma_start3A_579 : memref<64x128xf32, #tpu.memory_space<hbm>>) target(%dma_start3A_577 : memref<64x128xf32, #tpu.memory_space<vmem>>) target_semaphore(%arg10 : memref<!tpu.dma_semaphore, #tpu.memory_space<semaphore_mem>>)
      %dma_wait3A_580 = arith.constant 0 : i32
      %dma_wait3A_581 = arith.constant 0 : i32
      %dma_wait3A_582 = arith.constant 0 : i32
      %dma_wait3A_583 = tpu.memref_slice %arg6[%dma_wait3A_580, %dma_wait3A_581, %dma_wait3A_582] : memref<11x64x128xf32, #tpu.memory_space<vmem>> -> memref<1x64x128xf32, #tpu.memory_space<vmem>>
      %dma_wait3A_584 = tpu.memref_squeeze %dma_wait3A_583 : memref<1x64x128xf32, #tpu.memory_space<vmem>> -> memref<64x128xf32, #tpu.memory_space<vmem>>
      %dma_wait3A_585 = arith.constant 0 : i32
      %dma_wait3A_586 = arith.constant 0 : i32
      %dma_wait3A_587 = tpu.memref_slice %arg3[%dma_wait3A_585, %dma_wait3A_586] : memref<64x1000000xf32, #tpu.memory_space<hbm>> -> memref<64x128xf32, #tpu.memory_space<hbm>>
      %dma_wait3A_588 = arith.constant 0 : i32
      %dma_wait3A_589 = arith.constant 0 : i32
      %dma_wait3A_590 = tpu.memref_slice %arg6[%dma_wait3A_580, %dma_wait3A_588, %dma_wait3A_589] : memref<11x64x128xf32, #tpu.memory_space<vmem>> -> memref<1x64x128xf32, #tpu.memory_space<vmem>>
      %dma_wait3A_591 = tpu.memref_squeeze %dma_wait3A_590 : memref<1x64x128xf32, #tpu.memory_space<vmem>> -> memref<64x128xf32, #tpu.memory_space<vmem>>
      %dma_wait3A_592 = arith.constant 0 : i32
      %dma_wait3A_593 = arith.constant 0 : i32
      %dma_wait3A_594 = tpu.memref_slice %arg3[%dma_wait3A_592, %dma_wait3A_593] : memref<64x1000000xf32, #tpu.memory_space<hbm>> -> memref<64x128xf32, #tpu.memory_space<hbm>>
      tpu.wait_dma2 semaphore(%arg10 : memref<!tpu.dma_semaphore, #tpu.memory_space<semaphore_mem>>) src(%dma_wait3A_594 : memref<64x128xf32, #tpu.memory_space<hbm>>) dst(%dma_wait3A_591 : memref<64x128xf32, #tpu.memory_space<vmem>>)
      %dma_wait3A_595 = arith.constant 1 : i32
      %dma_wait3A_596 = arith.constant 0 : i32
      %dma_wait3A_597 = arith.constant 0 : i32
      %dma_wait3A_598 = tpu.memref_slice %arg6[%dma_wait3A_595, %dma_wait3A_596, %dma_wait3A_597] : memref<11x64x128xf32, #tpu.memory_space<vmem>> -> memref<1x64x128xf32, #tpu.memory_space<vmem>>
      %dma_wait3A_599 = tpu.memref_squeeze %dma_wait3A_598 : memref<1x64x128xf32, #tpu.memory_space<vmem>> -> memref<64x128xf32, #tpu.memory_space<vmem>>
      %dma_wait3A_600 = arith.constant 0 : i32
      %dma_wait3A_601 = arith.constant 0 : i32
      %dma_wait3A_602 = tpu.memref_slice %arg3[%dma_wait3A_600, %dma_wait3A_601] : memref<64x1000000xf32, #tpu.memory_space<hbm>> -> memref<64x128xf32, #tpu.memory_space<hbm>>
      %dma_wait3A_603 = arith.constant 0 : i32
      %dma_wait3A_604 = arith.constant 0 : i32
      %dma_wait3A_605 = tpu.memref_slice %arg6[%dma_wait3A_595, %dma_wait3A_603, %dma_wait3A_604] : memref<11x64x128xf32, #tpu.memory_space<vmem>> -> memref<1x64x128xf32, #tpu.memory_space<vmem>>
      %dma_wait3A_606 = tpu.memref_squeeze %dma_wait3A_605 : memref<1x64x128xf32, #tpu.memory_space<vmem>> -> memref<64x128xf32, #tpu.memory_space<vmem>>
      %dma_wait3A_607 = arith.constant 0 : i32
      %dma_wait3A_608 = arith.constant 0 : i32
      %dma_wait3A_609 = tpu.memref_slice %arg3[%dma_wait3A_607, %dma_wait3A_608] : memref<64x1000000xf32, #tpu.memory_space<hbm>> -> memref<64x128xf32, #tpu.memory_space<hbm>>
      tpu.wait_dma2 semaphore(%arg10 : memref<!tpu.dma_semaphore, #tpu.memory_space<semaphore_mem>>) src(%dma_wait3A_609 : memref<64x128xf32, #tpu.memory_space<hbm>>) dst(%dma_wait3A_606 : memref<64x128xf32, #tpu.memory_space<vmem>>)
      %dma_wait3A_610 = arith.constant 2 : i32
      %dma_wait3A_611 = arith.constant 0 : i32
      %dma_wait3A_612 = arith.constant 0 : i32
      %dma_wait3A_613 = tpu.memref_slice %arg6[%dma_wait3A_610, %dma_wait3A_611, %dma_wait3A_612] : memref<11x64x128xf32, #tpu.memory_space<vmem>> -> memref<1x64x128xf32, #tpu.memory_space<vmem>>
      %dma_wait3A_614 = tpu.memref_squeeze %dma_wait3A_613 : memref<1x64x128xf32, #tpu.memory_space<vmem>> -> memref<64x128xf32, #tpu.memory_space<vmem>>
      %dma_wait3A_615 = arith.constant 0 : i32
      %dma_wait3A_616 = arith.constant 0 : i32
      %dma_wait3A_617 = tpu.memref_slice %arg3[%dma_wait3A_615, %dma_wait3A_616] : memref<64x1000000xf32, #tpu.memory_space<hbm>> -> memref<64x128xf32, #tpu.memory_space<hbm>>
      %dma_wait3A_618 = arith.constant 0 : i32
      %dma_wait3A_619 = arith.constant 0 : i32
      %dma_wait3A_620 = tpu.memref_slice %arg6[%dma_wait3A_610, %dma_wait3A_618, %dma_wait3A_619] : memref<11x64x128xf32, #tpu.memory_space<vmem>> -> memref<1x64x128xf32, #tpu.memory_space<vmem>>
      %dma_wait3A_621 = tpu.memref_squeeze %dma_wait3A_620 : memref<1x64x128xf32, #tpu.memory_space<vmem>> -> memref<64x128xf32, #tpu.memory_space<vmem>>
      %dma_wait3A_622 = arith.constant 0 : i32
      %dma_wait3A_623 = arith.constant 0 : i32
      %dma_wait3A_624 = tpu.memref_slice %arg3[%dma_wait3A_622, %dma_wait3A_623] : memref<64x1000000xf32, #tpu.memory_space<hbm>> -> memref<64x128xf32, #tpu.memory_space<hbm>>
      tpu.wait_dma2 semaphore(%arg10 : memref<!tpu.dma_semaphore, #tpu.memory_space<semaphore_mem>>) src(%dma_wait3A_624 : memref<64x128xf32, #tpu.memory_space<hbm>>) dst(%dma_wait3A_621 : memref<64x128xf32, #tpu.memory_space<vmem>>)
      %dma_wait3A_625 = arith.constant 3 : i32
      %dma_wait3A_626 = arith.constant 0 : i32
      %dma_wait3A_627 = arith.constant 0 : i32
      %dma_wait3A_628 = tpu.memref_slice %arg6[%dma_wait3A_625, %dma_wait3A_626, %dma_wait3A_627] : memref<11x64x128xf32, #tpu.memory_space<vmem>> -> memref<1x64x128xf32, #tpu.memory_space<vmem>>
      %dma_wait3A_629 = tpu.memref_squeeze %dma_wait3A_628 : memref<1x64x128xf32, #tpu.memory_space<vmem>> -> memref<64x128xf32, #tpu.memory_space<vmem>>
      %dma_wait3A_630 = arith.constant 0 : i32
      %dma_wait3A_631 = arith.constant 0 : i32
      %dma_wait3A_632 = tpu.memref_slice %arg3[%dma_wait3A_630, %dma_wait3A_631] : memref<64x1000000xf32, #tpu.memory_space<hbm>> -> memref<64x128xf32, #tpu.memory_space<hbm>>
      %dma_wait3A_633 = arith.constant 0 : i32
      %dma_wait3A_634 = arith.constant 0 : i32
      %dma_wait3A_635 = tpu.memref_slice %arg6[%dma_wait3A_625, %dma_wait3A_633, %dma_wait3A_634] : memref<11x64x128xf32, #tpu.memory_space<vmem>> -> memref<1x64x128xf32, #tpu.memory_space<vmem>>
      %dma_wait3A_636 = tpu.memref_squeeze %dma_wait3A_635 : memref<1x64x128xf32, #tpu.memory_space<vmem>> -> memref<64x128xf32, #tpu.memory_space<vmem>>
      %dma_wait3A_637 = arith.constant 0 : i32
      %dma_wait3A_638 = arith.constant 0 : i32
      %dma_wait3A_639 = tpu.memref_slice %arg3[%dma_wait3A_637, %dma_wait3A_638] : memref<64x1000000xf32, #tpu.memory_space<hbm>> -> memref<64x128xf32, #tpu.memory_space<hbm>>
      tpu.wait_dma2 semaphore(%arg10 : memref<!tpu.dma_semaphore, #tpu.memory_space<semaphore_mem>>) src(%dma_wait3A_639 : memref<64x128xf32, #tpu.memory_space<hbm>>) dst(%dma_wait3A_636 : memref<64x128xf32, #tpu.memory_space<vmem>>)
      %dma_wait3A_640 = arith.constant 4 : i32
      %dma_wait3A_641 = arith.constant 0 : i32
      %dma_wait3A_642 = arith.constant 0 : i32
      %dma_wait3A_643 = tpu.memref_slice %arg6[%dma_wait3A_640, %dma_wait3A_641, %dma_wait3A_642] : memref<11x64x128xf32, #tpu.memory_space<vmem>> -> memref<1x64x128xf32, #tpu.memory_space<vmem>>
      %dma_wait3A_644 = tpu.memref_squeeze %dma_wait3A_643 : memref<1x64x128xf32, #tpu.memory_space<vmem>> -> memref<64x128xf32, #tpu.memory_space<vmem>>
      %dma_wait3A_645 = arith.constant 0 : i32
      %dma_wait3A_646 = arith.constant 0 : i32
      %dma_wait3A_647 = tpu.memref_slice %arg3[%dma_wait3A_645, %dma_wait3A_646] : memref<64x1000000xf32, #tpu.memory_space<hbm>> -> memref<64x128xf32, #tpu.memory_space<hbm>>
      %dma_wait3A_648 = arith.constant 0 : i32
      %dma_wait3A_649 = arith.constant 0 : i32
      %dma_wait3A_650 = tpu.memref_slice %arg6[%dma_wait3A_640, %dma_wait3A_648, %dma_wait3A_649] : memref<11x64x128xf32, #tpu.memory_space<vmem>> -> memref<1x64x128xf32, #tpu.memory_space<vmem>>
      %dma_wait3A_651 = tpu.memref_squeeze %dma_wait3A_650 : memref<1x64x128xf32, #tpu.memory_space<vmem>> -> memref<64x128xf32, #tpu.memory_space<vmem>>
      %dma_wait3A_652 = arith.constant 0 : i32
      %dma_wait3A_653 = arith.constant 0 : i32
      %dma_wait3A_654 = tpu.memref_slice %arg3[%dma_wait3A_652, %dma_wait3A_653] : memref<64x1000000xf32, #tpu.memory_space<hbm>> -> memref<64x128xf32, #tpu.memory_space<hbm>>
      tpu.wait_dma2 semaphore(%arg10 : memref<!tpu.dma_semaphore, #tpu.memory_space<semaphore_mem>>) src(%dma_wait3A_654 : memref<64x128xf32, #tpu.memory_space<hbm>>) dst(%dma_wait3A_651 : memref<64x128xf32, #tpu.memory_space<vmem>>)
      %dma_wait3A_655 = arith.constant 5 : i32
      %dma_wait3A_656 = arith.constant 0 : i32
      %dma_wait3A_657 = arith.constant 0 : i32
      %dma_wait3A_658 = tpu.memref_slice %arg6[%dma_wait3A_655, %dma_wait3A_656, %dma_wait3A_657] : memref<11x64x128xf32, #tpu.memory_space<vmem>> -> memref<1x64x128xf32, #tpu.memory_space<vmem>>
      %dma_wait3A_659 = tpu.memref_squeeze %dma_wait3A_658 : memref<1x64x128xf32, #tpu.memory_space<vmem>> -> memref<64x128xf32, #tpu.memory_space<vmem>>
      %dma_wait3A_660 = arith.constant 0 : i32
      %dma_wait3A_661 = arith.constant 0 : i32
      %dma_wait3A_662 = tpu.memref_slice %arg3[%dma_wait3A_660, %dma_wait3A_661] : memref<64x1000000xf32, #tpu.memory_space<hbm>> -> memref<64x128xf32, #tpu.memory_space<hbm>>
      %dma_wait3A_663 = arith.constant 0 : i32
      %dma_wait3A_664 = arith.constant 0 : i32
      %dma_wait3A_665 = tpu.memref_slice %arg6[%dma_wait3A_655, %dma_wait3A_663, %dma_wait3A_664] : memref<11x64x128xf32, #tpu.memory_space<vmem>> -> memref<1x64x128xf32, #tpu.memory_space<vmem>>
      %dma_wait3A_666 = tpu.memref_squeeze %dma_wait3A_665 : memref<1x64x128xf32, #tpu.memory_space<vmem>> -> memref<64x128xf32, #tpu.memory_space<vmem>>
      %dma_wait3A_667 = arith.constant 0 : i32
      %dma_wait3A_668 = arith.constant 0 : i32
      %dma_wait3A_669 = tpu.memref_slice %arg3[%dma_wait3A_667, %dma_wait3A_668] : memref<64x1000000xf32, #tpu.memory_space<hbm>> -> memref<64x128xf32, #tpu.memory_space<hbm>>
      tpu.wait_dma2 semaphore(%arg10 : memref<!tpu.dma_semaphore, #tpu.memory_space<semaphore_mem>>) src(%dma_wait3A_669 : memref<64x128xf32, #tpu.memory_space<hbm>>) dst(%dma_wait3A_666 : memref<64x128xf32, #tpu.memory_space<vmem>>)
      %dma_wait3A_670 = arith.constant 6 : i32
      %dma_wait3A_671 = arith.constant 0 : i32
      %dma_wait3A_672 = arith.constant 0 : i32
      %dma_wait3A_673 = tpu.memref_slice %arg6[%dma_wait3A_670, %dma_wait3A_671, %dma_wait3A_672] : memref<11x64x128xf32, #tpu.memory_space<vmem>> -> memref<1x64x128xf32, #tpu.memory_space<vmem>>
      %dma_wait3A_674 = tpu.memref_squeeze %dma_wait3A_673 : memref<1x64x128xf32, #tpu.memory_space<vmem>> -> memref<64x128xf32, #tpu.memory_space<vmem>>
      %dma_wait3A_675 = arith.constant 0 : i32
      %dma_wait3A_676 = arith.constant 0 : i32
      %dma_wait3A_677 = tpu.memref_slice %arg3[%dma_wait3A_675, %dma_wait3A_676] : memref<64x1000000xf32, #tpu.memory_space<hbm>> -> memref<64x128xf32, #tpu.memory_space<hbm>>
      %dma_wait3A_678 = arith.constant 0 : i32
      %dma_wait3A_679 = arith.constant 0 : i32
      %dma_wait3A_680 = tpu.memref_slice %arg6[%dma_wait3A_670, %dma_wait3A_678, %dma_wait3A_679] : memref<11x64x128xf32, #tpu.memory_space<vmem>> -> memref<1x64x128xf32, #tpu.memory_space<vmem>>
      %dma_wait3A_681 = tpu.memref_squeeze %dma_wait3A_680 : memref<1x64x128xf32, #tpu.memory_space<vmem>> -> memref<64x128xf32, #tpu.memory_space<vmem>>
      %dma_wait3A_682 = arith.constant 0 : i32
      %dma_wait3A_683 = arith.constant 0 : i32
      %dma_wait3A_684 = tpu.memref_slice %arg3[%dma_wait3A_682, %dma_wait3A_683] : memref<64x1000000xf32, #tpu.memory_space<hbm>> -> memref<64x128xf32, #tpu.memory_space<hbm>>
      tpu.wait_dma2 semaphore(%arg10 : memref<!tpu.dma_semaphore, #tpu.memory_space<semaphore_mem>>) src(%dma_wait3A_684 : memref<64x128xf32, #tpu.memory_space<hbm>>) dst(%dma_wait3A_681 : memref<64x128xf32, #tpu.memory_space<vmem>>)
      %dma_wait3A_685 = arith.constant 7 : i32
      %dma_wait3A_686 = arith.constant 0 : i32
      %dma_wait3A_687 = arith.constant 0 : i32
      %dma_wait3A_688 = tpu.memref_slice %arg6[%dma_wait3A_685, %dma_wait3A_686, %dma_wait3A_687] : memref<11x64x128xf32, #tpu.memory_space<vmem>> -> memref<1x64x128xf32, #tpu.memory_space<vmem>>
      %dma_wait3A_689 = tpu.memref_squeeze %dma_wait3A_688 : memref<1x64x128xf32, #tpu.memory_space<vmem>> -> memref<64x128xf32, #tpu.memory_space<vmem>>
      %dma_wait3A_690 = arith.constant 0 : i32
      %dma_wait3A_691 = arith.constant 0 : i32
      %dma_wait3A_692 = tpu.memref_slice %arg3[%dma_wait3A_690, %dma_wait3A_691] : memref<64x1000000xf32, #tpu.memory_space<hbm>> -> memref<64x128xf32, #tpu.memory_space<hbm>>
      %dma_wait3A_693 = arith.constant 0 : i32
      %dma_wait3A_694 = arith.constant 0 : i32
      %dma_wait3A_695 = tpu.memref_slice %arg6[%dma_wait3A_685, %dma_wait3A_693, %dma_wait3A_694] : memref<11x64x128xf32, #tpu.memory_space<vmem>> -> memref<1x64x128xf32, #tpu.memory_space<vmem>>
      %dma_wait3A_696 = tpu.memref_squeeze %dma_wait3A_695 : memref<1x64x128xf32, #tpu.memory_space<vmem>> -> memref<64x128xf32, #tpu.memory_space<vmem>>
      %dma_wait3A_697 = arith.constant 0 : i32
      %dma_wait3A_698 = arith.constant 0 : i32
      %dma_wait3A_699 = tpu.memref_slice %arg3[%dma_wait3A_697, %dma_wait3A_698] : memref<64x1000000xf32, #tpu.memory_space<hbm>> -> memref<64x128xf32, #tpu.memory_space<hbm>>
      tpu.wait_dma2 semaphore(%arg10 : memref<!tpu.dma_semaphore, #tpu.memory_space<semaphore_mem>>) src(%dma_wait3A_699 : memref<64x128xf32, #tpu.memory_space<hbm>>) dst(%dma_wait3A_696 : memref<64x128xf32, #tpu.memory_space<vmem>>)
      %dma_wait3A_700 = arith.constant 8 : i32
      %dma_wait3A_701 = arith.constant 0 : i32
      %dma_wait3A_702 = arith.constant 0 : i32
      %dma_wait3A_703 = tpu.memref_slice %arg6[%dma_wait3A_700, %dma_wait3A_701, %dma_wait3A_702] : memref<11x64x128xf32, #tpu.memory_space<vmem>> -> memref<1x64x128xf32, #tpu.memory_space<vmem>>
      %dma_wait3A_704 = tpu.memref_squeeze %dma_wait3A_703 : memref<1x64x128xf32, #tpu.memory_space<vmem>> -> memref<64x128xf32, #tpu.memory_space<vmem>>
      %dma_wait3A_705 = arith.constant 0 : i32
      %dma_wait3A_706 = arith.constant 0 : i32
      %dma_wait3A_707 = tpu.memref_slice %arg3[%dma_wait3A_705, %dma_wait3A_706] : memref<64x1000000xf32, #tpu.memory_space<hbm>> -> memref<64x128xf32, #tpu.memory_space<hbm>>
      %dma_wait3A_708 = arith.constant 0 : i32
      %dma_wait3A_709 = arith.constant 0 : i32
      %dma_wait3A_710 = tpu.memref_slice %arg6[%dma_wait3A_700, %dma_wait3A_708, %dma_wait3A_709] : memref<11x64x128xf32, #tpu.memory_space<vmem>> -> memref<1x64x128xf32, #tpu.memory_space<vmem>>
      %dma_wait3A_711 = tpu.memref_squeeze %dma_wait3A_710 : memref<1x64x128xf32, #tpu.memory_space<vmem>> -> memref<64x128xf32, #tpu.memory_space<vmem>>
      %dma_wait3A_712 = arith.constant 0 : i32
      %dma_wait3A_713 = arith.constant 0 : i32
      %dma_wait3A_714 = tpu.memref_slice %arg3[%dma_wait3A_712, %dma_wait3A_713] : memref<64x1000000xf32, #tpu.memory_space<hbm>> -> memref<64x128xf32, #tpu.memory_space<hbm>>
      tpu.wait_dma2 semaphore(%arg10 : memref<!tpu.dma_semaphore, #tpu.memory_space<semaphore_mem>>) src(%dma_wait3A_714 : memref<64x128xf32, #tpu.memory_space<hbm>>) dst(%dma_wait3A_711 : memref<64x128xf32, #tpu.memory_space<vmem>>)
      %dma_wait3A_715 = arith.constant 9 : i32
      %dma_wait3A_716 = arith.constant 0 : i32
      %dma_wait3A_717 = arith.constant 0 : i32
      %dma_wait3A_718 = tpu.memref_slice %arg6[%dma_wait3A_715, %dma_wait3A_716, %dma_wait3A_717] : memref<11x64x128xf32, #tpu.memory_space<vmem>> -> memref<1x64x128xf32, #tpu.memory_space<vmem>>
      %dma_wait3A_719 = tpu.memref_squeeze %dma_wait3A_718 : memref<1x64x128xf32, #tpu.memory_space<vmem>> -> memref<64x128xf32, #tpu.memory_space<vmem>>
      %dma_wait3A_720 = arith.constant 0 : i32
      %dma_wait3A_721 = arith.constant 0 : i32
      %dma_wait3A_722 = tpu.memref_slice %arg3[%dma_wait3A_720, %dma_wait3A_721] : memref<64x1000000xf32, #tpu.memory_space<hbm>> -> memref<64x128xf32, #tpu.memory_space<hbm>>
      %dma_wait3A_723 = arith.constant 0 : i32
      %dma_wait3A_724 = arith.constant 0 : i32
      %dma_wait3A_725 = tpu.memref_slice %arg6[%dma_wait3A_715, %dma_wait3A_723, %dma_wait3A_724] : memref<11x64x128xf32, #tpu.memory_space<vmem>> -> memref<1x64x128xf32, #tpu.memory_space<vmem>>
      %dma_wait3A_726 = tpu.memref_squeeze %dma_wait3A_725 : memref<1x64x128xf32, #tpu.memory_space<vmem>> -> memref<64x128xf32, #tpu.memory_space<vmem>>
      %dma_wait3A_727 = arith.constant 0 : i32
      %dma_wait3A_728 = arith.constant 0 : i32
      %dma_wait3A_729 = tpu.memref_slice %arg3[%dma_wait3A_727, %dma_wait3A_728] : memref<64x1000000xf32, #tpu.memory_space<hbm>> -> memref<64x128xf32, #tpu.memory_space<hbm>>
      tpu.wait_dma2 semaphore(%arg10 : memref<!tpu.dma_semaphore, #tpu.memory_space<semaphore_mem>>) src(%dma_wait3A_729 : memref<64x128xf32, #tpu.memory_space<hbm>>) dst(%dma_wait3A_726 : memref<64x128xf32, #tpu.memory_space<vmem>>)
      %dma_wait3A_730 = arith.constant 10 : i32
      %dma_wait3A_731 = arith.constant 0 : i32
      %dma_wait3A_732 = arith.constant 0 : i32
      %dma_wait3A_733 = tpu.memref_slice %arg6[%dma_wait3A_730, %dma_wait3A_731, %dma_wait3A_732] : memref<11x64x128xf32, #tpu.memory_space<vmem>> -> memref<1x64x128xf32, #tpu.memory_space<vmem>>
      %dma_wait3A_734 = tpu.memref_squeeze %dma_wait3A_733 : memref<1x64x128xf32, #tpu.memory_space<vmem>> -> memref<64x128xf32, #tpu.memory_space<vmem>>
      %dma_wait3A_735 = arith.constant 0 : i32
      %dma_wait3A_736 = arith.constant 0 : i32
      %dma_wait3A_737 = tpu.memref_slice %arg3[%dma_wait3A_735, %dma_wait3A_736] : memref<64x1000000xf32, #tpu.memory_space<hbm>> -> memref<64x128xf32, #tpu.memory_space<hbm>>
      %dma_wait3A_738 = arith.constant 0 : i32
      %dma_wait3A_739 = arith.constant 0 : i32
      %dma_wait3A_740 = tpu.memref_slice %arg6[%dma_wait3A_730, %dma_wait3A_738, %dma_wait3A_739] : memref<11x64x128xf32, #tpu.memory_space<vmem>> -> memref<1x64x128xf32, #tpu.memory_space<vmem>>
      %dma_wait3A_741 = tpu.memref_squeeze %dma_wait3A_740 : memref<1x64x128xf32, #tpu.memory_space<vmem>> -> memref<64x128xf32, #tpu.memory_space<vmem>>
      %dma_wait3A_742 = arith.constant 0 : i32
      %dma_wait3A_743 = arith.constant 0 : i32
      %dma_wait3A_744 = tpu.memref_slice %arg3[%dma_wait3A_742, %dma_wait3A_743] : memref<64x1000000xf32, #tpu.memory_space<hbm>> -> memref<64x128xf32, #tpu.memory_space<hbm>>
      tpu.wait_dma2 semaphore(%arg10 : memref<!tpu.dma_semaphore, #tpu.memory_space<semaphore_mem>>) src(%dma_wait3A_744 : memref<64x128xf32, #tpu.memory_space<hbm>>) dst(%dma_wait3A_741 : memref<64x128xf32, #tpu.memory_space<vmem>>)
      %add3A_745 = arith.constant 0 : i32
      %add3A_746 = arith.addi %mul3A_381, %add3A_745 : i32
      %get3A_747 = arith.index_cast %add3A_746 : i32 to index
      %get3A_748 = memref.load %arg9[%get3A_747] : memref<512xi32, #tpu.memory_space<smem>>
      %broadcast_in_dim3A_749 = vector.broadcast %get3A_748 : i32 to vector<16xi32>
      %broadcast_in_dim3A_750 = vector.broadcast %add3A_746 : i32 to vector<16xi32>
      %add3A_751 = arith.constant 0 : i32
      %add3A_752 = vector.broadcast %add3A_751 : i32 to vector<16xi32>
      %add3A_753 = arith.addi %add3A_752, %iota3A : vector<16xi32>
      %broadcast_in_dim3A_754 = arith.constant 0 : i32
      %broadcast_in_dim3A_755 = vector.broadcast %broadcast_in_dim3A_754 : i32 to vector<16xi32>
      %gather3A_756 = tpu.vector_load_idx %arg6[%broadcast_in_dim3A_755, %add3A_753, %broadcast_in_dim3A_749] : memref<11x64x128xf32, #tpu.memory_space<vmem>>[vector<16xi32>, vector<16xi32>, vector<16xi32>], vector<16xf32>,
      tpu.vector_store_idx %arg7[%add3A_753, %broadcast_in_dim3A_750], %gather3A_756 : memref<64x512xf32, #tpu.memory_space<vmem>>[vector<16xi32>, vector<16xi32>], vector<16xf32>,
      %add3A_757 = arith.constant 16 : i32
      %add3A_758 = vector.broadcast %add3A_757 : i32 to vector<16xi32>
      %add3A_759 = arith.addi %add3A_758, %iota3A : vector<16xi32>
      %broadcast_in_dim3A_760 = arith.constant 0 : i32
      %broadcast_in_dim3A_761 = vector.broadcast %broadcast_in_dim3A_760 : i32 to vector<16xi32>
      %gather3A_762 = tpu.vector_load_idx %arg6[%broadcast_in_dim3A_761, %add3A_759, %broadcast_in_dim3A_749] : memref<11x64x128xf32, #tpu.memory_space<vmem>>[vector<16xi32>, vector<16xi32>, vector<16xi32>], vector<16xf32>,
      tpu.vector_store_idx %arg7[%add3A_759, %broadcast_in_dim3A_750], %gather3A_762 : memref<64x512xf32, #tpu.memory_space<vmem>>[vector<16xi32>, vector<16xi32>], vector<16xf32>,
      %add3A_763 = arith.constant 32 : i32
      %add3A_764 = vector.broadcast %add3A_763 : i32 to vector<16xi32>
      %add3A_765 = arith.addi %add3A_764, %iota3A : vector<16xi32>
      %broadcast_in_dim3A_766 = arith.constant 0 : i32
      %broadcast_in_dim3A_767 = vector.broadcast %broadcast_in_dim3A_766 : i32 to vector<16xi32>
      %gather3A_768 = tpu.vector_load_idx %arg6[%broadcast_in_dim3A_767, %add3A_765, %broadcast_in_dim3A_749] : memref<11x64x128xf32, #tpu.memory_space<vmem>>[vector<16xi32>, vector<16xi32>, vector<16xi32>], vector<16xf32>,
      tpu.vector_store_idx %arg7[%add3A_765, %broadcast_in_dim3A_750], %gather3A_768 : memref<64x512xf32, #tpu.memory_space<vmem>>[vector<16xi32>, vector<16xi32>], vector<16xf32>,
      %add3A_769 = arith.constant 48 : i32
      %add3A_770 = vector.broadcast %add3A_769 : i32 to vector<16xi32>
      %add3A_771 = arith.addi %add3A_770, %iota3A : vector<16xi32>
      %broadcast_in_dim3A_772 = arith.constant 0 : i32
      %broadcast_in_dim3A_773 = vector.broadcast %broadcast_in_dim3A_772 : i32 to vector<16xi32>
      %gather3A_774 = tpu.vector_load_idx %arg6[%broadcast_in_dim3A_773, %add3A_771, %broadcast_in_dim3A_749] : memref<11x64x128xf32, #tpu.memory_space<vmem>>[vector<16xi32>, vector<16xi32>, vector<16xi32>], vector<16xf32>,
      tpu.vector_store_idx %arg7[%add3A_771, %broadcast_in_dim3A_750], %gather3A_774 : memref<64x512xf32, #tpu.memory_space<vmem>>[vector<16xi32>, vector<16xi32>], vector<16xf32>,
      %add3A_775 = arith.constant 1 : i32
      %add3A_776 = arith.addi %mul3A_381, %add3A_775 : i32
      %get3A_777 = arith.index_cast %add3A_776 : i32 to index
      %get3A_778 = memref.load %arg9[%get3A_777] : memref<512xi32, #tpu.memory_space<smem>>
      %broadcast_in_dim3A_779 = vector.broadcast %get3A_778 : i32 to vector<16xi32>
      %broadcast_in_dim3A_780 = vector.broadcast %add3A_776 : i32 to vector<16xi32>
      %add3A_781 = arith.constant 0 : i32
      %add3A_782 = vector.broadcast %add3A_781 : i32 to vector<16xi32>
      %add3A_783 = arith.addi %add3A_782, %iota3A : vector<16xi32>
      %broadcast_in_dim3A_784 = arith.constant 1 : i32
      %broadcast_in_dim3A_785 = vector.broadcast %broadcast_in_dim3A_784 : i32 to vector<16xi32>
      %gather3A_786 = tpu.vector_load_idx %arg6[%broadcast_in_dim3A_785, %add3A_783, %broadcast_in_dim3A_779] : memref<11x64x128xf32, #tpu.memory_space<vmem>>[vector<16xi32>, vector<16xi32>, vector<16xi32>], vector<16xf32>,
      tpu.vector_store_idx %arg7[%add3A_783, %broadcast_in_dim3A_780], %gather3A_786 : memref<64x512xf32, #tpu.memory_space<vmem>>[vector<16xi32>, vector<16xi32>], vector<16xf32>,
      %add3A_787 = arith.constant 16 : i32
      %add3A_788 = vector.broadcast %add3A_787 : i32 to vector<16xi32>
      %add3A_789 = arith.addi %add3A_788, %iota3A : vector<16xi32>
      %broadcast_in_dim3A_790 = arith.constant 1 : i32
      %broadcast_in_dim3A_791 = vector.broadcast %broadcast_in_dim3A_790 : i32 to vector<16xi32>
      %gather3A_792 = tpu.vector_load_idx %arg6[%broadcast_in_dim3A_791, %add3A_789, %broadcast_in_dim3A_779] : memref<11x64x128xf32, #tpu.memory_space<vmem>>[vector<16xi32>, vector<16xi32>, vector<16xi32>], vector<16xf32>,
      tpu.vector_store_idx %arg7[%add3A_789, %broadcast_in_dim3A_780], %gather3A_792 : memref<64x512xf32, #tpu.memory_space<vmem>>[vector<16xi32>, vector<16xi32>], vector<16xf32>,
      %add3A_793 = arith.constant 32 : i32
      %add3A_794 = vector.broadcast %add3A_793 : i32 to vector<16xi32>
      %add3A_795 = arith.addi %add3A_794, %iota3A : vector<16xi32>
      %broadcast_in_dim3A_796 = arith.constant 1 : i32
      %broadcast_in_dim3A_797 = vector.broadcast %broadcast_in_dim3A_796 : i32 to vector<16xi32>
      %gather3A_798 = tpu.vector_load_idx %arg6[%broadcast_in_dim3A_797, %add3A_795, %broadcast_in_dim3A_779] : memref<11x64x128xf32, #tpu.memory_space<vmem>>[vector<16xi32>, vector<16xi32>, vector<16xi32>], vector<16xf32>,
      tpu.vector_store_idx %arg7[%add3A_795, %broadcast_in_dim3A_780], %gather3A_798 : memref<64x512xf32, #tpu.memory_space<vmem>>[vector<16xi32>, vector<16xi32>], vector<16xf32>,
      %add3A_799 = arith.constant 48 : i32
      %add3A_800 = vector.broadcast %add3A_799 : i32 to vector<16xi32>
      %add3A_801 = arith.addi %add3A_800, %iota3A : vector<16xi32>
      %broadcast_in_dim3A_802 = arith.constant 1 : i32
      %broadcast_in_dim3A_803 = vector.broadcast %broadcast_in_dim3A_802 : i32 to vector<16xi32>
      %gather3A_804 = tpu.vector_load_idx %arg6[%broadcast_in_dim3A_803, %add3A_801, %broadcast_in_dim3A_779] : memref<11x64x128xf32, #tpu.memory_space<vmem>>[vector<16xi32>, vector<16xi32>, vector<16xi32>], vector<16xf32>,
      tpu.vector_store_idx %arg7[%add3A_801, %broadcast_in_dim3A_780], %gather3A_804 : memref<64x512xf32, #tpu.memory_space<vmem>>[vector<16xi32>, vector<16xi32>], vector<16xf32>,
      %add3A_805 = arith.constant 2 : i32
      %add3A_806 = arith.addi %mul3A_381, %add3A_805 : i32
      %get3A_807 = arith.index_cast %add3A_806 : i32 to index
      %get3A_808 = memref.load %arg9[%get3A_807] : memref<512xi32, #tpu.memory_space<smem>>
      %broadcast_in_dim3A_809 = vector.broadcast %get3A_808 : i32 to vector<16xi32>
      %broadcast_in_dim3A_810 = vector.broadcast %add3A_806 : i32 to vector<16xi32>
      %add3A_811 = arith.constant 0 : i32
      %add3A_812 = vector.broadcast %add3A_811 : i32 to vector<16xi32>
      %add3A_813 = arith.addi %add3A_812, %iota3A : vector<16xi32>
      %broadcast_in_dim3A_814 = arith.constant 2 : i32
      %broadcast_in_dim3A_815 = vector.broadcast %broadcast_in_dim3A_814 : i32 to vector<16xi32>
      %gather3A_816 = tpu.vector_load_idx %arg6[%broadcast_in_dim3A_815, %add3A_813, %broadcast_in_dim3A_809] : memref<11x64x128xf32, #tpu.memory_space<vmem>>[vector<16xi32>, vector<16xi32>, vector<16xi32>], vector<16xf32>,
      tpu.vector_store_idx %arg7[%add3A_813, %broadcast_in_dim3A_810], %gather3A_816 : memref<64x512xf32, #tpu.memory_space<vmem>>[vector<16xi32>, vector<16xi32>], vector<16xf32>,
      %add3A_817 = arith.constant 16 : i32
      %add3A_818 = vector.broadcast %add3A_817 : i32 to vector<16xi32>
      %add3A_819 = arith.addi %add3A_818, %iota3A : vector<16xi32>
      %broadcast_in_dim3A_820 = arith.constant 2 : i32
      %broadcast_in_dim3A_821 = vector.broadcast %broadcast_in_dim3A_820 : i32 to vector<16xi32>
      %gather3A_822 = tpu.vector_load_idx %arg6[%broadcast_in_dim3A_821, %add3A_819, %broadcast_in_dim3A_809] : memref<11x64x128xf32, #tpu.memory_space<vmem>>[vector<16xi32>, vector<16xi32>, vector<16xi32>], vector<16xf32>,
      tpu.vector_store_idx %arg7[%add3A_819, %broadcast_in_dim3A_810], %gather3A_822 : memref<64x512xf32, #tpu.memory_space<vmem>>[vector<16xi32>, vector<16xi32>], vector<16xf32>,
      %add3A_823 = arith.constant 32 : i32
      %add3A_824 = vector.broadcast %add3A_823 : i32 to vector<16xi32>
      %add3A_825 = arith.addi %add3A_824, %iota3A : vector<16xi32>
      %broadcast_in_dim3A_826 = arith.constant 2 : i32
      %broadcast_in_dim3A_827 = vector.broadcast %broadcast_in_dim3A_826 : i32 to vector<16xi32>
      %gather3A_828 = tpu.vector_load_idx %arg6[%broadcast_in_dim3A_827, %add3A_825, %broadcast_in_dim3A_809] : memref<11x64x128xf32, #tpu.memory_space<vmem>>[vector<16xi32>, vector<16xi32>, vector<16xi32>], vector<16xf32>,
      tpu.vector_store_idx %arg7[%add3A_825, %broadcast_in_dim3A_810], %gather3A_828 : memref<64x512xf32, #tpu.memory_space<vmem>>[vector<16xi32>, vector<16xi32>], vector<16xf32>,
      %add3A_829 = arith.constant 48 : i32
      %add3A_830 = vector.broadcast %add3A_829 : i32 to vector<16xi32>
      %add3A_831 = arith.addi %add3A_830, %iota3A : vector<16xi32>
      %broadcast_in_dim3A_832 = arith.constant 2 : i32
      %broadcast_in_dim3A_833 = vector.broadcast %broadcast_in_dim3A_832 : i32 to vector<16xi32>
      %gather3A_834 = tpu.vector_load_idx %arg6[%broadcast_in_dim3A_833, %add3A_831, %broadcast_in_dim3A_809] : memref<11x64x128xf32, #tpu.memory_space<vmem>>[vector<16xi32>, vector<16xi32>, vector<16xi32>], vector<16xf32>,
      tpu.vector_store_idx %arg7[%add3A_831, %broadcast_in_dim3A_810], %gather3A_834 : memref<64x512xf32, #tpu.memory_space<vmem>>[vector<16xi32>, vector<16xi32>], vector<16xf32>,
      %add3A_835 = arith.constant 3 : i32
      %add3A_836 = arith.addi %mul3A_381, %add3A_835 : i32
      %get3A_837 = arith.index_cast %add3A_836 : i32 to index
      %get3A_838 = memref.load %arg9[%get3A_837] : memref<512xi32, #tpu.memory_space<smem>>
      %broadcast_in_dim3A_839 = vector.broadcast %get3A_838 : i32 to vector<16xi32>
      %broadcast_in_dim3A_840 = vector.broadcast %add3A_836 : i32 to vector<16xi32>
      %add3A_841 = arith.constant 0 : i32
      %add3A_842 = vector.broadcast %add3A_841 : i32 to vector<16xi32>
      %add3A_843 = arith.addi %add3A_842, %iota3A : vector<16xi32>
      %broadcast_in_dim3A_844 = arith.constant 3 : i32
      %broadcast_in_dim3A_845 = vector.broadcast %broadcast_in_dim3A_844 : i32 to vector<16xi32>
      %gather3A_846 = tpu.vector_load_idx %arg6[%broadcast_in_dim3A_845, %add3A_843, %broadcast_in_dim3A_839] : memref<11x64x128xf32, #tpu.memory_space<vmem>>[vector<16xi32>, vector<16xi32>, vector<16xi32>], vector<16xf32>,
      tpu.vector_store_idx %arg7[%add3A_843, %broadcast_in_dim3A_840], %gather3A_846 : memref<64x512xf32, #tpu.memory_space<vmem>>[vector<16xi32>, vector<16xi32>], vector<16xf32>,
      %add3A_847 = arith.constant 16 : i32
      %add3A_848 = vector.broadcast %add3A_847 : i32 to vector<16xi32>
      %add3A_849 = arith.addi %add3A_848, %iota3A : vector<16xi32>
      %broadcast_in_dim3A_850 = arith.constant 3 : i32
      %broadcast_in_dim3A_851 = vector.broadcast %broadcast_in_dim3A_850 : i32 to vector<16xi32>
      %gather3A_852 = tpu.vector_load_idx %arg6[%broadcast_in_dim3A_851, %add3A_849, %broadcast_in_dim3A_839] : memref<11x64x128xf32, #tpu.memory_space<vmem>>[vector<16xi32>, vector<16xi32>, vector<16xi32>], vector<16xf32>,
      tpu.vector_store_idx %arg7[%add3A_849, %broadcast_in_dim3A_840], %gather3A_852 : memref<64x512xf32, #tpu.memory_space<vmem>>[vector<16xi32>, vector<16xi32>], vector<16xf32>,
      %add3A_853 = arith.constant 32 : i32
      %add3A_854 = vector.broadcast %add3A_853 : i32 to vector<16xi32>
      %add3A_855 = arith.addi %add3A_854, %iota3A : vector<16xi32>
      %broadcast_in_dim3A_856 = arith.constant 3 : i32
      %broadcast_in_dim3A_857 = vector.broadcast %broadcast_in_dim3A_856 : i32 to vector<16xi32>
      %gather3A_858 = tpu.vector_load_idx %arg6[%broadcast_in_dim3A_857, %add3A_855, %broadcast_in_dim3A_839] : memref<11x64x128xf32, #tpu.memory_space<vmem>>[vector<16xi32>, vector<16xi32>, vector<16xi32>], vector<16xf32>,
      tpu.vector_store_idx %arg7[%add3A_855, %broadcast_in_dim3A_840], %gather3A_858 : memref<64x512xf32, #tpu.memory_space<vmem>>[vector<16xi32>, vector<16xi32>], vector<16xf32>,
      %add3A_859 = arith.constant 48 : i32
      %add3A_860 = vector.broadcast %add3A_859 : i32 to vector<16xi32>
      %add3A_861 = arith.addi %add3A_860, %iota3A : vector<16xi32>
      %broadcast_in_dim3A_862 = arith.constant 3 : i32
      %broadcast_in_dim3A_863 = vector.broadcast %broadcast_in_dim3A_862 : i32 to vector<16xi32>
      %gather3A_864 = tpu.vector_load_idx %arg6[%broadcast_in_dim3A_863, %add3A_861, %broadcast_in_dim3A_839] : memref<11x64x128xf32, #tpu.memory_space<vmem>>[vector<16xi32>, vector<16xi32>, vector<16xi32>], vector<16xf32>,
      tpu.vector_store_idx %arg7[%add3A_861, %broadcast_in_dim3A_840], %gather3A_864 : memref<64x512xf32, #tpu.memory_space<vmem>>[vector<16xi32>, vector<16xi32>], vector<16xf32>,
      %add3A_865 = arith.constant 4 : i32
      %add3A_866 = arith.addi %mul3A_381, %add3A_865 : i32
      %get3A_867 = arith.index_cast %add3A_866 : i32 to index
      %get3A_868 = memref.load %arg9[%get3A_867] : memref<512xi32, #tpu.memory_space<smem>>
      %broadcast_in_dim3A_869 = vector.broadcast %get3A_868 : i32 to vector<16xi32>
      %broadcast_in_dim3A_870 = vector.broadcast %add3A_866 : i32 to vector<16xi32>
      %add3A_871 = arith.constant 0 : i32
      %add3A_872 = vector.broadcast %add3A_871 : i32 to vector<16xi32>
      %add3A_873 = arith.addi %add3A_872, %iota3A : vector<16xi32>
      %broadcast_in_dim3A_874 = arith.constant 4 : i32
      %broadcast_in_dim3A_875 = vector.broadcast %broadcast_in_dim3A_874 : i32 to vector<16xi32>
      %gather3A_876 = tpu.vector_load_idx %arg6[%broadcast_in_dim3A_875, %add3A_873, %broadcast_in_dim3A_869] : memref<11x64x128xf32, #tpu.memory_space<vmem>>[vector<16xi32>, vector<16xi32>, vector<16xi32>], vector<16xf32>,
      tpu.vector_store_idx %arg7[%add3A_873, %broadcast_in_dim3A_870], %gather3A_876 : memref<64x512xf32, #tpu.memory_space<vmem>>[vector<16xi32>, vector<16xi32>], vector<16xf32>,
      %add3A_877 = arith.constant 16 : i32
      %add3A_878 = vector.broadcast %add3A_877 : i32 to vector<16xi32>
      %add3A_879 = arith.addi %add3A_878, %iota3A : vector<16xi32>
      %broadcast_in_dim3A_880 = arith.constant 4 : i32
      %broadcast_in_dim3A_881 = vector.broadcast %broadcast_in_dim3A_880 : i32 to vector<16xi32>
      %gather3A_882 = tpu.vector_load_idx %arg6[%broadcast_in_dim3A_881, %add3A_879, %broadcast_in_dim3A_869] : memref<11x64x128xf32, #tpu.memory_space<vmem>>[vector<16xi32>, vector<16xi32>, vector<16xi32>], vector<16xf32>,
      tpu.vector_store_idx %arg7[%add3A_879, %broadcast_in_dim3A_870], %gather3A_882 : memref<64x512xf32, #tpu.memory_space<vmem>>[vector<16xi32>, vector<16xi32>], vector<16xf32>,
      %add3A_883 = arith.constant 32 : i32
      %add3A_884 = vector.broadcast %add3A_883 : i32 to vector<16xi32>
      %add3A_885 = arith.addi %add3A_884, %iota3A : vector<16xi32>
      %broadcast_in_dim3A_886 = arith.constant 4 : i32
      %broadcast_in_dim3A_887 = vector.broadcast %broadcast_in_dim3A_886 : i32 to vector<16xi32>
      %gather3A_888 = tpu.vector_load_idx %arg6[%broadcast_in_dim3A_887, %add3A_885, %broadcast_in_dim3A_869] : memref<11x64x128xf32, #tpu.memory_space<vmem>>[vector<16xi32>, vector<16xi32>, vector<16xi32>], vector<16xf32>,
      tpu.vector_store_idx %arg7[%add3A_885, %broadcast_in_dim3A_870], %gather3A_888 : memref<64x512xf32, #tpu.memory_space<vmem>>[vector<16xi32>, vector<16xi32>], vector<16xf32>,
      %add3A_889 = arith.constant 48 : i32
      %add3A_890 = vector.broadcast %add3A_889 : i32 to vector<16xi32>
      %add3A_891 = arith.addi %add3A_890, %iota3A : vector<16xi32>
      %broadcast_in_dim3A_892 = arith.constant 4 : i32
      %broadcast_in_dim3A_893 = vector.broadcast %broadcast_in_dim3A_892 : i32 to vector<16xi32>
      %gather3A_894 = tpu.vector_load_idx %arg6[%broadcast_in_dim3A_893, %add3A_891, %broadcast_in_dim3A_869] : memref<11x64x128xf32, #tpu.memory_space<vmem>>[vector<16xi32>, vector<16xi32>, vector<16xi32>], vector<16xf32>,
      tpu.vector_store_idx %arg7[%add3A_891, %broadcast_in_dim3A_870], %gather3A_894 : memref<64x512xf32, #tpu.memory_space<vmem>>[vector<16xi32>, vector<16xi32>], vector<16xf32>,
      %add3A_895 = arith.constant 5 : i32
      %add3A_896 = arith.addi %mul3A_381, %add3A_895 : i32
      %get3A_897 = arith.index_cast %add3A_896 : i32 to index
      %get3A_898 = memref.load %arg9[%get3A_897] : memref<512xi32, #tpu.memory_space<smem>>
      %broadcast_in_dim3A_899 = vector.broadcast %get3A_898 : i32 to vector<16xi32>
      %broadcast_in_dim3A_900 = vector.broadcast %add3A_896 : i32 to vector<16xi32>
      %add3A_901 = arith.constant 0 : i32
      %add3A_902 = vector.broadcast %add3A_901 : i32 to vector<16xi32>
      %add3A_903 = arith.addi %add3A_902, %iota3A : vector<16xi32>
      %broadcast_in_dim3A_904 = arith.constant 5 : i32
      %broadcast_in_dim3A_905 = vector.broadcast %broadcast_in_dim3A_904 : i32 to vector<16xi32>
      %gather3A_906 = tpu.vector_load_idx %arg6[%broadcast_in_dim3A_905, %add3A_903, %broadcast_in_dim3A_899] : memref<11x64x128xf32, #tpu.memory_space<vmem>>[vector<16xi32>, vector<16xi32>, vector<16xi32>], vector<16xf32>,
      tpu.vector_store_idx %arg7[%add3A_903, %broadcast_in_dim3A_900], %gather3A_906 : memref<64x512xf32, #tpu.memory_space<vmem>>[vector<16xi32>, vector<16xi32>], vector<16xf32>,
      %add3A_907 = arith.constant 16 : i32
      %add3A_908 = vector.broadcast %add3A_907 : i32 to vector<16xi32>
      %add3A_909 = arith.addi %add3A_908, %iota3A : vector<16xi32>
      %broadcast_in_dim3A_910 = arith.constant 5 : i32
      %broadcast_in_dim3A_911 = vector.broadcast %broadcast_in_dim3A_910 : i32 to vector<16xi32>
      %gather3A_912 = tpu.vector_load_idx %arg6[%broadcast_in_dim3A_911, %add3A_909, %broadcast_in_dim3A_899] : memref<11x64x128xf32, #tpu.memory_space<vmem>>[vector<16xi32>, vector<16xi32>, vector<16xi32>], vector<16xf32>,
      tpu.vector_store_idx %arg7[%add3A_909, %broadcast_in_dim3A_900], %gather3A_912 : memref<64x512xf32, #tpu.memory_space<vmem>>[vector<16xi32>, vector<16xi32>], vector<16xf32>,
      %add3A_913 = arith.constant 32 : i32
      %add3A_914 = vector.broadcast %add3A_913 : i32 to vector<16xi32>
      %add3A_915 = arith.addi %add3A_914, %iota3A : vector<16xi32>
      %broadcast_in_dim3A_916 = arith.constant 5 : i32
      %broadcast_in_dim3A_917 = vector.broadcast %broadcast_in_dim3A_916 : i32 to vector<16xi32>
      %gather3A_918 = tpu.vector_load_idx %arg6[%broadcast_in_dim3A_917, %add3A_915, %broadcast_in_dim3A_899] : memref<11x64x128xf32, #tpu.memory_space<vmem>>[vector<16xi32>, vector<16xi32>, vector<16xi32>], vector<16xf32>,
      tpu.vector_store_idx %arg7[%add3A_915, %broadcast_in_dim3A_900], %gather3A_918 : memref<64x512xf32, #tpu.memory_space<vmem>>[vector<16xi32>, vector<16xi32>], vector<16xf32>,
      %add3A_919 = arith.constant 48 : i32
      %add3A_920 = vector.broadcast %add3A_919 : i32 to vector<16xi32>
      %add3A_921 = arith.addi %add3A_920, %iota3A : vector<16xi32>
      %broadcast_in_dim3A_922 = arith.constant 5 : i32
      %broadcast_in_dim3A_923 = vector.broadcast %broadcast_in_dim3A_922 : i32 to vector<16xi32>
      %gather3A_924 = tpu.vector_load_idx %arg6[%broadcast_in_dim3A_923, %add3A_921, %broadcast_in_dim3A_899] : memref<11x64x128xf32, #tpu.memory_space<vmem>>[vector<16xi32>, vector<16xi32>, vector<16xi32>], vector<16xf32>,
      tpu.vector_store_idx %arg7[%add3A_921, %broadcast_in_dim3A_900], %gather3A_924 : memref<64x512xf32, #tpu.memory_space<vmem>>[vector<16xi32>, vector<16xi32>], vector<16xf32>,
      %add3A_925 = arith.constant 6 : i32
      %add3A_926 = arith.addi %mul3A_381, %add3A_925 : i32
      %get3A_927 = arith.index_cast %add3A_926 : i32 to index
      %get3A_928 = memref.load %arg9[%get3A_927] : memref<512xi32, #tpu.memory_space<smem>>
      %broadcast_in_dim3A_929 = vector.broadcast %get3A_928 : i32 to vector<16xi32>
      %broadcast_in_dim3A_930 = vector.broadcast %add3A_926 : i32 to vector<16xi32>
      %add3A_931 = arith.constant 0 : i32
      %add3A_932 = vector.broadcast %add3A_931 : i32 to vector<16xi32>
      %add3A_933 = arith.addi %add3A_932, %iota3A : vector<16xi32>
      %broadcast_in_dim3A_934 = arith.constant 6 : i32
      %broadcast_in_dim3A_935 = vector.broadcast %broadcast_in_dim3A_934 : i32 to vector<16xi32>
      %gather3A_936 = tpu.vector_load_idx %arg6[%broadcast_in_dim3A_935, %add3A_933, %broadcast_in_dim3A_929] : memref<11x64x128xf32, #tpu.memory_space<vmem>>[vector<16xi32>, vector<16xi32>, vector<16xi32>], vector<16xf32>,
      tpu.vector_store_idx %arg7[%add3A_933, %broadcast_in_dim3A_930], %gather3A_936 : memref<64x512xf32, #tpu.memory_space<vmem>>[vector<16xi32>, vector<16xi32>], vector<16xf32>,
      %add3A_937 = arith.constant 16 : i32
      %add3A_938 = vector.broadcast %add3A_937 : i32 to vector<16xi32>
      %add3A_939 = arith.addi %add3A_938, %iota3A : vector<16xi32>
      %broadcast_in_dim3A_940 = arith.constant 6 : i32
      %broadcast_in_dim3A_941 = vector.broadcast %broadcast_in_dim3A_940 : i32 to vector<16xi32>
      %gather3A_942 = tpu.vector_load_idx %arg6[%broadcast_in_dim3A_941, %add3A_939, %broadcast_in_dim3A_929] : memref<11x64x128xf32, #tpu.memory_space<vmem>>[vector<16xi32>, vector<16xi32>, vector<16xi32>], vector<16xf32>,
      tpu.vector_store_idx %arg7[%add3A_939, %broadcast_in_dim3A_930], %gather3A_942 : memref<64x512xf32, #tpu.memory_space<vmem>>[vector<16xi32>, vector<16xi32>], vector<16xf32>,
      %add3A_943 = arith.constant 32 : i32
      %add3A_944 = vector.broadcast %add3A_943 : i32 to vector<16xi32>
      %add3A_945 = arith.addi %add3A_944, %iota3A : vector<16xi32>
      %broadcast_in_dim3A_946 = arith.constant 6 : i32
      %broadcast_in_dim3A_947 = vector.broadcast %broadcast_in_dim3A_946 : i32 to vector<16xi32>
      %gather3A_948 = tpu.vector_load_idx %arg6[%broadcast_in_dim3A_947, %add3A_945, %broadcast_in_dim3A_929] : memref<11x64x128xf32, #tpu.memory_space<vmem>>[vector<16xi32>, vector<16xi32>, vector<16xi32>], vector<16xf32>,
      tpu.vector_store_idx %arg7[%add3A_945, %broadcast_in_dim3A_930], %gather3A_948 : memref<64x512xf32, #tpu.memory_space<vmem>>[vector<16xi32>, vector<16xi32>], vector<16xf32>,
      %add3A_949 = arith.constant 48 : i32
      %add3A_950 = vector.broadcast %add3A_949 : i32 to vector<16xi32>
      %add3A_951 = arith.addi %add3A_950, %iota3A : vector<16xi32>
      %broadcast_in_dim3A_952 = arith.constant 6 : i32
      %broadcast_in_dim3A_953 = vector.broadcast %broadcast_in_dim3A_952 : i32 to vector<16xi32>
      %gather3A_954 = tpu.vector_load_idx %arg6[%broadcast_in_dim3A_953, %add3A_951, %broadcast_in_dim3A_929] : memref<11x64x128xf32, #tpu.memory_space<vmem>>[vector<16xi32>, vector<16xi32>, vector<16xi32>], vector<16xf32>,
      tpu.vector_store_idx %arg7[%add3A_951, %broadcast_in_dim3A_930], %gather3A_954 : memref<64x512xf32, #tpu.memory_space<vmem>>[vector<16xi32>, vector<16xi32>], vector<16xf32>,
      %add3A_955 = arith.constant 7 : i32
      %add3A_956 = arith.addi %mul3A_381, %add3A_955 : i32
      %get3A_957 = arith.index_cast %add3A_956 : i32 to index
      %get3A_958 = memref.load %arg9[%get3A_957] : memref<512xi32, #tpu.memory_space<smem>>
      %broadcast_in_dim3A_959 = vector.broadcast %get3A_958 : i32 to vector<16xi32>
      %broadcast_in_dim3A_960 = vector.broadcast %add3A_956 : i32 to vector<16xi32>
      %add3A_961 = arith.constant 0 : i32
      %add3A_962 = vector.broadcast %add3A_961 : i32 to vector<16xi32>
      %add3A_963 = arith.addi %add3A_962, %iota3A : vector<16xi32>
      %broadcast_in_dim3A_964 = arith.constant 7 : i32
      %broadcast_in_dim3A_965 = vector.broadcast %broadcast_in_dim3A_964 : i32 to vector<16xi32>
      %gather3A_966 = tpu.vector_load_idx %arg6[%broadcast_in_dim3A_965, %add3A_963, %broadcast_in_dim3A_959] : memref<11x64x128xf32, #tpu.memory_space<vmem>>[vector<16xi32>, vector<16xi32>, vector<16xi32>], vector<16xf32>,
      tpu.vector_store_idx %arg7[%add3A_963, %broadcast_in_dim3A_960], %gather3A_966 : memref<64x512xf32, #tpu.memory_space<vmem>>[vector<16xi32>, vector<16xi32>], vector<16xf32>,
      %add3A_967 = arith.constant 16 : i32
      %add3A_968 = vector.broadcast %add3A_967 : i32 to vector<16xi32>
      %add3A_969 = arith.addi %add3A_968, %iota3A : vector<16xi32>
      %broadcast_in_dim3A_970 = arith.constant 7 : i32
      %broadcast_in_dim3A_971 = vector.broadcast %broadcast_in_dim3A_970 : i32 to vector<16xi32>
      %gather3A_972 = tpu.vector_load_idx %arg6[%broadcast_in_dim3A_971, %add3A_969, %broadcast_in_dim3A_959] : memref<11x64x128xf32, #tpu.memory_space<vmem>>[vector<16xi32>, vector<16xi32>, vector<16xi32>], vector<16xf32>,
      tpu.vector_store_idx %arg7[%add3A_969, %broadcast_in_dim3A_960], %gather3A_972 : memref<64x512xf32, #tpu.memory_space<vmem>>[vector<16xi32>, vector<16xi32>], vector<16xf32>,
      %add3A_973 = arith.constant 32 : i32
      %add3A_974 = vector.broadcast %add3A_973 : i32 to vector<16xi32>
      %add3A_975 = arith.addi %add3A_974, %iota3A : vector<16xi32>
      %broadcast_in_dim3A_976 = arith.constant 7 : i32
      %broadcast_in_dim3A_977 = vector.broadcast %broadcast_in_dim3A_976 : i32 to vector<16xi32>
      %gather3A_978 = tpu.vector_load_idx %arg6[%broadcast_in_dim3A_977, %add3A_975, %broadcast_in_dim3A_959] : memref<11x64x128xf32, #tpu.memory_space<vmem>>[vector<16xi32>, vector<16xi32>, vector<16xi32>], vector<16xf32>,
      tpu.vector_store_idx %arg7[%add3A_975, %broadcast_in_dim3A_960], %gather3A_978 : memref<64x512xf32, #tpu.memory_space<vmem>>[vector<16xi32>, vector<16xi32>], vector<16xf32>,
      %add3A_979 = arith.constant 48 : i32
      %add3A_980 = vector.broadcast %add3A_979 : i32 to vector<16xi32>
      %add3A_981 = arith.addi %add3A_980, %iota3A : vector<16xi32>
      %broadcast_in_dim3A_982 = arith.constant 7 : i32
      %broadcast_in_dim3A_983 = vector.broadcast %broadcast_in_dim3A_982 : i32 to vector<16xi32>
      %gather3A_984 = tpu.vector_load_idx %arg6[%broadcast_in_dim3A_983, %add3A_981, %broadcast_in_dim3A_959] : memref<11x64x128xf32, #tpu.memory_space<vmem>>[vector<16xi32>, vector<16xi32>, vector<16xi32>], vector<16xf32>,
      tpu.vector_store_idx %arg7[%add3A_981, %broadcast_in_dim3A_960], %gather3A_984 : memref<64x512xf32, #tpu.memory_space<vmem>>[vector<16xi32>, vector<16xi32>], vector<16xf32>,
      %add3A_985 = arith.constant 8 : i32
      %add3A_986 = arith.addi %mul3A_381, %add3A_985 : i32
      %get3A_987 = arith.index_cast %add3A_986 : i32 to index
      %get3A_988 = memref.load %arg9[%get3A_987] : memref<512xi32, #tpu.memory_space<smem>>
      %broadcast_in_dim3A_989 = vector.broadcast %get3A_988 : i32 to vector<16xi32>
      %broadcast_in_dim3A_990 = vector.broadcast %add3A_986 : i32 to vector<16xi32>
      %add3A_991 = arith.constant 0 : i32
      %add3A_992 = vector.broadcast %add3A_991 : i32 to vector<16xi32>
      %add3A_993 = arith.addi %add3A_992, %iota3A : vector<16xi32>
      %broadcast_in_dim3A_994 = arith.constant 8 : i32
      %broadcast_in_dim3A_995 = vector.broadcast %broadcast_in_dim3A_994 : i32 to vector<16xi32>
      %gather3A_996 = tpu.vector_load_idx %arg6[%broadcast_in_dim3A_995, %add3A_993, %broadcast_in_dim3A_989] : memref<11x64x128xf32, #tpu.memory_space<vmem>>[vector<16xi32>, vector<16xi32>, vector<16xi32>], vector<16xf32>,
      tpu.vector_store_idx %arg7[%add3A_993, %broadcast_in_dim3A_990], %gather3A_996 : memref<64x512xf32, #tpu.memory_space<vmem>>[vector<16xi32>, vector<16xi32>], vector<16xf32>,
      %add3A_997 = arith.constant 16 : i32
      %add3A_998 = vector.broadcast %add3A_997 : i32 to vector<16xi32>
      %add3A_999 = arith.addi %add3A_998, %iota3A : vector<16xi32>
      %broadcast_in_dim3A_1000 = arith.constant 8 : i32
      %broadcast_in_dim3A_1001 = vector.broadcast %broadcast_in_dim3A_1000 : i32 to vector<16xi32>
      %gather3A_1002 = tpu.vector_load_idx %arg6[%broadcast_in_dim3A_1001, %add3A_999, %broadcast_in_dim3A_989] : memref<11x64x128xf32, #tpu.memory_space<vmem>>[vector<16xi32>, vector<16xi32>, vector<16xi32>], vector<16xf32>,
      tpu.vector_store_idx %arg7[%add3A_999, %broadcast_in_dim3A_990], %gather3A_1002 : memref<64x512xf32, #tpu.memory_space<vmem>>[vector<16xi32>, vector<16xi32>], vector<16xf32>,
      %add3A_1003 = arith.constant 32 : i32
      %add3A_1004 = vector.broadcast %add3A_1003 : i32 to vector<16xi32>
      %add3A_1005 = arith.addi %add3A_1004, %iota3A : vector<16xi32>
      %broadcast_in_dim3A_1006 = arith.constant 8 : i32
      %broadcast_in_dim3A_1007 = vector.broadcast %broadcast_in_dim3A_1006 : i32 to vector<16xi32>
      %gather3A_1008 = tpu.vector_load_idx %arg6[%broadcast_in_dim3A_1007, %add3A_1005, %broadcast_in_dim3A_989] : memref<11x64x128xf32, #tpu.memory_space<vmem>>[vector<16xi32>, vector<16xi32>, vector<16xi32>], vector<16xf32>,
      tpu.vector_store_idx %arg7[%add3A_1005, %broadcast_in_dim3A_990], %gather3A_1008 : memref<64x512xf32, #tpu.memory_space<vmem>>[vector<16xi32>, vector<16xi32>], vector<16xf32>,
      %add3A_1009 = arith.constant 48 : i32
      %add3A_1010 = vector.broadcast %add3A_1009 : i32 to vector<16xi32>
      %add3A_1011 = arith.addi %add3A_1010, %iota3A : vector<16xi32>
      %broadcast_in_dim3A_1012 = arith.constant 8 : i32
      %broadcast_in_dim3A_1013 = vector.broadcast %broadcast_in_dim3A_1012 : i32 to vector<16xi32>
      %gather3A_1014 = tpu.vector_load_idx %arg6[%broadcast_in_dim3A_1013, %add3A_1011, %broadcast_in_dim3A_989] : memref<11x64x128xf32, #tpu.memory_space<vmem>>[vector<16xi32>, vector<16xi32>, vector<16xi32>], vector<16xf32>,
      tpu.vector_store_idx %arg7[%add3A_1011, %broadcast_in_dim3A_990], %gather3A_1014 : memref<64x512xf32, #tpu.memory_space<vmem>>[vector<16xi32>, vector<16xi32>], vector<16xf32>,
      %add3A_1015 = arith.constant 9 : i32
      %add3A_1016 = arith.addi %mul3A_381, %add3A_1015 : i32
      %get3A_1017 = arith.index_cast %add3A_1016 : i32 to index
      %get3A_1018 = memref.load %arg9[%get3A_1017] : memref<512xi32, #tpu.memory_space<smem>>
      %broadcast_in_dim3A_1019 = vector.broadcast %get3A_1018 : i32 to vector<16xi32>
      %broadcast_in_dim3A_1020 = vector.broadcast %add3A_1016 : i32 to vector<16xi32>
      %add3A_1021 = arith.constant 0 : i32
      %add3A_1022 = vector.broadcast %add3A_1021 : i32 to vector<16xi32>
      %add3A_1023 = arith.addi %add3A_1022, %iota3A : vector<16xi32>
      %broadcast_in_dim3A_1024 = arith.constant 9 : i32
      %broadcast_in_dim3A_1025 = vector.broadcast %broadcast_in_dim3A_1024 : i32 to vector<16xi32>
      %gather3A_1026 = tpu.vector_load_idx %arg6[%broadcast_in_dim3A_1025, %add3A_1023, %broadcast_in_dim3A_1019] : memref<11x64x128xf32, #tpu.memory_space<vmem>>[vector<16xi32>, vector<16xi32>, vector<16xi32>], vector<16xf32>,
      tpu.vector_store_idx %arg7[%add3A_1023, %broadcast_in_dim3A_1020], %gather3A_1026 : memref<64x512xf32, #tpu.memory_space<vmem>>[vector<16xi32>, vector<16xi32>], vector<16xf32>,
      %add3A_1027 = arith.constant 16 : i32
      %add3A_1028 = vector.broadcast %add3A_1027 : i32 to vector<16xi32>
      %add3A_1029 = arith.addi %add3A_1028, %iota3A : vector<16xi32>
      %broadcast_in_dim3A_1030 = arith.constant 9 : i32
      %broadcast_in_dim3A_1031 = vector.broadcast %broadcast_in_dim3A_1030 : i32 to vector<16xi32>
      %gather3A_1032 = tpu.vector_load_idx %arg6[%broadcast_in_dim3A_1031, %add3A_1029, %broadcast_in_dim3A_1019] : memref<11x64x128xf32, #tpu.memory_space<vmem>>[vector<16xi32>, vector<16xi32>, vector<16xi32>], vector<16xf32>,
      tpu.vector_store_idx %arg7[%add3A_1029, %broadcast_in_dim3A_1020], %gather3A_1032 : memref<64x512xf32, #tpu.memory_space<vmem>>[vector<16xi32>, vector<16xi32>], vector<16xf32>,
      %add3A_1033 = arith.constant 32 : i32
      %add3A_1034 = vector.broadcast %add3A_1033 : i32 to vector<16xi32>
      %add3A_1035 = arith.addi %add3A_1034, %iota3A : vector<16xi32>
      %broadcast_in_dim3A_1036 = arith.constant 9 : i32
      %broadcast_in_dim3A_1037 = vector.broadcast %broadcast_in_dim3A_1036 : i32 to vector<16xi32>
      %gather3A_1038 = tpu.vector_load_idx %arg6[%broadcast_in_dim3A_1037, %add3A_1035, %broadcast_in_dim3A_1019] : memref<11x64x128xf32, #tpu.memory_space<vmem>>[vector<16xi32>, vector<16xi32>, vector<16xi32>], vector<16xf32>,
      tpu.vector_store_idx %arg7[%add3A_1035, %broadcast_in_dim3A_1020], %gather3A_1038 : memref<64x512xf32, #tpu.memory_space<vmem>>[vector<16xi32>, vector<16xi32>], vector<16xf32>,
      %add3A_1039 = arith.constant 48 : i32
      %add3A_1040 = vector.broadcast %add3A_1039 : i32 to vector<16xi32>
      %add3A_1041 = arith.addi %add3A_1040, %iota3A : vector<16xi32>
      %broadcast_in_dim3A_1042 = arith.constant 9 : i32
      %broadcast_in_dim3A_1043 = vector.broadcast %broadcast_in_dim3A_1042 : i32 to vector<16xi32>
      %gather3A_1044 = tpu.vector_load_idx %arg6[%broadcast_in_dim3A_1043, %add3A_1041, %broadcast_in_dim3A_1019] : memref<11x64x128xf32, #tpu.memory_space<vmem>>[vector<16xi32>, vector<16xi32>, vector<16xi32>], vector<16xf32>,
      tpu.vector_store_idx %arg7[%add3A_1041, %broadcast_in_dim3A_1020], %gather3A_1044 : memref<64x512xf32, #tpu.memory_space<vmem>>[vector<16xi32>, vector<16xi32>], vector<16xf32>,
      %add3A_1045 = arith.constant 10 : i32
      %add3A_1046 = arith.addi %mul3A_381, %add3A_1045 : i32
      %get3A_1047 = arith.index_cast %add3A_1046 : i32 to index
      %get3A_1048 = memref.load %arg9[%get3A_1047] : memref<512xi32, #tpu.memory_space<smem>>
      %broadcast_in_dim3A_1049 = vector.broadcast %get3A_1048 : i32 to vector<16xi32>
      %broadcast_in_dim3A_1050 = vector.broadcast %add3A_1046 : i32 to vector<16xi32>
      %add3A_1051 = arith.constant 0 : i32
      %add3A_1052 = vector.broadcast %add3A_1051 : i32 to vector<16xi32>
      %add3A_1053 = arith.addi %add3A_1052, %iota3A : vector<16xi32>
      %broadcast_in_dim3A_1054 = arith.constant 10 : i32
      %broadcast_in_dim3A_1055 = vector.broadcast %broadcast_in_dim3A_1054 : i32 to vector<16xi32>
      %gather3A_1056 = tpu.vector_load_idx %arg6[%broadcast_in_dim3A_1055, %add3A_1053, %broadcast_in_dim3A_1049] : memref<11x64x128xf32, #tpu.memory_space<vmem>>[vector<16xi32>, vector<16xi32>, vector<16xi32>], vector<16xf32>,
      tpu.vector_store_idx %arg7[%add3A_1053, %broadcast_in_dim3A_1050], %gather3A_1056 : memref<64x512xf32, #tpu.memory_space<vmem>>[vector<16xi32>, vector<16xi32>], vector<16xf32>,
      %add3A_1057 = arith.constant 16 : i32
      %add3A_1058 = vector.broadcast %add3A_1057 : i32 to vector<16xi32>
      %add3A_1059 = arith.addi %add3A_1058, %iota3A : vector<16xi32>
      %broadcast_in_dim3A_1060 = arith.constant 10 : i32
      %broadcast_in_dim3A_1061 = vector.broadcast %broadcast_in_dim3A_1060 : i32 to vector<16xi32>
      %gather3A_1062 = tpu.vector_load_idx %arg6[%broadcast_in_dim3A_1061, %add3A_1059, %broadcast_in_dim3A_1049] : memref<11x64x128xf32, #tpu.memory_space<vmem>>[vector<16xi32>, vector<16xi32>, vector<16xi32>], vector<16xf32>,
      tpu.vector_store_idx %arg7[%add3A_1059, %broadcast_in_dim3A_1050], %gather3A_1062 : memref<64x512xf32, #tpu.memory_space<vmem>>[vector<16xi32>, vector<16xi32>], vector<16xf32>,
      %add3A_1063 = arith.constant 32 : i32
      %add3A_1064 = vector.broadcast %add3A_1063 : i32 to vector<16xi32>
      %add3A_1065 = arith.addi %add3A_1064, %iota3A : vector<16xi32>
      %broadcast_in_dim3A_1066 = arith.constant 10 : i32
      %broadcast_in_dim3A_1067 = vector.broadcast %broadcast_in_dim3A_1066 : i32 to vector<16xi32>
      %gather3A_1068 = tpu.vector_load_idx %arg6[%broadcast_in_dim3A_1067, %add3A_1065, %broadcast_in_dim3A_1049] : memref<11x64x128xf32, #tpu.memory_space<vmem>>[vector<16xi32>, vector<16xi32>, vector<16xi32>], vector<16xf32>,
      tpu.vector_store_idx %arg7[%add3A_1065, %broadcast_in_dim3A_1050], %gather3A_1068 : memref<64x512xf32, #tpu.memory_space<vmem>>[vector<16xi32>, vector<16xi32>], vector<16xf32>,
      %add3A_1069 = arith.constant 48 : i32
      %add3A_1070 = vector.broadcast %add3A_1069 : i32 to vector<16xi32>
      %add3A_1071 = arith.addi %add3A_1070, %iota3A : vector<16xi32>
      %broadcast_in_dim3A_1072 = arith.constant 10 : i32
      %broadcast_in_dim3A_1073 = vector.broadcast %broadcast_in_dim3A_1072 : i32 to vector<16xi32>
      %gather3A_1074 = tpu.vector_load_idx %arg6[%broadcast_in_dim3A_1073, %add3A_1071, %broadcast_in_dim3A_1049] : memref<11x64x128xf32, #tpu.memory_space<vmem>>[vector<16xi32>, vector<16xi32>, vector<16xi32>], vector<16xf32>,
      tpu.vector_store_idx %arg7[%add3A_1071, %broadcast_in_dim3A_1050], %gather3A_1074 : memref<64x512xf32, #tpu.memory_space<vmem>>[vector<16xi32>, vector<16xi32>], vector<16xf32>,
    }
    %scan3A_11 = arith.constant 46 : i32
    %get3A = arith.constant 506 : i32
    %get3A_12 = arith.index_cast %get3A : i32 to index
    %get3A_13 = memref.load %arg8[%get3A_12] : memref<512xi32, #tpu.memory_space<smem>>
    %multiple_of3A = tpu.assume_multiple %get3A_13, 128 : i32
    %dma_start3A = arith.constant 0 : i32
    %dma_start3A_14 = arith.constant 0 : i32
    %dma_start3A_15 = arith.constant 0 : i32
    %dma_start3A_16 = tpu.memref_slice %arg6[%dma_start3A, %dma_start3A_14, %dma_start3A_15] : memref<11x64x128xf32, #tpu.memory_space<vmem>> -> memref<1x64x128xf32, #tpu.memory_space<vmem>>
    %dma_start3A_17 = tpu.memref_squeeze %dma_start3A_16 : memref<1x64x128xf32, #tpu.memory_space<vmem>> -> memref<64x128xf32, #tpu.memory_space<vmem>>
    %dma_start3A_18 = arith.constant 0 : i32
    %dma_start3A_19 = tpu.memref_slice %arg3[%dma_start3A_18, %multiple_of3A] : memref<64x1000000xf32, #tpu.memory_space<hbm>> -> memref<64x128xf32, #tpu.memory_space<hbm>>
    %dma_start3A_20 = arith.constant 0 : i32
    %dma_start3A_21 = arith.constant 0 : i32
    %dma_start3A_22 = tpu.memref_slice %arg6[%dma_start3A, %dma_start3A_20, %dma_start3A_21] : memref<11x64x128xf32, #tpu.memory_space<vmem>> -> memref<1x64x128xf32, #tpu.memory_space<vmem>>
    %dma_start3A_23 = tpu.memref_squeeze %dma_start3A_22 : memref<1x64x128xf32, #tpu.memory_space<vmem>> -> memref<64x128xf32, #tpu.memory_space<vmem>>
    %dma_start3A_24 = arith.constant 0 : i32
    %dma_start3A_25 = tpu.memref_slice %arg3[%dma_start3A_24, %multiple_of3A] : memref<64x1000000xf32, #tpu.memory_space<hbm>> -> memref<64x128xf32, #tpu.memory_space<hbm>>
    tpu.enqueue_dma source(%dma_start3A_25 : memref<64x128xf32, #tpu.memory_space<hbm>>) target(%dma_start3A_23 : memref<64x128xf32, #tpu.memory_space<vmem>>) target_semaphore(%arg10 : memref<!tpu.dma_semaphore, #tpu.memory_space<semaphore_mem>>)
    %get3A_26 = arith.constant 507 : i32
    %get3A_27 = arith.index_cast %get3A_26 : i32 to index
    %get3A_28 = memref.load %arg8[%get3A_27] : memref<512xi32, #tpu.memory_space<smem>>
    %multiple_of3A_29 = tpu.assume_multiple %get3A_28, 128 : i32
    %dma_start3A_30 = arith.constant 1 : i32
    %dma_start3A_31 = arith.constant 0 : i32
    %dma_start3A_32 = arith.constant 0 : i32
    %dma_start3A_33 = tpu.memref_slice %arg6[%dma_start3A_30, %dma_start3A_31, %dma_start3A_32] : memref<11x64x128xf32, #tpu.memory_space<vmem>> -> memref<1x64x128xf32, #tpu.memory_space<vmem>>
    %dma_start3A_34 = tpu.memref_squeeze %dma_start3A_33 : memref<1x64x128xf32, #tpu.memory_space<vmem>> -> memref<64x128xf32, #tpu.memory_space<vmem>>
    %dma_start3A_35 = arith.constant 0 : i32
    %dma_start3A_36 = tpu.memref_slice %arg3[%dma_start3A_35, %multiple_of3A_29] : memref<64x1000000xf32, #tpu.memory_space<hbm>> -> memref<64x128xf32, #tpu.memory_space<hbm>>
    %dma_start3A_37 = arith.constant 0 : i32
    %dma_start3A_38 = arith.constant 0 : i32
    %dma_start3A_39 = tpu.memref_slice %arg6[%dma_start3A_30, %dma_start3A_37, %dma_start3A_38] : memref<11x64x128xf32, #tpu.memory_space<vmem>> -> memref<1x64x128xf32, #tpu.memory_space<vmem>>
    %dma_start3A_40 = tpu.memref_squeeze %dma_start3A_39 : memref<1x64x128xf32, #tpu.memory_space<vmem>> -> memref<64x128xf32, #tpu.memory_space<vmem>>
    %dma_start3A_41 = arith.constant 0 : i32
    %dma_start3A_42 = tpu.memref_slice %arg3[%dma_start3A_41, %multiple_of3A_29] : memref<64x1000000xf32, #tpu.memory_space<hbm>> -> memref<64x128xf32, #tpu.memory_space<hbm>>
    tpu.enqueue_dma source(%dma_start3A_42 : memref<64x128xf32, #tpu.memory_space<hbm>>) target(%dma_start3A_40 : memref<64x128xf32, #tpu.memory_space<vmem>>) target_semaphore(%arg10 : memref<!tpu.dma_semaphore, #tpu.memory_space<semaphore_mem>>)
    %get3A_43 = arith.constant 508 : i32
    %get3A_44 = arith.index_cast %get3A_43 : i32 to index
    %get3A_45 = memref.load %arg8[%get3A_44] : memref<512xi32, #tpu.memory_space<smem>>
    %multiple_of3A_46 = tpu.assume_multiple %get3A_45, 128 : i32
    %dma_start3A_47 = arith.constant 2 : i32
    %dma_start3A_48 = arith.constant 0 : i32
    %dma_start3A_49 = arith.constant 0 : i32
    %dma_start3A_50 = tpu.memref_slice %arg6[%dma_start3A_47, %dma_start3A_48, %dma_start3A_49] : memref<11x64x128xf32, #tpu.memory_space<vmem>> -> memref<1x64x128xf32, #tpu.memory_space<vmem>>
    %dma_start3A_51 = tpu.memref_squeeze %dma_start3A_50 : memref<1x64x128xf32, #tpu.memory_space<vmem>> -> memref<64x128xf32, #tpu.memory_space<vmem>>
    %dma_start3A_52 = arith.constant 0 : i32
    %dma_start3A_53 = tpu.memref_slice %arg3[%dma_start3A_52, %multiple_of3A_46] : memref<64x1000000xf32, #tpu.memory_space<hbm>> -> memref<64x128xf32, #tpu.memory_space<hbm>>
    %dma_start3A_54 = arith.constant 0 : i32
    %dma_start3A_55 = arith.constant 0 : i32
    %dma_start3A_56 = tpu.memref_slice %arg6[%dma_start3A_47, %dma_start3A_54, %dma_start3A_55] : memref<11x64x128xf32, #tpu.memory_space<vmem>> -> memref<1x64x128xf32, #tpu.memory_space<vmem>>
    %dma_start3A_57 = tpu.memref_squeeze %dma_start3A_56 : memref<1x64x128xf32, #tpu.memory_space<vmem>> -> memref<64x128xf32, #tpu.memory_space<vmem>>
    %dma_start3A_58 = arith.constant 0 : i32
    %dma_start3A_59 = tpu.memref_slice %arg3[%dma_start3A_58, %multiple_of3A_46] : memref<64x1000000xf32, #tpu.memory_space<hbm>> -> memref<64x128xf32, #tpu.memory_space<hbm>>
    tpu.enqueue_dma source(%dma_start3A_59 : memref<64x128xf32, #tpu.memory_space<hbm>>) target(%dma_start3A_57 : memref<64x128xf32, #tpu.memory_space<vmem>>) target_semaphore(%arg10 : memref<!tpu.dma_semaphore, #tpu.memory_space<semaphore_mem>>)
    %get3A_60 = arith.constant 509 : i32
    %get3A_61 = arith.index_cast %get3A_60 : i32 to index
    %get3A_62 = memref.load %arg8[%get3A_61] : memref<512xi32, #tpu.memory_space<smem>>
    %multiple_of3A_63 = tpu.assume_multiple %get3A_62, 128 : i32
    %dma_start3A_64 = arith.constant 3 : i32
    %dma_start3A_65 = arith.constant 0 : i32
    %dma_start3A_66 = arith.constant 0 : i32
    %dma_start3A_67 = tpu.memref_slice %arg6[%dma_start3A_64, %dma_start3A_65, %dma_start3A_66] : memref<11x64x128xf32, #tpu.memory_space<vmem>> -> memref<1x64x128xf32, #tpu.memory_space<vmem>>
    %dma_start3A_68 = tpu.memref_squeeze %dma_start3A_67 : memref<1x64x128xf32, #tpu.memory_space<vmem>> -> memref<64x128xf32, #tpu.memory_space<vmem>>
    %dma_start3A_69 = arith.constant 0 : i32
    %dma_start3A_70 = tpu.memref_slice %arg3[%dma_start3A_69, %multiple_of3A_63] : memref<64x1000000xf32, #tpu.memory_space<hbm>> -> memref<64x128xf32, #tpu.memory_space<hbm>>
    %dma_start3A_71 = arith.constant 0 : i32
    %dma_start3A_72 = arith.constant 0 : i32
    %dma_start3A_73 = tpu.memref_slice %arg6[%dma_start3A_64, %dma_start3A_71, %dma_start3A_72] : memref<11x64x128xf32, #tpu.memory_space<vmem>> -> memref<1x64x128xf32, #tpu.memory_space<vmem>>
    %dma_start3A_74 = tpu.memref_squeeze %dma_start3A_73 : memref<1x64x128xf32, #tpu.memory_space<vmem>> -> memref<64x128xf32, #tpu.memory_space<vmem>>
    %dma_start3A_75 = arith.constant 0 : i32
    %dma_start3A_76 = tpu.memref_slice %arg3[%dma_start3A_75, %multiple_of3A_63] : memref<64x1000000xf32, #tpu.memory_space<hbm>> -> memref<64x128xf32, #tpu.memory_space<hbm>>
    tpu.enqueue_dma source(%dma_start3A_76 : memref<64x128xf32, #tpu.memory_space<hbm>>) target(%dma_start3A_74 : memref<64x128xf32, #tpu.memory_space<vmem>>) target_semaphore(%arg10 : memref<!tpu.dma_semaphore, #tpu.memory_space<semaphore_mem>>)
    %get3A_77 = arith.constant 510 : i32
    %get3A_78 = arith.index_cast %get3A_77 : i32 to index
    %get3A_79 = memref.load %arg8[%get3A_78] : memref<512xi32, #tpu.memory_space<smem>>
    %multiple_of3A_80 = tpu.assume_multiple %get3A_79, 128 : i32
    %dma_start3A_81 = arith.constant 4 : i32
    %dma_start3A_82 = arith.constant 0 : i32
    %dma_start3A_83 = arith.constant 0 : i32
    %dma_start3A_84 = tpu.memref_slice %arg6[%dma_start3A_81, %dma_start3A_82, %dma_start3A_83] : memref<11x64x128xf32, #tpu.memory_space<vmem>> -> memref<1x64x128xf32, #tpu.memory_space<vmem>>
    %dma_start3A_85 = tpu.memref_squeeze %dma_start3A_84 : memref<1x64x128xf32, #tpu.memory_space<vmem>> -> memref<64x128xf32, #tpu.memory_space<vmem>>
    %dma_start3A_86 = arith.constant 0 : i32
    %dma_start3A_87 = tpu.memref_slice %arg3[%dma_start3A_86, %multiple_of3A_80] : memref<64x1000000xf32, #tpu.memory_space<hbm>> -> memref<64x128xf32, #tpu.memory_space<hbm>>
    %dma_start3A_88 = arith.constant 0 : i32
    %dma_start3A_89 = arith.constant 0 : i32
    %dma_start3A_90 = tpu.memref_slice %arg6[%dma_start3A_81, %dma_start3A_88, %dma_start3A_89] : memref<11x64x128xf32, #tpu.memory_space<vmem>> -> memref<1x64x128xf32, #tpu.memory_space<vmem>>
    %dma_start3A_91 = tpu.memref_squeeze %dma_start3A_90 : memref<1x64x128xf32, #tpu.memory_space<vmem>> -> memref<64x128xf32, #tpu.memory_space<vmem>>
    %dma_start3A_92 = arith.constant 0 : i32
    %dma_start3A_93 = tpu.memref_slice %arg3[%dma_start3A_92, %multiple_of3A_80] : memref<64x1000000xf32, #tpu.memory_space<hbm>> -> memref<64x128xf32, #tpu.memory_space<hbm>>
    tpu.enqueue_dma source(%dma_start3A_93 : memref<64x128xf32, #tpu.memory_space<hbm>>) target(%dma_start3A_91 : memref<64x128xf32, #tpu.memory_space<vmem>>) target_semaphore(%arg10 : memref<!tpu.dma_semaphore, #tpu.memory_space<semaphore_mem>>)
    %get3A_94 = arith.constant 511 : i32
    %get3A_95 = arith.index_cast %get3A_94 : i32 to index
    %get3A_96 = memref.load %arg8[%get3A_95] : memref<512xi32, #tpu.memory_space<smem>>
    %multiple_of3A_97 = tpu.assume_multiple %get3A_96, 128 : i32
    %dma_start3A_98 = arith.constant 5 : i32
    %dma_start3A_99 = arith.constant 0 : i32
    %dma_start3A_100 = arith.constant 0 : i32
    %dma_start3A_101 = tpu.memref_slice %arg6[%dma_start3A_98, %dma_start3A_99, %dma_start3A_100] : memref<11x64x128xf32, #tpu.memory_space<vmem>> -> memref<1x64x128xf32, #tpu.memory_space<vmem>>
    %dma_start3A_102 = tpu.memref_squeeze %dma_start3A_101 : memref<1x64x128xf32, #tpu.memory_space<vmem>> -> memref<64x128xf32, #tpu.memory_space<vmem>>
    %dma_start3A_103 = arith.constant 0 : i32
    %dma_start3A_104 = tpu.memref_slice %arg3[%dma_start3A_103, %multiple_of3A_97] : memref<64x1000000xf32, #tpu.memory_space<hbm>> -> memref<64x128xf32, #tpu.memory_space<hbm>>
    %dma_start3A_105 = arith.constant 0 : i32
    %dma_start3A_106 = arith.constant 0 : i32
    %dma_start3A_107 = tpu.memref_slice %arg6[%dma_start3A_98, %dma_start3A_105, %dma_start3A_106] : memref<11x64x128xf32, #tpu.memory_space<vmem>> -> memref<1x64x128xf32, #tpu.memory_space<vmem>>
    %dma_start3A_108 = tpu.memref_squeeze %dma_start3A_107 : memref<1x64x128xf32, #tpu.memory_space<vmem>> -> memref<64x128xf32, #tpu.memory_space<vmem>>
    %dma_start3A_109 = arith.constant 0 : i32
    %dma_start3A_110 = tpu.memref_slice %arg3[%dma_start3A_109, %multiple_of3A_97] : memref<64x1000000xf32, #tpu.memory_space<hbm>> -> memref<64x128xf32, #tpu.memory_space<hbm>>
    tpu.enqueue_dma source(%dma_start3A_110 : memref<64x128xf32, #tpu.memory_space<hbm>>) target(%dma_start3A_108 : memref<64x128xf32, #tpu.memory_space<vmem>>) target_semaphore(%arg10 : memref<!tpu.dma_semaphore, #tpu.memory_space<semaphore_mem>>)
    %dma_wait3A = arith.constant 0 : i32
    %dma_wait3A_111 = arith.constant 0 : i32
    %dma_wait3A_112 = arith.constant 0 : i32
    %dma_wait3A_113 = tpu.memref_slice %arg6[%dma_wait3A, %dma_wait3A_111, %dma_wait3A_112] : memref<11x64x128xf32, #tpu.memory_space<vmem>> -> memref<1x64x128xf32, #tpu.memory_space<vmem>>
    %dma_wait3A_114 = tpu.memref_squeeze %dma_wait3A_113 : memref<1x64x128xf32, #tpu.memory_space<vmem>> -> memref<64x128xf32, #tpu.memory_space<vmem>>
    %dma_wait3A_115 = arith.constant 0 : i32
    %dma_wait3A_116 = arith.constant 0 : i32
    %dma_wait3A_117 = tpu.memref_slice %arg3[%dma_wait3A_115, %dma_wait3A_116] : memref<64x1000000xf32, #tpu.memory_space<hbm>> -> memref<64x128xf32, #tpu.memory_space<hbm>>
    %dma_wait3A_118 = arith.constant 0 : i32
    %dma_wait3A_119 = arith.constant 0 : i32
    %dma_wait3A_120 = tpu.memref_slice %arg6[%dma_wait3A, %dma_wait3A_118, %dma_wait3A_119] : memref<11x64x128xf32, #tpu.memory_space<vmem>> -> memref<1x64x128xf32, #tpu.memory_space<vmem>>
    %dma_wait3A_121 = tpu.memref_squeeze %dma_wait3A_120 : memref<1x64x128xf32, #tpu.memory_space<vmem>> -> memref<64x128xf32, #tpu.memory_space<vmem>>
    %dma_wait3A_122 = arith.constant 0 : i32
    %dma_wait3A_123 = arith.constant 0 : i32
    %dma_wait3A_124 = tpu.memref_slice %arg3[%dma_wait3A_122, %dma_wait3A_123] : memref<64x1000000xf32, #tpu.memory_space<hbm>> -> memref<64x128xf32, #tpu.memory_space<hbm>>
    tpu.wait_dma2 semaphore(%arg10 : memref<!tpu.dma_semaphore, #tpu.memory_space<semaphore_mem>>) src(%dma_wait3A_124 : memref<64x128xf32, #tpu.memory_space<hbm>>) dst(%dma_wait3A_121 : memref<64x128xf32, #tpu.memory_space<vmem>>)
    %dma_wait3A_125 = arith.constant 1 : i32
    %dma_wait3A_126 = arith.constant 0 : i32
    %dma_wait3A_127 = arith.constant 0 : i32
    %dma_wait3A_128 = tpu.memref_slice %arg6[%dma_wait3A_125, %dma_wait3A_126, %dma_wait3A_127] : memref<11x64x128xf32, #tpu.memory_space<vmem>> -> memref<1x64x128xf32, #tpu.memory_space<vmem>>
    %dma_wait3A_129 = tpu.memref_squeeze %dma_wait3A_128 : memref<1x64x128xf32, #tpu.memory_space<vmem>> -> memref<64x128xf32, #tpu.memory_space<vmem>>
    %dma_wait3A_130 = arith.constant 0 : i32
    %dma_wait3A_131 = arith.constant 0 : i32
    %dma_wait3A_132 = tpu.memref_slice %arg3[%dma_wait3A_130, %dma_wait3A_131] : memref<64x1000000xf32, #tpu.memory_space<hbm>> -> memref<64x128xf32, #tpu.memory_space<hbm>>
    %dma_wait3A_133 = arith.constant 0 : i32
    %dma_wait3A_134 = arith.constant 0 : i32
    %dma_wait3A_135 = tpu.memref_slice %arg6[%dma_wait3A_125, %dma_wait3A_133, %dma_wait3A_134] : memref<11x64x128xf32, #tpu.memory_space<vmem>> -> memref<1x64x128xf32, #tpu.memory_space<vmem>>
    %dma_wait3A_136 = tpu.memref_squeeze %dma_wait3A_135 : memref<1x64x128xf32, #tpu.memory_space<vmem>> -> memref<64x128xf32, #tpu.memory_space<vmem>>
    %dma_wait3A_137 = arith.constant 0 : i32
    %dma_wait3A_138 = arith.constant 0 : i32
    %dma_wait3A_139 = tpu.memref_slice %arg3[%dma_wait3A_137, %dma_wait3A_138] : memref<64x1000000xf32, #tpu.memory_space<hbm>> -> memref<64x128xf32, #tpu.memory_space<hbm>>
    tpu.wait_dma2 semaphore(%arg10 : memref<!tpu.dma_semaphore, #tpu.memory_space<semaphore_mem>>) src(%dma_wait3A_139 : memref<64x128xf32, #tpu.memory_space<hbm>>) dst(%dma_wait3A_136 : memref<64x128xf32, #tpu.memory_space<vmem>>)
    %dma_wait3A_140 = arith.constant 2 : i32
    %dma_wait3A_141 = arith.constant 0 : i32
    %dma_wait3A_142 = arith.constant 0 : i32
    %dma_wait3A_143 = tpu.memref_slice %arg6[%dma_wait3A_140, %dma_wait3A_141, %dma_wait3A_142] : memref<11x64x128xf32, #tpu.memory_space<vmem>> -> memref<1x64x128xf32, #tpu.memory_space<vmem>>
    %dma_wait3A_144 = tpu.memref_squeeze %dma_wait3A_143 : memref<1x64x128xf32, #tpu.memory_space<vmem>> -> memref<64x128xf32, #tpu.memory_space<vmem>>
    %dma_wait3A_145 = arith.constant 0 : i32
    %dma_wait3A_146 = arith.constant 0 : i32
    %dma_wait3A_147 = tpu.memref_slice %arg3[%dma_wait3A_145, %dma_wait3A_146] : memref<64x1000000xf32, #tpu.memory_space<hbm>> -> memref<64x128xf32, #tpu.memory_space<hbm>>
    %dma_wait3A_148 = arith.constant 0 : i32
    %dma_wait3A_149 = arith.constant 0 : i32
    %dma_wait3A_150 = tpu.memref_slice %arg6[%dma_wait3A_140, %dma_wait3A_148, %dma_wait3A_149] : memref<11x64x128xf32, #tpu.memory_space<vmem>> -> memref<1x64x128xf32, #tpu.memory_space<vmem>>
    %dma_wait3A_151 = tpu.memref_squeeze %dma_wait3A_150 : memref<1x64x128xf32, #tpu.memory_space<vmem>> -> memref<64x128xf32, #tpu.memory_space<vmem>>
    %dma_wait3A_152 = arith.constant 0 : i32
    %dma_wait3A_153 = arith.constant 0 : i32
    %dma_wait3A_154 = tpu.memref_slice %arg3[%dma_wait3A_152, %dma_wait3A_153] : memref<64x1000000xf32, #tpu.memory_space<hbm>> -> memref<64x128xf32, #tpu.memory_space<hbm>>
    tpu.wait_dma2 semaphore(%arg10 : memref<!tpu.dma_semaphore, #tpu.memory_space<semaphore_mem>>) src(%dma_wait3A_154 : memref<64x128xf32, #tpu.memory_space<hbm>>) dst(%dma_wait3A_151 : memref<64x128xf32, #tpu.memory_space<vmem>>)
    %dma_wait3A_155 = arith.constant 3 : i32
    %dma_wait3A_156 = arith.constant 0 : i32
    %dma_wait3A_157 = arith.constant 0 : i32
    %dma_wait3A_158 = tpu.memref_slice %arg6[%dma_wait3A_155, %dma_wait3A_156, %dma_wait3A_157] : memref<11x64x128xf32, #tpu.memory_space<vmem>> -> memref<1x64x128xf32, #tpu.memory_space<vmem>>
    %dma_wait3A_159 = tpu.memref_squeeze %dma_wait3A_158 : memref<1x64x128xf32, #tpu.memory_space<vmem>> -> memref<64x128xf32, #tpu.memory_space<vmem>>
    %dma_wait3A_160 = arith.constant 0 : i32
    %dma_wait3A_161 = arith.constant 0 : i32
    %dma_wait3A_162 = tpu.memref_slice %arg3[%dma_wait3A_160, %dma_wait3A_161] : memref<64x1000000xf32, #tpu.memory_space<hbm>> -> memref<64x128xf32, #tpu.memory_space<hbm>>
    %dma_wait3A_163 = arith.constant 0 : i32
    %dma_wait3A_164 = arith.constant 0 : i32
    %dma_wait3A_165 = tpu.memref_slice %arg6[%dma_wait3A_155, %dma_wait3A_163, %dma_wait3A_164] : memref<11x64x128xf32, #tpu.memory_space<vmem>> -> memref<1x64x128xf32, #tpu.memory_space<vmem>>
    %dma_wait3A_166 = tpu.memref_squeeze %dma_wait3A_165 : memref<1x64x128xf32, #tpu.memory_space<vmem>> -> memref<64x128xf32, #tpu.memory_space<vmem>>
    %dma_wait3A_167 = arith.constant 0 : i32
    %dma_wait3A_168 = arith.constant 0 : i32
    %dma_wait3A_169 = tpu.memref_slice %arg3[%dma_wait3A_167, %dma_wait3A_168] : memref<64x1000000xf32, #tpu.memory_space<hbm>> -> memref<64x128xf32, #tpu.memory_space<hbm>>
    tpu.wait_dma2 semaphore(%arg10 : memref<!tpu.dma_semaphore, #tpu.memory_space<semaphore_mem>>) src(%dma_wait3A_169 : memref<64x128xf32, #tpu.memory_space<hbm>>) dst(%dma_wait3A_166 : memref<64x128xf32, #tpu.memory_space<vmem>>)
    %dma_wait3A_170 = arith.constant 4 : i32
    %dma_wait3A_171 = arith.constant 0 : i32
    %dma_wait3A_172 = arith.constant 0 : i32
    %dma_wait3A_173 = tpu.memref_slice %arg6[%dma_wait3A_170, %dma_wait3A_171, %dma_wait3A_172] : memref<11x64x128xf32, #tpu.memory_space<vmem>> -> memref<1x64x128xf32, #tpu.memory_space<vmem>>
    %dma_wait3A_174 = tpu.memref_squeeze %dma_wait3A_173 : memref<1x64x128xf32, #tpu.memory_space<vmem>> -> memref<64x128xf32, #tpu.memory_space<vmem>>
    %dma_wait3A_175 = arith.constant 0 : i32
    %dma_wait3A_176 = arith.constant 0 : i32
    %dma_wait3A_177 = tpu.memref_slice %arg3[%dma_wait3A_175, %dma_wait3A_176] : memref<64x1000000xf32, #tpu.memory_space<hbm>> -> memref<64x128xf32, #tpu.memory_space<hbm>>
    %dma_wait3A_178 = arith.constant 0 : i32
    %dma_wait3A_179 = arith.constant 0 : i32
    %dma_wait3A_180 = tpu.memref_slice %arg6[%dma_wait3A_170, %dma_wait3A_178, %dma_wait3A_179] : memref<11x64x128xf32, #tpu.memory_space<vmem>> -> memref<1x64x128xf32, #tpu.memory_space<vmem>>
    %dma_wait3A_181 = tpu.memref_squeeze %dma_wait3A_180 : memref<1x64x128xf32, #tpu.memory_space<vmem>> -> memref<64x128xf32, #tpu.memory_space<vmem>>
    %dma_wait3A_182 = arith.constant 0 : i32
    %dma_wait3A_183 = arith.constant 0 : i32
    %dma_wait3A_184 = tpu.memref_slice %arg3[%dma_wait3A_182, %dma_wait3A_183] : memref<64x1000000xf32, #tpu.memory_space<hbm>> -> memref<64x128xf32, #tpu.memory_space<hbm>>
    tpu.wait_dma2 semaphore(%arg10 : memref<!tpu.dma_semaphore, #tpu.memory_space<semaphore_mem>>) src(%dma_wait3A_184 : memref<64x128xf32, #tpu.memory_space<hbm>>) dst(%dma_wait3A_181 : memref<64x128xf32, #tpu.memory_space<vmem>>)
    %dma_wait3A_185 = arith.constant 5 : i32
    %dma_wait3A_186 = arith.constant 0 : i32
    %dma_wait3A_187 = arith.constant 0 : i32
    %dma_wait3A_188 = tpu.memref_slice %arg6[%dma_wait3A_185, %dma_wait3A_186, %dma_wait3A_187] : memref<11x64x128xf32, #tpu.memory_space<vmem>> -> memref<1x64x128xf32, #tpu.memory_space<vmem>>
    %dma_wait3A_189 = tpu.memref_squeeze %dma_wait3A_188 : memref<1x64x128xf32, #tpu.memory_space<vmem>> -> memref<64x128xf32, #tpu.memory_space<vmem>>
    %dma_wait3A_190 = arith.constant 0 : i32
    %dma_wait3A_191 = arith.constant 0 : i32
    %dma_wait3A_192 = tpu.memref_slice %arg3[%dma_wait3A_190, %dma_wait3A_191] : memref<64x1000000xf32, #tpu.memory_space<hbm>> -> memref<64x128xf32, #tpu.memory_space<hbm>>
    %dma_wait3A_193 = arith.constant 0 : i32
    %dma_wait3A_194 = arith.constant 0 : i32
    %dma_wait3A_195 = tpu.memref_slice %arg6[%dma_wait3A_185, %dma_wait3A_193, %dma_wait3A_194] : memref<11x64x128xf32, #tpu.memory_space<vmem>> -> memref<1x64x128xf32, #tpu.memory_space<vmem>>
    %dma_wait3A_196 = tpu.memref_squeeze %dma_wait3A_195 : memref<1x64x128xf32, #tpu.memory_space<vmem>> -> memref<64x128xf32, #tpu.memory_space<vmem>>
    %dma_wait3A_197 = arith.constant 0 : i32
    %dma_wait3A_198 = arith.constant 0 : i32
    %dma_wait3A_199 = tpu.memref_slice %arg3[%dma_wait3A_197, %dma_wait3A_198] : memref<64x1000000xf32, #tpu.memory_space<hbm>> -> memref<64x128xf32, #tpu.memory_space<hbm>>
    tpu.wait_dma2 semaphore(%arg10 : memref<!tpu.dma_semaphore, #tpu.memory_space<semaphore_mem>>) src(%dma_wait3A_199 : memref<64x128xf32, #tpu.memory_space<hbm>>) dst(%dma_wait3A_196 : memref<64x128xf32, #tpu.memory_space<vmem>>)
    %get3A_200 = arith.constant 506 : i32
    %get3A_201 = arith.index_cast %get3A_200 : i32 to index
    %get3A_202 = memref.load %arg9[%get3A_201] : memref<512xi32, #tpu.memory_space<smem>>
    %broadcast_in_dim3A = vector.broadcast %get3A_202 : i32 to vector<16xi32>
    %broadcast_in_dim3A_203 = arith.constant 506 : i32
    %broadcast_in_dim3A_204 = vector.broadcast %broadcast_in_dim3A_203 : i32 to vector<16xi32>
    %add3A_205 = arith.constant 0 : i32
    %add3A_206 = vector.broadcast %add3A_205 : i32 to vector<16xi32>
    %add3A_207 = arith.addi %add3A_206, %iota3A : vector<16xi32>
    %broadcast_in_dim3A_208 = arith.constant 0 : i32
    %broadcast_in_dim3A_209 = vector.broadcast %broadcast_in_dim3A_208 : i32 to vector<16xi32>
    %gather3A = tpu.vector_load_idx %arg6[%broadcast_in_dim3A_209, %add3A_207, %broadcast_in_dim3A] : memref<11x64x128xf32, #tpu.memory_space<vmem>>[vector<16xi32>, vector<16xi32>, vector<16xi32>], vector<16xf32>,
    tpu.vector_store_idx %arg7[%add3A_207, %broadcast_in_dim3A_204], %gather3A : memref<64x512xf32, #tpu.memory_space<vmem>>[vector<16xi32>, vector<16xi32>], vector<16xf32>,
    %add3A_210 = arith.constant 16 : i32
    %add3A_211 = vector.broadcast %add3A_210 : i32 to vector<16xi32>
    %add3A_212 = arith.addi %add3A_211, %iota3A : vector<16xi32>
    %broadcast_in_dim3A_213 = arith.constant 0 : i32
    %broadcast_in_dim3A_214 = vector.broadcast %broadcast_in_dim3A_213 : i32 to vector<16xi32>
    %gather3A_215 = tpu.vector_load_idx %arg6[%broadcast_in_dim3A_214, %add3A_212, %broadcast_in_dim3A] : memref<11x64x128xf32, #tpu.memory_space<vmem>>[vector<16xi32>, vector<16xi32>, vector<16xi32>], vector<16xf32>,
    tpu.vector_store_idx %arg7[%add3A_212, %broadcast_in_dim3A_204], %gather3A_215 : memref<64x512xf32, #tpu.memory_space<vmem>>[vector<16xi32>, vector<16xi32>], vector<16xf32>,
    %add3A_216 = arith.constant 32 : i32
    %add3A_217 = vector.broadcast %add3A_216 : i32 to vector<16xi32>
    %add3A_218 = arith.addi %add3A_217, %iota3A : vector<16xi32>
    %broadcast_in_dim3A_219 = arith.constant 0 : i32
    %broadcast_in_dim3A_220 = vector.broadcast %broadcast_in_dim3A_219 : i32 to vector<16xi32>
    %gather3A_221 = tpu.vector_load_idx %arg6[%broadcast_in_dim3A_220, %add3A_218, %broadcast_in_dim3A] : memref<11x64x128xf32, #tpu.memory_space<vmem>>[vector<16xi32>, vector<16xi32>, vector<16xi32>], vector<16xf32>,
    tpu.vector_store_idx %arg7[%add3A_218, %broadcast_in_dim3A_204], %gather3A_221 : memref<64x512xf32, #tpu.memory_space<vmem>>[vector<16xi32>, vector<16xi32>], vector<16xf32>,
    %add3A_222 = arith.constant 48 : i32
    %add3A_223 = vector.broadcast %add3A_222 : i32 to vector<16xi32>
    %add3A_224 = arith.addi %add3A_223, %iota3A : vector<16xi32>
    %broadcast_in_dim3A_225 = arith.constant 0 : i32
    %broadcast_in_dim3A_226 = vector.broadcast %broadcast_in_dim3A_225 : i32 to vector<16xi32>
    %gather3A_227 = tpu.vector_load_idx %arg6[%broadcast_in_dim3A_226, %add3A_224, %broadcast_in_dim3A] : memref<11x64x128xf32, #tpu.memory_space<vmem>>[vector<16xi32>, vector<16xi32>, vector<16xi32>], vector<16xf32>,
    tpu.vector_store_idx %arg7[%add3A_224, %broadcast_in_dim3A_204], %gather3A_227 : memref<64x512xf32, #tpu.memory_space<vmem>>[vector<16xi32>, vector<16xi32>], vector<16xf32>,
    %get3A_228 = arith.constant 507 : i32
    %get3A_229 = arith.index_cast %get3A_228 : i32 to index
    %get3A_230 = memref.load %arg9[%get3A_229] : memref<512xi32, #tpu.memory_space<smem>>
    %broadcast_in_dim3A_231 = vector.broadcast %get3A_230 : i32 to vector<16xi32>
    %broadcast_in_dim3A_232 = arith.constant 507 : i32
    %broadcast_in_dim3A_233 = vector.broadcast %broadcast_in_dim3A_232 : i32 to vector<16xi32>
    %add3A_234 = arith.constant 0 : i32
    %add3A_235 = vector.broadcast %add3A_234 : i32 to vector<16xi32>
    %add3A_236 = arith.addi %add3A_235, %iota3A : vector<16xi32>
    %broadcast_in_dim3A_237 = arith.constant 1 : i32
    %broadcast_in_dim3A_238 = vector.broadcast %broadcast_in_dim3A_237 : i32 to vector<16xi32>
    %gather3A_239 = tpu.vector_load_idx %arg6[%broadcast_in_dim3A_238, %add3A_236, %broadcast_in_dim3A_231] : memref<11x64x128xf32, #tpu.memory_space<vmem>>[vector<16xi32>, vector<16xi32>, vector<16xi32>], vector<16xf32>,
    tpu.vector_store_idx %arg7[%add3A_236, %broadcast_in_dim3A_233], %gather3A_239 : memref<64x512xf32, #tpu.memory_space<vmem>>[vector<16xi32>, vector<16xi32>], vector<16xf32>,
    %add3A_240 = arith.constant 16 : i32
    %add3A_241 = vector.broadcast %add3A_240 : i32 to vector<16xi32>
    %add3A_242 = arith.addi %add3A_241, %iota3A : vector<16xi32>
    %broadcast_in_dim3A_243 = arith.constant 1 : i32
    %broadcast_in_dim3A_244 = vector.broadcast %broadcast_in_dim3A_243 : i32 to vector<16xi32>
    %gather3A_245 = tpu.vector_load_idx %arg6[%broadcast_in_dim3A_244, %add3A_242, %broadcast_in_dim3A_231] : memref<11x64x128xf32, #tpu.memory_space<vmem>>[vector<16xi32>, vector<16xi32>, vector<16xi32>], vector<16xf32>,
    tpu.vector_store_idx %arg7[%add3A_242, %broadcast_in_dim3A_233], %gather3A_245 : memref<64x512xf32, #tpu.memory_space<vmem>>[vector<16xi32>, vector<16xi32>], vector<16xf32>,
    %add3A_246 = arith.constant 32 : i32
    %add3A_247 = vector.broadcast %add3A_246 : i32 to vector<16xi32>
    %add3A_248 = arith.addi %add3A_247, %iota3A : vector<16xi32>
    %broadcast_in_dim3A_249 = arith.constant 1 : i32
    %broadcast_in_dim3A_250 = vector.broadcast %broadcast_in_dim3A_249 : i32 to vector<16xi32>
    %gather3A_251 = tpu.vector_load_idx %arg6[%broadcast_in_dim3A_250, %add3A_248, %broadcast_in_dim3A_231] : memref<11x64x128xf32, #tpu.memory_space<vmem>>[vector<16xi32>, vector<16xi32>, vector<16xi32>], vector<16xf32>,
    tpu.vector_store_idx %arg7[%add3A_248, %broadcast_in_dim3A_233], %gather3A_251 : memref<64x512xf32, #tpu.memory_space<vmem>>[vector<16xi32>, vector<16xi32>], vector<16xf32>,
    %add3A_252 = arith.constant 48 : i32
    %add3A_253 = vector.broadcast %add3A_252 : i32 to vector<16xi32>
    %add3A_254 = arith.addi %add3A_253, %iota3A : vector<16xi32>
    %broadcast_in_dim3A_255 = arith.constant 1 : i32
    %broadcast_in_dim3A_256 = vector.broadcast %broadcast_in_dim3A_255 : i32 to vector<16xi32>
    %gather3A_257 = tpu.vector_load_idx %arg6[%broadcast_in_dim3A_256, %add3A_254, %broadcast_in_dim3A_231] : memref<11x64x128xf32, #tpu.memory_space<vmem>>[vector<16xi32>, vector<16xi32>, vector<16xi32>], vector<16xf32>,
    tpu.vector_store_idx %arg7[%add3A_254, %broadcast_in_dim3A_233], %gather3A_257 : memref<64x512xf32, #tpu.memory_space<vmem>>[vector<16xi32>, vector<16xi32>], vector<16xf32>,
    %get3A_258 = arith.constant 508 : i32
    %get3A_259 = arith.index_cast %get3A_258 : i32 to index
    %get3A_260 = memref.load %arg9[%get3A_259] : memref<512xi32, #tpu.memory_space<smem>>
    %broadcast_in_dim3A_261 = vector.broadcast %get3A_260 : i32 to vector<16xi32>
    %broadcast_in_dim3A_262 = arith.constant 508 : i32
    %broadcast_in_dim3A_263 = vector.broadcast %broadcast_in_dim3A_262 : i32 to vector<16xi32>
    %add3A_264 = arith.constant 0 : i32
    %add3A_265 = vector.broadcast %add3A_264 : i32 to vector<16xi32>
    %add3A_266 = arith.addi %add3A_265, %iota3A : vector<16xi32>
    %broadcast_in_dim3A_267 = arith.constant 2 : i32
    %broadcast_in_dim3A_268 = vector.broadcast %broadcast_in_dim3A_267 : i32 to vector<16xi32>
    %gather3A_269 = tpu.vector_load_idx %arg6[%broadcast_in_dim3A_268, %add3A_266, %broadcast_in_dim3A_261] : memref<11x64x128xf32, #tpu.memory_space<vmem>>[vector<16xi32>, vector<16xi32>, vector<16xi32>], vector<16xf32>,
    tpu.vector_store_idx %arg7[%add3A_266, %broadcast_in_dim3A_263], %gather3A_269 : memref<64x512xf32, #tpu.memory_space<vmem>>[vector<16xi32>, vector<16xi32>], vector<16xf32>,
    %add3A_270 = arith.constant 16 : i32
    %add3A_271 = vector.broadcast %add3A_270 : i32 to vector<16xi32>
    %add3A_272 = arith.addi %add3A_271, %iota3A : vector<16xi32>
    %broadcast_in_dim3A_273 = arith.constant 2 : i32
    %broadcast_in_dim3A_274 = vector.broadcast %broadcast_in_dim3A_273 : i32 to vector<16xi32>
    %gather3A_275 = tpu.vector_load_idx %arg6[%broadcast_in_dim3A_274, %add3A_272, %broadcast_in_dim3A_261] : memref<11x64x128xf32, #tpu.memory_space<vmem>>[vector<16xi32>, vector<16xi32>, vector<16xi32>], vector<16xf32>,
    tpu.vector_store_idx %arg7[%add3A_272, %broadcast_in_dim3A_263], %gather3A_275 : memref<64x512xf32, #tpu.memory_space<vmem>>[vector<16xi32>, vector<16xi32>], vector<16xf32>,
    %add3A_276 = arith.constant 32 : i32
    %add3A_277 = vector.broadcast %add3A_276 : i32 to vector<16xi32>
    %add3A_278 = arith.addi %add3A_277, %iota3A : vector<16xi32>
    %broadcast_in_dim3A_279 = arith.constant 2 : i32
    %broadcast_in_dim3A_280 = vector.broadcast %broadcast_in_dim3A_279 : i32 to vector<16xi32>
    %gather3A_281 = tpu.vector_load_idx %arg6[%broadcast_in_dim3A_280, %add3A_278, %broadcast_in_dim3A_261] : memref<11x64x128xf32, #tpu.memory_space<vmem>>[vector<16xi32>, vector<16xi32>, vector<16xi32>], vector<16xf32>,
    tpu.vector_store_idx %arg7[%add3A_278, %broadcast_in_dim3A_263], %gather3A_281 : memref<64x512xf32, #tpu.memory_space<vmem>>[vector<16xi32>, vector<16xi32>], vector<16xf32>,
    %add3A_282 = arith.constant 48 : i32
    %add3A_283 = vector.broadcast %add3A_282 : i32 to vector<16xi32>
    %add3A_284 = arith.addi %add3A_283, %iota3A : vector<16xi32>
    %broadcast_in_dim3A_285 = arith.constant 2 : i32
    %broadcast_in_dim3A_286 = vector.broadcast %broadcast_in_dim3A_285 : i32 to vector<16xi32>
    %gather3A_287 = tpu.vector_load_idx %arg6[%broadcast_in_dim3A_286, %add3A_284, %broadcast_in_dim3A_261] : memref<11x64x128xf32, #tpu.memory_space<vmem>>[vector<16xi32>, vector<16xi32>, vector<16xi32>], vector<16xf32>,
    tpu.vector_store_idx %arg7[%add3A_284, %broadcast_in_dim3A_263], %gather3A_287 : memref<64x512xf32, #tpu.memory_space<vmem>>[vector<16xi32>, vector<16xi32>], vector<16xf32>,
    %get3A_288 = arith.constant 509 : i32
    %get3A_289 = arith.index_cast %get3A_288 : i32 to index
    %get3A_290 = memref.load %arg9[%get3A_289] : memref<512xi32, #tpu.memory_space<smem>>
    %broadcast_in_dim3A_291 = vector.broadcast %get3A_290 : i32 to vector<16xi32>
    %broadcast_in_dim3A_292 = arith.constant 509 : i32
    %broadcast_in_dim3A_293 = vector.broadcast %broadcast_in_dim3A_292 : i32 to vector<16xi32>
    %add3A_294 = arith.constant 0 : i32
    %add3A_295 = vector.broadcast %add3A_294 : i32 to vector<16xi32>
    %add3A_296 = arith.addi %add3A_295, %iota3A : vector<16xi32>
    %broadcast_in_dim3A_297 = arith.constant 3 : i32
    %broadcast_in_dim3A_298 = vector.broadcast %broadcast_in_dim3A_297 : i32 to vector<16xi32>
    %gather3A_299 = tpu.vector_load_idx %arg6[%broadcast_in_dim3A_298, %add3A_296, %broadcast_in_dim3A_291] : memref<11x64x128xf32, #tpu.memory_space<vmem>>[vector<16xi32>, vector<16xi32>, vector<16xi32>], vector<16xf32>,
    tpu.vector_store_idx %arg7[%add3A_296, %broadcast_in_dim3A_293], %gather3A_299 : memref<64x512xf32, #tpu.memory_space<vmem>>[vector<16xi32>, vector<16xi32>], vector<16xf32>,
    %add3A_300 = arith.constant 16 : i32
    %add3A_301 = vector.broadcast %add3A_300 : i32 to vector<16xi32>
    %add3A_302 = arith.addi %add3A_301, %iota3A : vector<16xi32>
    %broadcast_in_dim3A_303 = arith.constant 3 : i32
    %broadcast_in_dim3A_304 = vector.broadcast %broadcast_in_dim3A_303 : i32 to vector<16xi32>
    %gather3A_305 = tpu.vector_load_idx %arg6[%broadcast_in_dim3A_304, %add3A_302, %broadcast_in_dim3A_291] : memref<11x64x128xf32, #tpu.memory_space<vmem>>[vector<16xi32>, vector<16xi32>, vector<16xi32>], vector<16xf32>,
    tpu.vector_store_idx %arg7[%add3A_302, %broadcast_in_dim3A_293], %gather3A_305 : memref<64x512xf32, #tpu.memory_space<vmem>>[vector<16xi32>, vector<16xi32>], vector<16xf32>,
    %add3A_306 = arith.constant 32 : i32
    %add3A_307 = vector.broadcast %add3A_306 : i32 to vector<16xi32>
    %add3A_308 = arith.addi %add3A_307, %iota3A : vector<16xi32>
    %broadcast_in_dim3A_309 = arith.constant 3 : i32
    %broadcast_in_dim3A_310 = vector.broadcast %broadcast_in_dim3A_309 : i32 to vector<16xi32>
    %gather3A_311 = tpu.vector_load_idx %arg6[%broadcast_in_dim3A_310, %add3A_308, %broadcast_in_dim3A_291] : memref<11x64x128xf32, #tpu.memory_space<vmem>>[vector<16xi32>, vector<16xi32>, vector<16xi32>], vector<16xf32>,
    tpu.vector_store_idx %arg7[%add3A_308, %broadcast_in_dim3A_293], %gather3A_311 : memref<64x512xf32, #tpu.memory_space<vmem>>[vector<16xi32>, vector<16xi32>], vector<16xf32>,
    %add3A_312 = arith.constant 48 : i32
    %add3A_313 = vector.broadcast %add3A_312 : i32 to vector<16xi32>
    %add3A_314 = arith.addi %add3A_313, %iota3A : vector<16xi32>
    %broadcast_in_dim3A_315 = arith.constant 3 : i32
    %broadcast_in_dim3A_316 = vector.broadcast %broadcast_in_dim3A_315 : i32 to vector<16xi32>
    %gather3A_317 = tpu.vector_load_idx %arg6[%broadcast_in_dim3A_316, %add3A_314, %broadcast_in_dim3A_291] : memref<11x64x128xf32, #tpu.memory_space<vmem>>[vector<16xi32>, vector<16xi32>, vector<16xi32>], vector<16xf32>,
    tpu.vector_store_idx %arg7[%add3A_314, %broadcast_in_dim3A_293], %gather3A_317 : memref<64x512xf32, #tpu.memory_space<vmem>>[vector<16xi32>, vector<16xi32>], vector<16xf32>,
    %get3A_318 = arith.constant 510 : i32
    %get3A_319 = arith.index_cast %get3A_318 : i32 to index
    %get3A_320 = memref.load %arg9[%get3A_319] : memref<512xi32, #tpu.memory_space<smem>>
    %broadcast_in_dim3A_321 = vector.broadcast %get3A_320 : i32 to vector<16xi32>
    %broadcast_in_dim3A_322 = arith.constant 510 : i32
    %broadcast_in_dim3A_323 = vector.broadcast %broadcast_in_dim3A_322 : i32 to vector<16xi32>
    %add3A_324 = arith.constant 0 : i32
    %add3A_325 = vector.broadcast %add3A_324 : i32 to vector<16xi32>
    %add3A_326 = arith.addi %add3A_325, %iota3A : vector<16xi32>
    %broadcast_in_dim3A_327 = arith.constant 4 : i32
    %broadcast_in_dim3A_328 = vector.broadcast %broadcast_in_dim3A_327 : i32 to vector<16xi32>
    %gather3A_329 = tpu.vector_load_idx %arg6[%broadcast_in_dim3A_328, %add3A_326, %broadcast_in_dim3A_321] : memref<11x64x128xf32, #tpu.memory_space<vmem>>[vector<16xi32>, vector<16xi32>, vector<16xi32>], vector<16xf32>,
    tpu.vector_store_idx %arg7[%add3A_326, %broadcast_in_dim3A_323], %gather3A_329 : memref<64x512xf32, #tpu.memory_space<vmem>>[vector<16xi32>, vector<16xi32>], vector<16xf32>,
    %add3A_330 = arith.constant 16 : i32
    %add3A_331 = vector.broadcast %add3A_330 : i32 to vector<16xi32>
    %add3A_332 = arith.addi %add3A_331, %iota3A : vector<16xi32>
    %broadcast_in_dim3A_333 = arith.constant 4 : i32
    %broadcast_in_dim3A_334 = vector.broadcast %broadcast_in_dim3A_333 : i32 to vector<16xi32>
    %gather3A_335 = tpu.vector_load_idx %arg6[%broadcast_in_dim3A_334, %add3A_332, %broadcast_in_dim3A_321] : memref<11x64x128xf32, #tpu.memory_space<vmem>>[vector<16xi32>, vector<16xi32>, vector<16xi32>], vector<16xf32>,
    tpu.vector_store_idx %arg7[%add3A_332, %broadcast_in_dim3A_323], %gather3A_335 : memref<64x512xf32, #tpu.memory_space<vmem>>[vector<16xi32>, vector<16xi32>], vector<16xf32>,
    %add3A_336 = arith.constant 32 : i32
    %add3A_337 = vector.broadcast %add3A_336 : i32 to vector<16xi32>
    %add3A_338 = arith.addi %add3A_337, %iota3A : vector<16xi32>
    %broadcast_in_dim3A_339 = arith.constant 4 : i32
    %broadcast_in_dim3A_340 = vector.broadcast %broadcast_in_dim3A_339 : i32 to vector<16xi32>
    %gather3A_341 = tpu.vector_load_idx %arg6[%broadcast_in_dim3A_340, %add3A_338, %broadcast_in_dim3A_321] : memref<11x64x128xf32, #tpu.memory_space<vmem>>[vector<16xi32>, vector<16xi32>, vector<16xi32>], vector<16xf32>,
    tpu.vector_store_idx %arg7[%add3A_338, %broadcast_in_dim3A_323], %gather3A_341 : memref<64x512xf32, #tpu.memory_space<vmem>>[vector<16xi32>, vector<16xi32>], vector<16xf32>,
    %add3A_342 = arith.constant 48 : i32
    %add3A_343 = vector.broadcast %add3A_342 : i32 to vector<16xi32>
    %add3A_344 = arith.addi %add3A_343, %iota3A : vector<16xi32>
    %broadcast_in_dim3A_345 = arith.constant 4 : i32
    %broadcast_in_dim3A_346 = vector.broadcast %broadcast_in_dim3A_345 : i32 to vector<16xi32>
    %gather3A_347 = tpu.vector_load_idx %arg6[%broadcast_in_dim3A_346, %add3A_344, %broadcast_in_dim3A_321] : memref<11x64x128xf32, #tpu.memory_space<vmem>>[vector<16xi32>, vector<16xi32>, vector<16xi32>], vector<16xf32>,
    tpu.vector_store_idx %arg7[%add3A_344, %broadcast_in_dim3A_323], %gather3A_347 : memref<64x512xf32, #tpu.memory_space<vmem>>[vector<16xi32>, vector<16xi32>], vector<16xf32>,
    %get3A_348 = arith.constant 511 : i32
    %get3A_349 = arith.index_cast %get3A_348 : i32 to index
    %get3A_350 = memref.load %arg9[%get3A_349] : memref<512xi32, #tpu.memory_space<smem>>
    %broadcast_in_dim3A_351 = vector.broadcast %get3A_350 : i32 to vector<16xi32>
    %broadcast_in_dim3A_352 = arith.constant 511 : i32
    %broadcast_in_dim3A_353 = vector.broadcast %broadcast_in_dim3A_352 : i32 to vector<16xi32>
    %add3A_354 = arith.constant 0 : i32
    %add3A_355 = vector.broadcast %add3A_354 : i32 to vector<16xi32>
    %add3A_356 = arith.addi %add3A_355, %iota3A : vector<16xi32>
    %broadcast_in_dim3A_357 = arith.constant 5 : i32
    %broadcast_in_dim3A_358 = vector.broadcast %broadcast_in_dim3A_357 : i32 to vector<16xi32>
    %gather3A_359 = tpu.vector_load_idx %arg6[%broadcast_in_dim3A_358, %add3A_356, %broadcast_in_dim3A_351] : memref<11x64x128xf32, #tpu.memory_space<vmem>>[vector<16xi32>, vector<16xi32>, vector<16xi32>], vector<16xf32>,
    tpu.vector_store_idx %arg7[%add3A_356, %broadcast_in_dim3A_353], %gather3A_359 : memref<64x512xf32, #tpu.memory_space<vmem>>[vector<16xi32>, vector<16xi32>], vector<16xf32>,
    %add3A_360 = arith.constant 16 : i32
    %add3A_361 = vector.broadcast %add3A_360 : i32 to vector<16xi32>
    %add3A_362 = arith.addi %add3A_361, %iota3A : vector<16xi32>
    %broadcast_in_dim3A_363 = arith.constant 5 : i32
    %broadcast_in_dim3A_364 = vector.broadcast %broadcast_in_dim3A_363 : i32 to vector<16xi32>
    %gather3A_365 = tpu.vector_load_idx %arg6[%broadcast_in_dim3A_364, %add3A_362, %broadcast_in_dim3A_351] : memref<11x64x128xf32, #tpu.memory_space<vmem>>[vector<16xi32>, vector<16xi32>, vector<16xi32>], vector<16xf32>,
    tpu.vector_store_idx %arg7[%add3A_362, %broadcast_in_dim3A_353], %gather3A_365 : memref<64x512xf32, #tpu.memory_space<vmem>>[vector<16xi32>, vector<16xi32>], vector<16xf32>,
    %add3A_366 = arith.constant 32 : i32
    %add3A_367 = vector.broadcast %add3A_366 : i32 to vector<16xi32>
    %add3A_368 = arith.addi %add3A_367, %iota3A : vector<16xi32>
    %broadcast_in_dim3A_369 = arith.constant 5 : i32
    %broadcast_in_dim3A_370 = vector.broadcast %broadcast_in_dim3A_369 : i32 to vector<16xi32>
    %gather3A_371 = tpu.vector_load_idx %arg6[%broadcast_in_dim3A_370, %add3A_368, %broadcast_in_dim3A_351] : memref<11x64x128xf32, #tpu.memory_space<vmem>>[vector<16xi32>, vector<16xi32>, vector<16xi32>], vector<16xf32>,
    tpu.vector_store_idx %arg7[%add3A_368, %broadcast_in_dim3A_353], %gather3A_371 : memref<64x512xf32, #tpu.memory_space<vmem>>[vector<16xi32>, vector<16xi32>], vector<16xf32>,
    %add3A_372 = arith.constant 48 : i32
    %add3A_373 = vector.broadcast %add3A_372 : i32 to vector<16xi32>
    %add3A_374 = arith.addi %add3A_373, %iota3A : vector<16xi32>
    %broadcast_in_dim3A_375 = arith.constant 5 : i32
    %broadcast_in_dim3A_376 = vector.broadcast %broadcast_in_dim3A_375 : i32 to vector<16xi32>
    %gather3A_377 = tpu.vector_load_idx %arg6[%broadcast_in_dim3A_376, %add3A_374, %broadcast_in_dim3A_351] : memref<11x64x128xf32, #tpu.memory_space<vmem>>[vector<16xi32>, vector<16xi32>, vector<16xi32>], vector<16xf32>,
    tpu.vector_store_idx %arg7[%add3A_374, %broadcast_in_dim3A_353], %gather3A_377 : memref<64x512xf32, #tpu.memory_space<vmem>>[vector<16xi32>, vector<16xi32>], vector<16xf32>,
    %multiple_of3A_378 = tpu.assume_multiple %mul3A_2, 512 : i32
    "tpu.region"() ({
      %run_scoped3A = tpu.sem_alloc : memref<!tpu.dma_semaphore, #tpu.memory_space<semaphore_mem>>
      %dma_start3A_379 = arith.constant 0 : i32
      %dma_start3A_380 = tpu.memref_slice %arg4[%dma_start3A_379, %multiple_of3A_378] : memref<64x16384xf32, #tpu.memory_space<hbm>> -> memref<64x512xf32, #tpu.memory_space<hbm>>
      %dma_start3A_381 = arith.constant 0 : i32
      %dma_start3A_382 = tpu.memref_slice %arg4[%dma_start3A_381, %multiple_of3A_378] : memref<64x16384xf32, #tpu.memory_space<hbm>> -> memref<64x512xf32, #tpu.memory_space<hbm>>
      tpu.enqueue_dma source(%arg7 : memref<64x512xf32, #tpu.memory_space<vmem>>) target(%dma_start3A_382 : memref<64x512xf32, #tpu.memory_space<hbm>>) target_semaphore(%run_scoped3A : memref<!tpu.dma_semaphore, #tpu.memory_space<semaphore_mem>>)
      %dma_wait3A_383 = arith.constant 0 : i32
      %dma_wait3A_384 = tpu.memref_slice %arg4[%dma_wait3A_383, %multiple_of3A_378] : memref<64x16384xf32, #tpu.memory_space<hbm>> -> memref<64x512xf32, #tpu.memory_space<hbm>>
      %dma_wait3A_385 = arith.constant 0 : i32
      %dma_wait3A_386 = tpu.memref_slice %arg4[%dma_wait3A_385, %multiple_of3A_378] : memref<64x16384xf32, #tpu.memory_space<hbm>> -> memref<64x512xf32, #tpu.memory_space<hbm>>
      tpu.wait_dma2 semaphore(%run_scoped3A : memref<!tpu.dma_semaphore, #tpu.memory_space<semaphore_mem>>) src(%arg7 : memref<64x512xf32, #tpu.memory_space<vmem>>) dst(%dma_wait3A_386 : memref<64x512xf32, #tpu.memory_space<hbm>>)
      tpu.yield
    }) : () -> ()
    return
  }
}

</mosaic_0001>

<sc_bundles>
// kernel: kernel.3.cloned.1.call-start
scs
__scs_entry_jumppad:
0x0: {  	(pc) =	sbr.rel $0x88, $3  }
0x1: {  	(tag) =	ssettag $0x0;
	lr =	simm.s32 $0x1  }
0x2: {  	[smem:$0x3F9F] =	sst lr;
	_ =	strace $0xD0000000  }
0x3: {  	_ = 	snop  }
0x4: {  	_ = 	snop  }
0x5: {  	_ = 	snop  }
0x6: {  	_ = 	snop  }
0x7: {  	_ = 	snop  }
__scs_overlays_trampoline_lowered:
0x8: {  	[smem:$0x3FAE] =	sst s0  }
0x9: {  	[smem:$0x3FAF] =	sst s1  }
0xa: {  	[smem:$0x3FB0] =	sst s2  }
0xb: {  	[smem:$0x3FB1] =	sst s3  }
0xc: {  	[smem:$0x3FB2] =	sst s4  }
0xd: {  	[smem:$0x3FB3] =	sst s5  }
0xe: {  	[smem:$0x3FB4] =	sst s6  }
0xf: {  	[smem:$0x3FB5] =	sst s7  }
0x10: {  	[smem:$0x3FB6] =	sst s8  }
0x11: {  	[smem:$0x3FB7] =	sst s9;
	s0 =	simm.s32 @!p0 $0x0  }
0x12: {  	s1 =	sld [smem:$0x3F9D];
	s0 =	simm.s32 @p0 $0x1  }
0x13: {  	[smem:$0x3FB8] =	sst s0;
	s0 =	simm.s32 @!p1 $0x0  }
0x14: {  	s2 =	sld [smem:$0x3F9C];
	s0 =	simm.s32 @p1 $0x1  }
0x15: {  	[smem:$0x3FB9] =	sst s0;
	s0 =	simm.s32 @!p2 $0x0  }
0x16: {  	s3 =	sld [smem:$0x3FDB];
	s0 =	simm.s32 @p2 $0x1  }
0x17: {  	s4 =	simm.s32 $0x1BF5;
	[smem:$0x3FBB] =	sst s0  }
0x18: {  	s0 =	sld [smem:$0x3F9E];
	_ =	swait.ge [sflag:s4], $0x0  }
0x19: {  	s7 =	sld [smem:$0x3F9F]  }
0x1a: {  	s8 =	sadd.s32 $0xFFFFE003, lr  }
0x1b: {  	s9 =	sadd.s32 $0xFFFFFEF7, lr;
	s5 =	simm.s32 $0xFFFFFFFF;
	p2 =	slt.u32 s8, $0xFFFFF086  }
0x1c: {  	p1 =	slt.u32 s9, $0xF7A;
	s5 =	simm.s32 @!p2 $0x0  }
0x1d: {  	s5 =	simm.s32 @p1 $0x1;
	p0 =	seq.s32 s7, s2  }
0x1e: {  	s7 =	smul.u32 @!p0 $0xF7A, s2;
	p2 =	seq.s32 @!p0 s5, $0x0  }
0x1f: {  	s9 =	smul.u32 $0xF7A, s1;
	s8 =	simm.s32 @!p0 $0x1BF5;
	p2 =	por !p2, p0  }
0x20: {  	[sflag:s8] =	ssyncset.s32 @!p0 $0xFFFFF086;
	s6 =	sadd.s32 @!p0 s3, s7;
	s7 =	simm.s32 @!p0 $0x108  }
0x21: {  	s3 =	sadd.s32 s3, s9;
	s6 =	sadd.s32 @!p0 $0x88, s6;
	s7 =	simm.s32 @p2 $0x1082  }
0x22: {  	[simem:s7], [sflag:s8] =	dma.local @!p0 [hbm:s6], $0xF7A  }
0x23: {  	s9 =	sor.u32 $0xD0000000, s2;
	s6 =	simm.s32 $0x108;
	_ =	swait.ge @!p0 [sflag:s8], $0x0  }
0x24: {  	s3 =	sadd.s32 $0x88, s3;
	s6 =	simm.s32 @!p1 $0x1082;
	[sflag:s4] =	ssyncset.s32 $0xFFFFF086  }
0x25: {  	[simem:s6], [sflag:s4] =	dma.local [hbm:s3], $0xF7A  }
0x26: {  	[smem:$0x3F9F] =	sst s1;
	(tag) =	ssettag s2;
	_ =	strace s9  }
0x27: {  	s1 =	sld [smem:$0x3FAF]  }
0x28: {  	s2 =	sld [smem:$0x3FB0]  }
0x29: {  	s4 =	sld [smem:$0x3FB2]  }
0x2a: {  	p0 =	seq.s32 s5, $0x0;
	s5 =	sld [smem:$0x3FB3]  }
0x2b: {  	s6 =	sld [smem:$0x3FB4]  }
0x2c: {  	s7 =	sld [smem:$0x3FB5]  }
0x2d: {  	s3 =	simm.s32 $0x108;
	s8 =	sld [smem:$0x3FB6]  }
0x2e: {  	s3 =	simm.s32 @!p0 $0x1082;
	s9 =	sld [smem:$0x3FB7]  }
0x2f: {  	lr =	sadd.s32 s0, s3;
	s0 =	sld [smem:$0x3FAE]  }
0x30: {  	s3 =	sld [smem:$0x3FB1]  }
0x31: {  	[smem:$0x3FBA] =	sst s10  }
0x32: {  	s10 =	sld [smem:$0x3FB8];
	_ =	sdelay $0x3  }
0x33: {  	p0 =	seq.s32 s10, $0x1;
	s10 =	sld [smem:$0x3FBA];
	_ =	sdelay $0x3  }
0x34: {  	[smem:$0x3FBA] =	sst s10  }
0x35: {  	s10 =	sld [smem:$0x3FB9];
	_ =	sdelay $0x3  }
0x36: {  	p1 =	seq.s32 s10, $0x1;
	s10 =	sld [smem:$0x3FBA];
	_ =	sdelay $0x3  }
0x37: {  	[smem:$0x3FBA] =	sst s10  }
0x38: {  	s10 =	sld [smem:$0x3FBB]  }
0x39: {  	_ = 	snop;
	(pc) =	sbr.ind lr, $3  }
0x3a: {  	_ = 	snop  }
0x3b: {  	_ = 	snop  }
0x3c: {  	p2 =	seq.s32 s10, $0x1;
	s10 =	sld [smem:$0x3FBA]  }
0x3d: {  	_ =	shalt  }
0x3e: {  	_ =	shalt  }
0x3f: {  	_ =	shalt  }
0x40: {  	_ =	shalt  }
0x41: {  	_ =	shalt  }
0x42: {  	_ =	shalt  }
0x43: {  	_ =	shalt  }
0x44: {  	_ =	shalt  }
0x45: {  	_ =	shalt  }
0x46: {  	_ =	shalt  }
0x47: {  	_ =	shalt  }
0x48: {  	_ =	shalt  }
0x49: {  	_ =	shalt  }
0x4a: {  	_ =	shalt  }
0x4b: {  	_ =	shalt  }
0x4c: {  	_ =	shalt  }
0x4d: {  	_ =	shalt  }
0x4e: {  	_ =	shalt  }
0x4f: {  	_ =	shalt  }
0x50: {  	_ =	shalt  }
0x51: {  	_ =	shalt  }
0x52: {  	_ =	shalt  }
0x53: {  	_ =	shalt  }
0x54: {  	_ =	shalt  }
0x55: {  	_ =	shalt  }
0x56: {  	_ =	shalt  }
0x57: {  	_ =	shalt  }
0x58: {  	_ =	shalt  }
0x59: {  	_ =	shalt  }
0x5a: {  	_ =	shalt  }
0x5b: {  	_ =	shalt  }
0x5c: {  	_ =	shalt  }
0x5d: {  	_ =	shalt  }
0x5e: {  	_ =	shalt  }
0x5f: {  	_ =	shalt  }
0x60: {  	_ =	shalt  }
0x61: {  	_ =	shalt  }
0x62: {  	_ =	shalt  }
0x63: {  	_ =	shalt  }
0x64: {  	_ =	shalt  }
0x65: {  	_ =	shalt  }
0x66: {  	_ =	shalt  }
0x67: {  	_ =	shalt  }
0x68: {  	_ =	shalt  }
0x69: {  	_ =	shalt  }
0x6a: {  	_ =	shalt  }
0x6b: {  	_ =	shalt  }
0x6c: {  	_ =	shalt  }
0x6d: {  	_ =	shalt  }
0x6e: {  	_ =	shalt  }
0x6f: {  	_ =	shalt  }
0x70: {  	_ =	shalt  }
0x71: {  	_ =	shalt  }
0x72: {  	_ =	shalt  }
0x73: {  	_ =	shalt  }
0x74: {  	_ =	shalt  }
0x75: {  	_ =	shalt  }
0x76: {  	_ =	shalt  }
0x77: {  	_ =	shalt  }
0x78: {  	_ =	shalt  }
0x79: {  	_ =	shalt  }
0x7a: {  	_ =	shalt  }
0x7b: {  	_ =	shalt  }
0x7c: {  	_ =	shalt  }
0x7d: {  	_ =	shalt  }
0x7e: {  	_ =	shalt  }
0x7f: {  	_ =	shalt  }
0x80: {  	_ =	shalt  }
0x81: {  	_ =	shalt  }
0x82: {  	_ =	shalt  }
0x83: {  	_ =	shalt  }
0x84: {  	_ =	shalt  }
0x85: {  	_ =	shalt  }
0x86: {  	_ =	shalt  }
0x87: {  	_ =	shalt  }
.Lfunc_end0:
.L_simem_size_0:
called_computation_lowered:
.L_overlay_start_0:
0x88: {  	s2 =	sld [smem:$0x3FD9]  }
0x89: {  	s3 =	sld [smem:$0x3FFE];
	_ =	sdelay $0x1  }
0x8a: {  	s1 =	srdreg.scid  }
0x8b: {  	s0 =	sand.u32 $0x1, s1  }
0x8c: {  	s18 =	sshll.u32 s0, $0xA;
	s2 =	sadd.s32 s3, s2  }
0x8d: {  	s2 =	sadd.s32 s2, s18  }
0x8e: {  	[smem:$0x3FC6] =	sst s2  }
0x8f: {  	_ = 	snop  }
0x90: {  	s2 =	sld [smem:$0x3FC9]  }
0x91: {  	s19 =	sld [smem:$0x3FC8]  }
0x92: {  	s4 =	sld [smem:$0x3FD0];
	(tm) =	ssettm $0x1  }
0x93: {  	s5 =	sld [smem:$0x3FFB];
	_ =	sdelay $0x3  }
0x94: {  	_ =	strace s5  }
0x95: {  	s5 =	sld [smem:$0x3FFC];
	_ =	sdelay $0x3  }
0x96: {  	_ =	strace s5  }
0x97: {  	s5 =	sld [smem:$0x3FFD];
	_ =	sdelay $0x3  }
0x98: {  	_ =	strace s5  }
0x99: {  	_ =	strace $0x8FFFFFFF  }
0x9a: {  	s20 =	sld [smem:$0x3FDB];
	_ =	sdelay $0x1  }
0x9b: {  	s6 =	simm.s32 $_scs_section_size  }
0x9c: {  	s7 =	simm.s32 $_size__tile_overlayer_lowered;
	s8 =	simm.s32 $_tile_overlayer_lowered  }
0x9d: {  	s23 =	simm.s32 $0x1BFF;
	s22 =	sshll.u32 s8, $0x1;
	s5 =	sadd.s32 s6, s20  }
0x9e: {  	s9 =	simm.s32 $0x0;
	s21 =	sshll.u32 s7, $0x1;
	s7 =	sadd.s32 s22, s5  }
0x9f: {  	[timem:s9], [sflag:s23] =	dma.local [hbm:s7], s21  }
0xa0: {  	_ =	swait.ge [sflag:s23], s21  }
0xa1: {  	s6 =	ssub.s32 $0x0, s21;
	[sflag:s23] =	ssyncset.done $0x0  }
0xa2: {  	[sflag:s23] =	ssyncadd.s32 s6;
	_ =	sdelay $0x1  }
0xa3: {  	s24 =	simm.s32 $0x1B8B  }
0xa4: {  	_ =	swait.ge [sflag:s24], $0x1  }
0xa5: {  	[sflag:s24] =	ssyncset.done $0x0  }
0xa6: {  	s25 =	simm.s32 $0x1B8E;
	[sflag:s24] =	ssyncadd.s32 $0xFFFFFFFF  }
0xa7: {  	s26 =	simm.s32 $execute0_lowered;
	[smem:$0x3FD2] =	sst s25  }
0xa8: {  	s6 =	sshll.u32 s26, $0x1;
	_ =	strace $0x80000046;
	[dreg:$0x1] =	wrdreg $0xFFFFFFFF  }
0xa9: {  	s28 =	simm.s32 $_size_execute0_lowered;
	s5 =	sadd.s32 s5, s6;
	[dreg:$0x0] =	wrdreg $0x0  }
0xaa: {  	s6 =	sshll.u32 s28, $0x1;
	[dreg:$0x2] =	wrdreg s5  }
0xab: {  	[dreg:$0x3] =	wrdreg s6  }
0xac: {  	[dreg:$0x4] =	wrdreg $0xC0  }
0xad: {  	_ =	task [dreg:s9], $0x5FFFF  }
0xae: {  	[dreg:$0x1] =	wrdreg $0xFFFFFFFF  }
0xaf: {  	[dreg:$0x0] =	wrdreg $0x60  }
0xb0: {  	[dreg:$0x2] =	wrdreg s2  }
0xb1: {  	[dreg:$0x3] =	wrdreg s19  }
0xb2: {  	[dreg:$0x4] =	wrdreg s4  }
0xb3: {  	[dreg:$0x5] =	wrdreg $0x9  }
0xb4: {  	_ =	task.clear_ibuf [dreg:s9], $0x6FFFF;
	_ =	strace $0x90000046  }
0xb5: {  	s29 =	simm.s32 $0x9;
	_ =	strace $0x80000048  }
0xb6: {  	_ =	swait.ge [sflag:s29], $0x1  }
0xb7: {  	[sflag:s29] =	ssyncadd.s32 $0xFFFFFFFF  }
0xb8: {  	_ =	strace $0x90000048  }
0xb9: {  	_ =	sfence  }
0xba: {  	s30 =	sld [smem:$0x0];
	_ =	sdelay $0x2  }
0xbb: {  	s31 =	sshll.u32 s1, $0xD;
	s1 =	sshrl.u32 s1, $0x2  }
0xbc: {  	s3 =	sand.u32 $0x4000, s31;
	s1 =	sadd.s32 s1, s30  }
0xbd: {  	s0 =	sor.u32 s3, s0;
	s1 =	sshll.u32 s1, $0x11  }
0xbe: {  	s0 =	sor.u32 s1, s0  }
0xbf: {  	s0 =	sadd.s32 $0x8F2B, s0  }
0xc0: {  	[sflag:s0] =	ssyncadd.remote.s32 $0x1  }
0xc1: {  	_ =	sfence.sel $0xFFFF  }
0xc2: {  	[dreg:$0x0] =	wrdreg $0xFFFFFFFF;
	(pc) =	sbr.abs _section_cstart, $3  }
0xc3: {  	[dreg:$0x1] =	wrdreg $0xFFFFFFFF  }
0xc4: {  	_ =	task.clear_ibuf [dreg:s9], $0x2FFFF;
	_ =	strace $0x9FFFFFFF  }
0xc5: {  	(tm) =	ssettm $0x7FFFFFFF  }
tec
execute0_lowered:
.L_overlay_start_1:
0x0: {  	(tag) =	ssettag $0x1  }
0x1: {  	v0 =	vimm.s32 $0x1380  }
0x2: {  	vm14 =	vcmask $0x300;
	vm13 =	vcmask $0x704;
	vm12 =	vcmask $0xB08  }
0x3: {  	vm11 =	vcmask $0xF0C;
	vm10 =	vcmask $0x1310;
	vm9 =	vcmask $0x1714  }
0x4: {  	vm8 =	vcmask $0x1B18;
	vm7 =	vcmask $0x1F1C;
	vm6 =	vcmask $0x2320  }
0x5: {  	vm5 =	vcmask $0x2724;
	vm4 =	vcmask $0x2B28;
	vm3 =	vcmask $0x2F2C  }
0x6: {  	vm2 =	vcmask $0x3330;
	v1 =	vlaneseq.u32;
	vm1 =	vcmask $0x3734  }
0x7: {  	vm0 =	vcmask $0x3B38;
	v3 =	vimm.s32 $0x3380;
	v4 =	vimm.s32 $0x5380  }
0x8: {  	v5 =	vimm.s32 $0x7380;
	v40 =	vimm.s32 $0x1FFA;
	v41 =	vimm.s32 $0x3FFA  }
0x9: {  	v42 =	vimm.s32 $0x5FFA;
	v45 =	vimm.s32 $0x7FFA;
	v46 =	vimm.s32 $0x1FFB  }
0xa: {  	v47 =	vimm.s32 $0x3FFB;
	v50 =	vimm.s32 $0x5FFB;
	v51 =	vimm.s32 $0x7FFB  }
0xb: {  	v52 =	vimm.s32 $0x1FFC;
	v55 =	vimm.s32 $0x3FFC;
	v56 =	vimm.s32 $0x5FFC  }
0xc: {  	v57 =	vimm.s32 $0x7FFC;
	v60 =	vimm.s32 $0x1FFD;
	v61 =	vimm.s32 $0x3FFD  }
0xd: {  	v62 =	vimm.s32 $0x5FFD;
	v0 =	vsel vm14, $0x0, v0;
	v3 =	vsel vm14, $0x2000, v3  }
0xe: {  	v4 =	vsel vm14, $0x4000, v4;
	v5 =	vsel vm14, $0x6000, v5;
	v40 =	vsel vm14, $0xC7A, v40  }
0xf: {  	v41 =	vsel vm14, $0x2C7A, v41;
	v42 =	vsel vm14, $0x4C7A, v42;
	v0 =	vsel vm13, $0x80, v0  }
0x10: {  	v3 =	vsel vm13, $0x2080, v3;
	v4 =	vsel vm13, $0x4080, v4;
	v5 =	vsel vm13, $0x6080, v5  }
0x11: {  	v40 =	vsel vm13, $0xCFA, v40;
	v41 =	vsel vm13, $0x2CFA, v41;
	v42 =	vsel vm13, $0x4CFA, v42  }
0x12: {  	v0 =	vsel vm12, $0x100, v0;
	v3 =	vsel vm12, $0x2100, v3;
	v4 =	vsel vm12, $0x4100, v4  }
0x13: {  	v5 =	vsel vm12, $0x6100, v5;
	v40 =	vsel vm12, $0xD7A, v40;
	v41 =	vsel vm12, $0x2D7A, v41  }
0x14: {  	v42 =	vsel vm12, $0x4D7A, v42;
	v0 =	vsel vm11, $0x180, v0;
	v3 =	vsel vm11, $0x2180, v3  }
0x15: {  	v4 =	vsel vm11, $0x4180, v4;
	v5 =	vsel vm11, $0x6180, v5;
	v40 =	vsel vm11, $0xDFA, v40  }
0x16: {  	v41 =	vsel vm11, $0x2DFA, v41;
	v42 =	vsel vm11, $0x4DFA, v42;
	v0 =	vsel vm10, $0x200, v0  }
0x17: {  	v3 =	vsel vm10, $0x2200, v3;
	v4 =	vsel vm10, $0x4200, v4;
	v5 =	vsel vm10, $0x6200, v5  }
0x18: {  	v40 =	vsel vm10, $0xE7A, v40;
	v41 =	vsel vm10, $0x2E7A, v41;
	v42 =	vsel vm10, $0x4E7A, v42  }
0x19: {  	v0 =	vsel vm9, $0x280, v0;
	v3 =	vsel vm9, $0x2280, v3;
	v4 =	vsel vm9, $0x4280, v4  }
0x1a: {  	v5 =	vsel vm9, $0x6280, v5;
	v40 =	vsel vm9, $0xEFA, v40;
	v41 =	vsel vm9, $0x2EFA, v41  }
0x1b: {  	v42 =	vsel vm9, $0x4EFA, v42;
	v0 =	vsel vm8, $0x300, v0;
	v3 =	vsel vm8, $0x2300, v3  }
0x1c: {  	v4 =	vsel vm8, $0x4300, v4;
	v5 =	vsel vm8, $0x6300, v5;
	v40 =	vsel vm8, $0xF7A, v40  }
0x1d: {  	v41 =	vsel vm8, $0x2F7A, v41;
	v42 =	vsel vm8, $0x4F7A, v42;
	v0 =	vsel vm7, $0x380, v0  }
0x1e: {  	v3 =	vsel vm7, $0x2380, v3;
	v4 =	vsel vm7, $0x4380, v4;
	v5 =	vsel vm7, $0x6380, v5  }
0x1f: {  	v40 =	vsel vm7, $0xFFA, v40;
	v41 =	vsel vm7, $0x2FFA, v41;
	v42 =	vsel vm7, $0x4FFA, v42  }
0x20: {  	v0 =	vsel vm6, $0x1000, v0;
	v3 =	vsel vm6, $0x3000, v3;
	v4 =	vsel vm6, $0x5000, v4  }
0x21: {  	v5 =	vsel vm6, $0x7000, v5;
	v40 =	vsel vm6, $0x1C7A, v40;
	v41 =	vsel vm6, $0x3C7A, v41  }
0x22: {  	v42 =	vsel vm6, $0x5C7A, v42;
	v0 =	vsel vm5, $0x1080, v0;
	v3 =	vsel vm5, $0x3080, v3  }
0x23: {  	v4 =	vsel vm5, $0x5080, v4;
	v5 =	vsel vm5, $0x7080, v5;
	v40 =	vsel vm5, $0x1CFA, v40  }
0x24: {  	v41 =	vsel vm5, $0x3CFA, v41;
	v42 =	vsel vm5, $0x5CFA, v42;
	v0 =	vsel vm4, $0x1100, v0  }
0x25: {  	v3 =	vsel vm4, $0x3100, v3;
	v4 =	vsel vm4, $0x5100, v4;
	v5 =	vsel vm4, $0x7100, v5  }
0x26: {  	v40 =	vsel vm4, $0x1D7A, v40;
	v41 =	vsel vm4, $0x3D7A, v41;
	v42 =	vsel vm4, $0x5D7A, v42  }
0x27: {  	v0 =	vsel vm3, $0x1180, v0;
	v3 =	vsel vm3, $0x3180, v3;
	v4 =	vsel vm3, $0x5180, v4  }
0x28: {  	v5 =	vsel vm3, $0x7180, v5;
	v40 =	vsel vm3, $0x1DFA, v40;
	v41 =	vsel vm3, $0x3DFA, v41  }
0x29: {  	v42 =	vsel vm3, $0x5DFA, v42;
	v2 =	vsel vm2, $0x1200, v0;
	v0 =	vmul.u32 $0x80, v1  }
0x2a: {  	v3 =	vsel vm2, $0x3200, v3;
	v4 =	vsel vm2, $0x5200, v4;
	v7 =	vsel vm2, $0x7200, v5  }
0x2b: {  	v40 =	vsel vm2, $0x1E7A, v40;
	v41 =	vsel vm2, $0x3E7A, v41;
	v42 =	vsel vm2, $0x5E7A, v42  }
0x2c: {  	v1 =	vsel vm1, $0x1280, v2;
	v3 =	vsel vm1, $0x3280, v3;
	v6 =	vsel vm1, $0x5280, v4  }
0x2d: {  	v7 =	vsel vm1, $0x7280, v7;
	v40 =	vsel vm1, $0x1EFA, v40;
	v41 =	vsel vm1, $0x3EFA, v41  }
0x2e: {  	v44 =	vsel vm1, $0x5EFA, v42;
	v42 =	vsel vm14, $0x2C7B, v47;
	v1 =	vsel vm0, $0x1300, v1  }
0x2f: {  	v2 =	vor.u32 $0x800, v0;
	v3 =	vsel vm0, $0x3300, v3;
	v4 =	vor.u32 $0x1000, v0  }
0x30: {  	v5 =	vsel vm0, $0x5300, v6;
	v6 =	vor.u32 $0x1800, v0;
	v7 =	vsel vm0, $0x7300, v7  }
0x31: {  	v8 =	vor.u32 $0x2000, v0;
	v9 =	vor.u32 $0x2800, v0;
	v10 =	vor.u32 $0x3000, v0  }
0x32: {  	v11 =	vor.u32 $0x3800, v0;
	v12 =	vor.u32 $0x4000, v0;
	v13 =	vor.u32 $0x4800, v0  }
0x33: {  	v14 =	vor.u32 $0x5000, v0;
	v15 =	vor.u32 $0x5800, v0;
	v16 =	vor.u32 $0x6000, v0  }
0x34: {  	v17 =	vor.u32 $0x6800, v0;
	v18 =	vor.u32 $0x7000, v0;
	v19 =	vor.u32 $0x7800, v0  }
0x35: {  	v20 =	vor.u32 $0x8000, v0;
	v21 =	vor.u32 $0x8800, v0;
	v22 =	vor.u32 $0x9000, v0  }
0x36: {  	v23 =	vor.u32 $0x9800, v0;
	v24 =	vor.u32 $0xA000, v0;
	v25 =	vor.u32 $0xA800, v0  }
0x37: {  	v26 =	vor.u32 $0xB000, v0;
	v27 =	vor.u32 $0xB800, v0;
	v28 =	vor.u32 $0xC000, v0  }
0x38: {  	v29 =	vor.u32 $0xC800, v0;
	v30 =	vor.u32 $0xD000, v0;
	v31 =	vor.u32 $0xD800, v0  }
0x39: {  	v32 =	vor.u32 $0xE000, v0;
	v33 =	vor.u32 $0xE800, v0;
	v34 =	vor.u32 $0xF000, v0  }
0x3a: {  	v35 =	vor.u32 $0xF800, v0;
	v36 =	vor.u32 $0x10000, v0;
	v37 =	vor.u32 $0x10800, v0  }
0x3b: {  	v38 =	vor.u32 $0x11000, v0;
	v39 =	vor.u32 $0x11800, v0;
	v40 =	vsel vm0, $0x1F7A, v40  }
0x3c: {  	v63 =	vsel vm0, $0x3F7A, v41;
	v41 =	vsel vm14, $0xC7B, v46;
	v42 =	vsel vm13, $0x2CFB, v42  }
0x3d: {  	v46 =	vimm.s32 $0x3FFE;
	v43 =	vor.u32 $0x13800, v0;
	[tilespmem:$0x1FF30] =	vst v40;
	v40 =	vsel vm0, $0x5F7A, v44  }
0x3e: {  	v41 =	vsel vm13, $0xCFB, v41;
	v42 =	vsel vm12, $0x2D7B, v42;
	v44 =	vimm.s32 $0x7FFD  }
0x3f: {  	[tilespmem:$0x1FF50] =	vst v40;
	v40 =	vsel vm14, $0x6C7A, v45;
	v41 =	vsel vm12, $0xD7B, v41;
	v42 =	vsel vm11, $0x2DFB, v42  }
0x40: {  	v45 =	vimm.s32 $0x1FFE;
	v40 =	vsel vm13, $0x6CFA, v40;
	v41 =	vsel vm11, $0xDFB, v41  }
0x41: {  	v42 =	vsel vm10, $0x2E7B, v42;
	v40 =	vsel vm12, $0x6D7A, v40;
	v41 =	vsel vm10, $0xE7B, v41  }
0x42: {  	v42 =	vsel vm9, $0x2EFB, v42;
	v40 =	vsel vm11, $0x6DFA, v40;
	v41 =	vsel vm9, $0xEFB, v41  }
0x43: {  	v42 =	vsel vm8, $0x2F7B, v42;
	v40 =	vsel vm10, $0x6E7A, v40;
	v41 =	vsel vm8, $0xF7B, v41  }
0x44: {  	v42 =	vsel vm7, $0x2FFB, v42;
	v40 =	vsel vm9, $0x6EFA, v40;
	v41 =	vsel vm7, $0xFFB, v41  }
0x45: {  	v42 =	vsel vm6, $0x3C7B, v42;
	v40 =	vsel vm8, $0x6F7A, v40;
	v41 =	vsel vm6, $0x1C7B, v41  }
0x46: {  	v42 =	vsel vm5, $0x3CFB, v42;
	v40 =	vsel vm7, $0x6FFA, v40;
	v41 =	vsel vm5, $0x1CFB, v41  }
0x47: {  	v42 =	vsel vm4, $0x3D7B, v42;
	v40 =	vsel vm6, $0x7C7A, v40;
	v41 =	vsel vm4, $0x1D7B, v41  }
0x48: {  	v42 =	vsel vm3, $0x3DFB, v42;
	v40 =	vsel vm5, $0x7CFA, v40;
	v41 =	vsel vm3, $0x1DFB, v41  }
0x49: {  	v42 =	vsel vm2, $0x3E7B, v42;
	v40 =	vsel vm4, $0x7D7A, v40;
	v41 =	vsel vm2, $0x1E7B, v41  }
0x4a: {  	v49 =	vsel vm1, $0x3EFB, v42;
	v42 =	vsel vm14, $0xC7C, v52;
	v52 =	vimm.s32 $0x3FFF  }
0x4b: {  	v40 =	vsel vm3, $0x7DFA, v40;
	v41 =	vsel vm1, $0x1EFB, v41;
	v42 =	vsel vm13, $0xCFC, v42  }
0x4c: {  	v40 =	vsel vm2, $0x7E7A, v40;
	v48 =	vsel vm0, $0x1F7B, v41;
	v41 =	vsel vm14, $0x6C7B, v51  }
0x4d: {  	v42 =	vsel vm12, $0xD7C, v42;
	v40 =	vsel vm1, $0x7EFA, v40;
	v41 =	vsel vm13, $0x6CFB, v41  }
0x4e: {  	[tilespmem:$0x1FF70] =	vst v48;
	v42 =	vsel vm11, $0xDFC, v42;
	v48 =	vimm.s32 $0x5FFE;
	v40 =	vsel vm0, $0x7F7A, v40  }
0x4f: {  	v41 =	vsel vm12, $0x6D7B, v41;
	v42 =	vsel vm10, $0xE7C, v42;
	[tilespmem:$0x1FF60] =	vst v40;
	v40 =	vsel vm0, $0x3F7B, v49  }
0x50: {  	v41 =	vsel vm11, $0x6DFB, v41;
	v42 =	vsel vm9, $0xEFC, v42;
	v49 =	vimm.s32 $0x7FFE  }
0x51: {  	[tilespmem:$0x1FF80] =	vst v40;
	v40 =	vsel vm14, $0x4C7B, v50;
	v41 =	vsel vm10, $0x6E7B, v41;
	v42 =	vsel vm8, $0xF7C, v42  }
0x52: {  	v50 =	vimm.s32 $0x1FFF;
	v40 =	vsel vm13, $0x4CFB, v40;
	v41 =	vsel vm9, $0x6EFB, v41  }
0x53: {  	v42 =	vsel vm7, $0xFFC, v42;
	v40 =	vsel vm12, $0x4D7B, v40;
	v41 =	vsel vm8, $0x6F7B, v41  }
0x54: {  	v42 =	vsel vm6, $0x1C7C, v42;
	v40 =	vsel vm11, $0x4DFB, v40;
	v41 =	vsel vm7, $0x6FFB, v41  }
0x55: {  	v42 =	vsel vm5, $0x1CFC, v42;
	v40 =	vsel vm10, $0x4E7B, v40;
	v41 =	vsel vm6, $0x7C7B, v41  }
0x56: {  	v42 =	vsel vm4, $0x1D7C, v42;
	v40 =	vsel vm9, $0x4EFB, v40;
	v41 =	vsel vm5, $0x7CFB, v41  }
0x57: {  	v42 =	vsel vm3, $0x1DFC, v42;
	v40 =	vsel vm8, $0x4F7B, v40;
	v41 =	vsel vm4, $0x7D7B, v41  }
0x58: {  	v42 =	vsel vm2, $0x1E7C, v42;
	v40 =	vsel vm7, $0x4FFB, v40;
	v41 =	vsel vm3, $0x7DFB, v41  }
0x59: {  	v54 =	vsel vm1, $0x1EFC, v42;
	v42 =	vsel vm14, $0x6C7C, v57;
	v40 =	vsel vm6, $0x5C7B, v40  }
0x5a: {  	v41 =	vsel vm2, $0x7E7B, v41;
	v42 =	vsel vm13, $0x6CFC, v42;
	v40 =	vsel vm5, $0x5CFB, v40  }
0x5b: {  	v41 =	vsel vm1, $0x7EFB, v41;
	v42 =	vsel vm12, $0x6D7C, v42;
	v40 =	vsel vm4, $0x5D7B, v40  }
0x5c: {  	v53 =	vsel vm0, $0x7F7B, v41;
	v41 =	vsel vm14, $0x4C7C, v56;
	v40 =	vsel vm3, $0x5DFB, v40  }
0x5d: {  	v42 =	vsel vm11, $0x6DFC, v42;
	v41 =	vsel vm13, $0x4CFC, v41;
	v40 =	vsel vm2, $0x5E7B, v40  }
0x5e: {  	v42 =	vsel vm10, $0x6E7C, v42;
	v41 =	vsel vm12, $0x4D7C, v41;
	v40 =	vsel vm1, $0x5EFB, v40  }
0x5f: {  	v42 =	vsel vm9, $0x6EFC, v42;
	v41 =	vsel vm11, $0x4DFC, v41;
	v40 =	vsel vm0, $0x5F7B, v40  }
0x60: {  	v42 =	vsel vm8, $0x6F7C, v42;
	v41 =	vsel vm10, $0x4E7C, v41;
	[tilespmem:$0x1FF90] =	vst v40;
	v40 =	vsel vm0, $0x1F7C, v54  }
0x61: {  	v42 =	vsel vm7, $0x6FFC, v42;
	v41 =	vsel vm9, $0x4EFC, v41;
	[tilespmem:$0x1FFB0] =	vst v40;
	v40 =	vsel vm14, $0x2C7C, v55  }
0x62: {  	v42 =	vsel vm6, $0x7C7C, v42;
	v41 =	vsel vm8, $0x4F7C, v41;
	v40 =	vsel vm13, $0x2CFC, v40  }
0x63: {  	v42 =	vsel vm5, $0x7CFC, v42;
	v41 =	vsel vm7, $0x4FFC, v41;
	v40 =	vsel vm12, $0x2D7C, v40  }
0x64: {  	v42 =	vsel vm4, $0x7D7C, v42;
	v41 =	vsel vm6, $0x5C7C, v41;
	v40 =	vsel vm11, $0x2DFC, v40  }
0x65: {  	v42 =	vsel vm3, $0x7DFC, v42;
	v41 =	vsel vm5, $0x5CFC, v41;
	v40 =	vsel vm10, $0x2E7C, v40  }
0x66: {  	v42 =	vsel vm2, $0x7E7C, v42;
	v41 =	vsel vm4, $0x5D7C, v41;
	v40 =	vsel vm9, $0x2EFC, v40  }
0x67: {  	v59 =	vsel vm1, $0x7EFC, v42;
	v42 =	vsel vm14, $0x4C7D, v62;
	v40 =	vsel vm8, $0x2F7C, v40  }
0x68: {  	v62 =	vimm.s32 $0x7FFF;
	v41 =	vsel vm3, $0x5DFC, v41;
	v40 =	vsel vm7, $0x2FFC, v40  }
0x69: {  	v42 =	vsel vm13, $0x4CFD, v42;
	v41 =	vsel vm2, $0x5E7C, v41;
	v40 =	vsel vm6, $0x3C7C, v40  }
0x6a: {  	v42 =	vsel vm12, $0x4D7D, v42;
	v41 =	vsel vm1, $0x5EFC, v41;
	v40 =	vsel vm5, $0x3CFC, v40  }
0x6b: {  	v42 =	vsel vm11, $0x4DFD, v42;
	v58 =	vsel vm0, $0x5F7C, v41;
	v40 =	vsel vm4, $0x3D7C, v40  }
0x6c: {  	v41 =	vsel vm14, $0x2C7D, v61;
	v42 =	vsel vm10, $0x4E7D, v42;
	v40 =	vsel vm3, $0x3DFC, v40  }
0x6d: {  	v61 =	vimm.s32 $0x5FFF;
	v41 =	vsel vm13, $0x2CFD, v41;
	v40 =	vsel vm2, $0x3E7C, v40  }
0x6e: {  	v42 =	vsel vm9, $0x4EFD, v42;
	v41 =	vsel vm12, $0x2D7D, v41;
	v40 =	vsel vm1, $0x3EFC, v40  }
0x6f: {  	v42 =	vsel vm8, $0x4F7D, v42;
	v41 =	vsel vm11, $0x2DFD, v41;
	v40 =	vsel vm0, $0x3F7C, v40  }
0x70: {  	v42 =	vsel vm7, $0x4FFD, v42;
	v41 =	vsel vm10, $0x2E7D, v41;
	[tilespmem:$0x1FFC0] =	vst v40;
	v40 =	vsel vm0, $0x7F7C, v59  }
0x71: {  	v42 =	vsel vm6, $0x5C7D, v42;
	v41 =	vsel vm9, $0x2EFD, v41;
	[tilespmem:$0x1FFE0] =	vst v40;
	v40 =	vsel vm14, $0xC7D, v60  }
0x72: {  	v42 =	vsel vm5, $0x5CFD, v42;
	v41 =	vsel vm8, $0x2F7D, v41;
	v40 =	vsel vm13, $0xCFD, v40  }
0x73: {  	v42 =	vsel vm4, $0x5D7D, v42;
	v41 =	vsel vm7, $0x2FFD, v41;
	v40 =	vsel vm12, $0xD7D, v40  }
0x74: {  	v42 =	vsel vm3, $0x5DFD, v42;
	v41 =	vsel vm6, $0x3C7D, v41;
	v40 =	vsel vm11, $0xDFD, v40  }
0x75: {  	v42 =	vsel vm2, $0x5E7D, v42;
	v41 =	vsel vm5, $0x3CFD, v41;
	v40 =	vsel vm10, $0xE7D, v40  }
0x76: {  	[tilespmem:$0x1FF40] =	vst v63;
	v63 =	vsel vm1, $0x5EFD, v42;
	v42 =	vsel vm14, $0x2C7E, v46;
	v40 =	vsel vm9, $0xEFD, v40  }
0x77: {  	v46 =	vor.u32 $0x15000, v0;
	v41 =	vsel vm4, $0x3D7D, v41;
	v40 =	vsel vm8, $0xF7D, v40  }
0x78: {  	v54 =	vsel vm0, $0x5F7D, v63;
	v42 =	vsel vm13, $0x2CFE, v42;
	v40 =	vsel vm7, $0xFFD, v40  }
0x79: {  	v41 =	vsel vm3, $0x3DFD, v41;
	v42 =	vsel vm12, $0x2D7E, v42;
	v40 =	vsel vm6, $0x1C7D, v40  }
0x7a: {  	v41 =	vsel vm2, $0x3E7D, v41;
	v42 =	vsel vm11, $0x2DFE, v42;
	v40 =	vsel vm5, $0x1CFD, v40  }
0x7b: {  	v41 =	vsel vm1, $0x3EFD, v41;
	v42 =	vsel vm10, $0x2E7E, v42;
	v40 =	vsel vm4, $0x1D7D, v40  }
0x7c: {  	[tilespmem:$0x1FFA0] =	vst v53;
	v53 =	vsel vm0, $0x3F7D, v41;
	v41 =	vsel vm14, $0xC7E, v45;
	v40 =	vsel vm3, $0x1DFD, v40  }
0x7d: {  	v42 =	vsel vm9, $0x2EFE, v42;
	v45 =	vor.u32 $0x14800, v0;
	v40 =	vsel vm2, $0x1E7D, v40  }
0x7e: {  	v41 =	vsel vm13, $0xCFE, v41;
	v42 =	vsel vm8, $0x2F7E, v42;
	v40 =	vsel vm1, $0x1EFD, v40  }
0x7f: {  	v41 =	vsel vm12, $0xD7E, v41;
	v42 =	vsel vm7, $0x2FFE, v42;
	v40 =	vsel vm0, $0x1F7D, v40  }
0x80: {  	v41 =	vsel vm11, $0xDFE, v41;
	v42 =	vsel vm6, $0x3C7E, v42;
	[tilespmem:$0x1FFF0] =	vst v40;
	v40 =	vsel vm14, $0x6C7D, v44  }
0x81: {  	v41 =	vsel vm10, $0xE7E, v41;
	v42 =	vsel vm5, $0x3CFE, v42;
	v40 =	vsel vm13, $0x6CFD, v40  }
0x82: {  	v41 =	vsel vm9, $0xEFE, v41;
	v42 =	vsel vm4, $0x3D7E, v42;
	v40 =	vsel vm12, $0x6D7D, v40  }
0x83: {  	v41 =	vsel vm8, $0xF7E, v41;
	v42 =	vsel vm3, $0x3DFE, v42;
	v40 =	vsel vm11, $0x6DFD, v40  }
0x84: {  	v41 =	vsel vm7, $0xFFE, v41;
	v42 =	vsel vm2, $0x3E7E, v42;
	v40 =	vsel vm10, $0x6E7D, v40  }
0x85: {  	v41 =	vsel vm6, $0x1C7E, v41;
	v47 =	vsel vm1, $0x3EFE, v42;
	v40 =	vsel vm9, $0x6EFD, v40  }
0x86: {  	v42 =	vsel vm14, $0xC7F, v50;
	v41 =	vsel vm5, $0x1CFE, v41;
	v40 =	vsel vm8, $0x6F7D, v40  }
0x87: {  	v57 =	vsel vm0, $0x3F7E, v47;
	v42 =	vsel vm13, $0xCFF, v42;
	v40 =	vsel vm7, $0x6FFD, v40  }
0x88: {  	v44 =	vor.u32 $0x14000, v0;
	v47 =	vor.u32 $0x15800, v0;
	v40 =	vsel vm6, $0x7C7D, v40  }
0x89: {  	v41 =	vsel vm4, $0x1D7E, v41;
	v42 =	vsel vm12, $0xD7F, v42;
	v40 =	vsel vm5, $0x7CFD, v40  }
0x8a: {  	v41 =	vsel vm3, $0x1DFE, v41;
	v42 =	vsel vm11, $0xDFF, v42;
	v40 =	vsel vm4, $0x7D7D, v40  }
0x8b: {  	v41 =	vsel vm2, $0x1E7E, v41;
	v42 =	vsel vm10, $0xE7F, v42;
	v40 =	vsel vm3, $0x7DFD, v40  }
0x8c: {  	v41 =	vsel vm1, $0x1EFE, v41;
	v42 =	vsel vm9, $0xEFF, v42;
	v40 =	vsel vm2, $0x7E7D, v40  }
0x8d: {  	v56 =	vsel vm0, $0x1F7E, v41;
	v41 =	vsel vm14, $0x6C7E, v49;
	v40 =	vsel vm1, $0x7EFD, v40  }
0x8e: {  	v41 =	vsel vm13, $0x6CFE, v41;
	v55 =	vsel vm0, $0x7F7D, v40;
	v40 =	vsel vm14, $0x4C7E, v48  }
0x8f: {  	v42 =	vsel vm8, $0xF7F, v42;
	v41 =	vsel vm12, $0x6D7E, v41;
	v40 =	vsel vm13, $0x4CFE, v40  }
0x90: {  	v42 =	vsel vm7, $0xFFF, v42;
	v41 =	vsel vm11, $0x6DFE, v41;
	v40 =	vsel vm12, $0x4D7E, v40  }
0x91: {  	v42 =	vsel vm6, $0x1C7F, v42;
	v41 =	vsel vm10, $0x6E7E, v41;
	v40 =	vsel vm11, $0x4DFE, v40  }
0x92: {  	v42 =	vsel vm5, $0x1CFF, v42;
	v41 =	vsel vm9, $0x6EFE, v41;
	v40 =	vsel vm10, $0x4E7E, v40  }
0x93: {  	v42 =	vsel vm4, $0x1D7F, v42;
	v41 =	vsel vm8, $0x6F7E, v41;
	v40 =	vsel vm9, $0x4EFE, v40  }
0x94: {  	v42 =	vsel vm3, $0x1DFF, v42;
	v41 =	vsel vm7, $0x6FFE, v41;
	v40 =	vsel vm8, $0x4F7E, v40  }
0x95: {  	v42 =	vsel vm2, $0x1E7F, v42;
	v41 =	vsel vm6, $0x7C7E, v41;
	v40 =	vsel vm7, $0x4FFE, v40  }
0x96: {  	v51 =	vsel vm1, $0x1EFF, v42;
	v41 =	vsel vm5, $0x7CFE, v41;
	v40 =	vsel vm6, $0x5C7E, v40  }
0x97: {  	v42 =	vsel vm14, $0x6C7F, v62;
	v41 =	vsel vm4, $0x7D7E, v41;
	v40 =	vsel vm5, $0x5CFE, v40  }
0x98: {  	v60 =	vsel vm0, $0x1F7F, v51;
	v41 =	vsel vm3, $0x7DFE, v41;
	v40 =	vsel vm4, $0x5D7E, v40  }
0x99: {  	v42 =	vsel vm13, $0x6CFF, v42;
	v41 =	vsel vm2, $0x7E7E, v41;
	v40 =	vsel vm3, $0x5DFE, v40  }
0x9a: {  	s4 =	rddreg [dreg:$0x0];
	v42 =	vsel vm12, $0x6D7F, v42;
	v41 =	vsel vm1, $0x7EFE, v41;
	v40 =	vsel vm2, $0x5E7E, v40  }
0x9b: {  	s0 =	rddreg [dreg:$0x1];
	v59 =	vsel vm0, $0x7F7E, v41;
	v41 =	vsel vm14, $0x4C7F, v61;
	v40 =	vsel vm1, $0x5EFE, v40  }
0x9c: {  	s5 =	rddreg [dreg:$0x2];
	[tilespmem:$0x1FFD0] =	vst v58;
	v41 =	vsel vm13, $0x4CFF, v41;
	v58 =	vsel vm0, $0x5F7E, v40;
	v40 =	vsel vm14, $0x2C7F, v52  }
0x9d: {  	s1 =	rddreg [dreg:$0x3];
	s6 =	srdreg.scid;
	v42 =	vsel vm11, $0x6DFF, v42;
	v41 =	vsel vm12, $0x4D7F, v41;
	v40 =	vsel vm13, $0x2CFF, v40  }
0x9e: {  	s3 =	simm.s32 $0x0;
	s2 =	stileid.u32;
	s10 =	simm.s32 $0x200;
	v42 =	vsel vm10, $0x6E7F, v42;
	v41 =	vsel vm11, $0x4DFF, v41;
	v40 =	vsel vm12, $0x2D7F, v40  }
0x9f: {  	s11 =	simm.s32 $0x2200;
	s13 =	simm.s32 $0xC200;
	s12 =	simm.s32 $0x4200;
	v42 =	vsel vm9, $0x6EFF, v42;
	v41 =	vsel vm10, $0x4E7F, v41;
	v40 =	vsel vm11, $0x2DFF, v40  }
0xa0: {  	s14 =	simm.s32 $0xE200;
	s15 =	simm.s32 $0x10200;
	s16 =	simm.s32 $0x12200;
	v42 =	vsel vm8, $0x6F7F, v42;
	v41 =	vsel vm9, $0x4EFF, v41;
	v40 =	vsel vm10, $0x2E7F, v40  }
0xa1: {  	s31 =	simm.s32 $0x14200;
	s17 =	simm.s32 $0x16200;
	s18 =	simm.s32 $0x1000;
	v42 =	vsel vm7, $0x6FFF, v42;
	v41 =	vsel vm8, $0x4F7F, v41;
	v40 =	vsel vm9, $0x2EFF, v40  }
0xa2: {  	s19 =	simm.s32 $0x20000;
	s20 =	simm.s32 $0x0;
	s6 =	sand.u32 $0x1, s6;
	v42 =	vsel vm6, $0x7C7F, v42;
	v41 =	vsel vm7, $0x4FFF, v41;
	v40 =	vsel vm8, $0x2F7F, v40  }
0xa3: {  	s8 =	sshll.u32 s2, $0xA;
	s7 =	ssub.s32 $0x2, s6;
	s6 =	sshll.u32 s6, $0x9;
	v42 =	vsel vm5, $0x7CFF, v42;
	v41 =	vsel vm6, $0x5C7F, v41;
	v40 =	vsel vm7, $0x2FFF, v40  }
0xa4: {  	[smem:$0x7FF] =	sst s3;
	s9 =	sshrl.u32 s7, $0x1;
	s6 =	sor.u32 s6, s8;
	v42 =	vsel vm4, $0x7D7F, v42;
	v41 =	vsel vm5, $0x5CFF, v41;
	v40 =	vsel vm6, $0x3C7F, v40  }
0xa5: {  	s7 =	ssub.s32 s7, s9;
	s8 =	sshrl.u32 s6, $0x3;
	s9 =	simm.s32 $0x7A1400;
	v42 =	vsel vm3, $0x7DFF, v42;
	v41 =	vsel vm4, $0x5D7F, v41;
	v40 =	vsel vm5, $0x3CFF, v40  }
0xa6: {  	s5 =	sadd.s32 s5, s6;
	_ =	strace $0x80000047;
	[dreg:$0x4] =	wrdreg s13;
	v42 =	vsel vm2, $0x7E7F, v42;
	v41 =	vsel vm3, $0x5DFF, v41;
	v40 =	vsel vm4, $0x3D7F, v40  }
0xa7: {  	s4 =	sadd.s32 s4, s8;
	s6 =	smax.u32 s7, $0x1;
	[dreg:$0x5] =	wrdreg s14;
	v63 =	vsel vm1, $0x7EFF, v42;
	v41 =	vsel vm2, $0x5E7F, v41;
	v40 =	vsel vm3, $0x3DFF, v40  }
0xa8: {  	s7 =	simm.s32 $0x2;
	s8 =	simm.s32 $0x400;
	[dreg:$0x6] =	wrdreg s15;
	v42 =	vor.u32 $0x13000, v0;
	v41 =	vsel vm1, $0x5EFF, v41;
	v40 =	vsel vm2, $0x3E7F, v40  }
0xa9: {  	s13 =	simm.s32 $0x6200;
	s14 =	simm.s32 $0x8200;
	[dreg:$0x7] =	wrdreg s16;
	v63 =	vsel vm0, $0x7F7F, v63;
	v62 =	vsel vm0, $0x5F7F, v41;
	v40 =	vsel vm1, $0x3EFF, v40  }
0xaa: {  	s15 =	simm.s32 $0xA200;
	[dreg:$0x8] =	wrdreg s31;
	s16 =	simm.s32 $0x1;
	v41 =	vor.u32 $0x12800, v0;
	v61 =	vsel vm0, $0x3F7F, v40;
	v40 =	vor.u32 $0x12000, v0  }
.LBB2_1:
0xab: {  	[tilespmem:s3], [sflag:$0x2] =	stream.linear.gather [hbm4b:s4+s3], $0x200, $0x38;
	[tilespmem:$0x1E200] =	vst v63  }
0xac: {  	_ =	swait.ge [sflag:s7], $0x200  }
0xad: {  	[sflag:s7] =	ssyncset.done $0x0  }
0xae: {  	s22 =	simm.s32 $0x0;
	[sflag:s7] =	ssyncadd.s32 $0xFFFFFE00  }
0xaf: {  	v48 =	vld [tilespmem:s22+$0x0];
	_ =	sdelay $0x4  }
0xb0: {  	v49 =	vshra.s32 v48, $0x1F  }
0xb1: {  	v49 =	vshrl.u32 v49, $0x19  }
0xb2: {  	v49 =	vadd.s32 v49, v48  }
0xb3: {  	v50 =	vand.u32 $0xFFFFFF80, v48;
	v49 =	vshrl.u32 v49, $0x7  }
0xb4: {  	(v2sf) =	vpush v50, $0x7;
	v49 =	vshll.u32 v49, $0x7  }
0xb5: {  	(v2sf) =	vpush v50, $0x0;
	v49 =	vsub.s32 v48, v49  }
0xb6: {  	(v2sf) =	vpush v49, $0x0;
	_ =	sdelay $0x1  }
0xb7: {  	(v2sf) =	vpush v50, $0x1  }
0xb8: {  	(v2sf) =	vpush v49, $0x1  }
0xb9: {  	(v2sf) =	vpush v50, $0x2  }
0xba: {  	(v2sf) =	vpush v49, $0x2  }
0xbb: {  	(v2sf) =	vpush v50, $0x3  }
0xbc: {  	(v2sf) =	vpush v49, $0x3  }
0xbd: {  	(v2sf) =	vpush v50, $0x4  }
0xbe: {  	(v2sf) =	vpush v49, $0x4  }
0xbf: {  	(v2sf) =	vpush v50, $0x5  }
0xc0: {  	(v2sf) =	vpush v49, $0x5  }
0xc1: {  	(v2sf) =	vpush v50, $0x6  }
0xc2: {  	s23 =	spop (v2sf);
	(v2sf) =	vpush v49, $0x6  }
0xc3: {  	s21 =	spop (v2sf);
	(v2sf) =	vpush v50, $0xE  }
0xc4: {  	[smem:s22] =	sst s21;
	(v2sf) =	vpush v49, $0x7;
	s30 =	spop (v2sf)  }
0xc5: {  	(v2sf) =	vpush v50, $0x8;
	[smem:$0x200] =	sst s30  }
0xc6: {  	s21 =	spop (v2sf)  }
0xc7: {  	(v2sf) =	vpush v49, $0x8;
	[smem:$0x1] =	sst s21  }
0xc8: {  	s21 =	spop (v2sf)  }
0xc9: {  	(v2sf) =	vpush v50, $0x9;
	[smem:$0x201] =	sst s21  }
0xca: {  	s21 =	spop (v2sf)  }
0xcb: {  	(v2sf) =	vpush v49, $0x9;
	[smem:$0x2] =	sst s21  }
0xcc: {  	s21 =	spop (v2sf)  }
0xcd: {  	(v2sf) =	vpush v50, $0xA;
	[smem:$0x202] =	sst s21  }
0xce: {  	s24 =	spop (v2sf)  }
0xcf: {  	(v2sf) =	vpush v49, $0xA;
	[smem:$0x3] =	sst s24  }
0xd0: {  	s21 =	simm.s32 $0x10;
	s24 =	spop (v2sf)  }
0xd1: {  	(v2sf) =	vpush v50, $0xB;
	v51 =	vld [tilespmem:s21+$0x0];
	[smem:$0x203] =	sst s24  }
0xd2: {  	s24 =	spop (v2sf)  }
0xd3: {  	(v2sf) =	vpush v49, $0xB;
	[smem:$0x4] =	sst s24  }
0xd4: {  	s24 =	spop (v2sf)  }
0xd5: {  	(v2sf) =	vpush v50, $0xC;
	[smem:$0x204] =	sst s24  }
0xd6: {  	s24 =	spop (v2sf)  }
0xd7: {  	(v2sf) =	vpush v49, $0xC;
	[smem:$0x5] =	sst s24  }
0xd8: {  	s24 =	spop (v2sf)  }
0xd9: {  	(v2sf) =	vpush v50, $0xD;
	[smem:$0x205] =	sst s24  }
0xda: {  	s24 =	spop (v2sf)  }
0xdb: {  	(v2sf) =	vpush v49, $0xD;
	[smem:$0x6] =	sst s24  }
0xdc: {  	v48 =	vand.u32 $0xFFFFFF80, v51;
	(v2sf) =	vpush v49, $0xE;
	s24 =	spop (v2sf)  }
0xdd: {  	(v2sf) =	vpush v48, $0x7;
	[smem:$0x206] =	sst s24  }
0xde: {  	s24 =	spop (v2sf);
	[smem:$0x7] =	sst s23  }
0xdf: {  	s23 =	spop (v2sf)  }
0xe0: {  	v52 =	vshra.s32 v51, $0x1F;
	(v2sf) =	vpush v50, $0xF;
	[smem:$0x207] =	sst s23  }
0xe1: {  	v50 =	vshrl.u32 v52, $0x19;
	(v2sf) =	vpush v49, $0xF;
	s23 =	spop (v2sf)  }
0xe2: {  	v52 =	vadd.s32 v50, v51;
	(v2sf) =	vpush v48, $0x0;
	[smem:$0x8] =	sst s23  }
0xe3: {  	v49 =	vshrl.u32 v52, $0x7;
	s23 =	spop (v2sf)  }
0xe4: {  	v49 =	vshll.u32 v49, $0x7;
	[smem:$0x208] =	sst s23  }
0xe5: {  	v49 =	vsub.s32 v51, v49;
	s23 =	spop (v2sf)  }
0xe6: {  	(v2sf) =	vpush v49, $0x0;
	[smem:$0x9] =	sst s23  }
0xe7: {  	s23 =	spop (v2sf)  }
0xe8: {  	(v2sf) =	vpush v48, $0x1;
	[smem:$0x209] =	sst s23  }
0xe9: {  	s23 =	spop (v2sf)  }
0xea: {  	(v2sf) =	vpush v49, $0x1;
	[smem:$0xA] =	sst s23  }
0xeb: {  	s23 =	spop (v2sf)  }
0xec: {  	(v2sf) =	vpush v48, $0x2;
	[smem:$0x20A] =	sst s23  }
0xed: {  	s23 =	spop (v2sf)  }
0xee: {  	(v2sf) =	vpush v49, $0x2;
	[smem:$0xB] =	sst s23  }
0xef: {  	s23 =	spop (v2sf)  }
0xf0: {  	(v2sf) =	vpush v48, $0x3;
	[smem:$0x20B] =	sst s23  }
0xf1: {  	s23 =	spop (v2sf)  }
0xf2: {  	(v2sf) =	vpush v49, $0x3;
	[smem:$0xC] =	sst s23  }
0xf3: {  	s23 =	spop (v2sf)  }
0xf4: {  	(v2sf) =	vpush v48, $0x4;
	[smem:$0x20C] =	sst s23  }
0xf5: {  	s23 =	spop (v2sf)  }
0xf6: {  	(v2sf) =	vpush v49, $0x4;
	[smem:$0xD] =	sst s23  }
0xf7: {  	s23 =	spop (v2sf)  }
0xf8: {  	(v2sf) =	vpush v48, $0x5;
	[smem:$0x20D] =	sst s23  }
0xf9: {  	s25 =	spop (v2sf)  }
0xfa: {  	(v2sf) =	vpush v49, $0x5;
	s23 =	spop (v2sf);
	[smem:$0xE] =	sst s24  }
0xfb: {  	(v2sf) =	vpush v48, $0x6;
	[smem:$0x20E] =	sst s25  }
0xfc: {  	s31 =	spop (v2sf)  }
0xfd: {  	(v2sf) =	vpush v49, $0x6;
	[smem:$0xF] =	sst s31  }
0xfe: {  	s25 =	simm.s32 $0x80;
	s26 =	spop (v2sf)  }
.LBB2_2:
0xff: {  	s28 =	spop (v2sf);
	[smem:s22+$0x20F] =	sst s26  }
0x100: {  	(v2sf) =	vpush v48, $0xE;
	s26 =	smov.u32 s25;
	s24 =	sadd.s32 $0x40, s25;
	s22 =	smov.u32 s21  }
0x101: {  	p0 =	sne.s32 s25, $0x7C0;
	[smem:s22] =	sst s28;
	(v2sf) =	vpush v49, $0x7  }
0x102: {  	s21 =	spop (v2sf);
	(v2sf) =	vpush v48, $0x8  }
0x103: {  	[smem:s22+$0x200] =	sst s21;
	s21 =	spop (v2sf);
	(v2sf) =	vpush v49, $0x8  }
0x104: {  	[smem:s22+$0x1] =	sst s21;
	s21 =	spop (v2sf);
	(v2sf) =	vpush v48, $0x9  }
0x105: {  	[smem:s22+$0x201] =	sst s21;
	s21 =	spop (v2sf);
	(v2sf) =	vpush v49, $0x9  }
0x106: {  	[smem:s22+$0x2] =	sst s21;
	s21 =	spop (v2sf);
	(v2sf) =	vpush v48, $0xA  }
0x107: {  	[smem:s22+$0x202] =	sst s21;
	s25 =	spop (v2sf);
	(v2sf) =	vpush v49, $0xA  }
0x108: {  	s21 =	sshra.s32 s26, $0x2;
	[smem:s22+$0x3] =	sst s25;
	s25 =	spop (v2sf);
	(v2sf) =	vpush v48, $0xB  }
0x109: {  	v50 =	vld [tilespmem:s21+$0x0];
	[smem:s22+$0x203] =	sst s25;
	s25 =	spop (v2sf);
	(v2sf) =	vpush v49, $0xB  }
0x10a: {  	[smem:s22+$0x4] =	sst s25;
	s25 =	spop (v2sf);
	(v2sf) =	vpush v48, $0xC  }
0x10b: {  	[smem:s22+$0x204] =	sst s25;
	s25 =	spop (v2sf);
	(v2sf) =	vpush v49, $0xC  }
0x10c: {  	[smem:s22+$0x5] =	sst s25;
	s25 =	spop (v2sf);
	(v2sf) =	vpush v48, $0xD  }
0x10d: {  	[smem:s22+$0x205] =	sst s25;
	s25 =	spop (v2sf);
	(v2sf) =	vpush v49, $0xD  }
0x10e: {  	v51 =	vand.u32 $0xFFFFFF80, v50;
	v52 =	vshra.s32 v50, $0x1F;
	[smem:s22+$0x6] =	sst s25;
	s25 =	spop (v2sf);
	(v2sf) =	vpush v49, $0xE  }
0x10f: {  	v52 =	vshrl.u32 v52, $0x19;
	(v2sf) =	vpush v51, $0x7;
	[smem:s22+$0x206] =	sst s25;
	s25 =	spop (v2sf)  }
0x110: {  	v52 =	vadd.s32 v52, v50;
	[smem:s22+$0x7] =	sst s23;
	s23 =	spop (v2sf);
	(v2sf) =	vpush v48, $0xF;
	v48 =	vmov v51  }
0x111: {  	v51 =	vshrl.u32 v52, $0x7;
	[smem:s22+$0x207] =	sst s23;
	s23 =	spop (v2sf);
	(v2sf) =	vpush v49, $0xF  }
0x112: {  	v49 =	vshll.u32 v51, $0x7;
	(v2sf) =	vpush v48, $0x0;
	[smem:s22+$0x8] =	sst s23;
	s23 =	spop (v2sf)  }
0x113: {  	v49 =	vsub.s32 v50, v49;
	[smem:s22+$0x208] =	sst s23;
	s23 =	spop (v2sf)  }
0x114: {  	(v2sf) =	vpush v49, $0x0;
	[smem:s22+$0x9] =	sst s23;
	s23 =	spop (v2sf)  }
0x115: {  	(v2sf) =	vpush v48, $0x1;
	[smem:s22+$0x209] =	sst s23;
	s23 =	spop (v2sf)  }
0x116: {  	(v2sf) =	vpush v49, $0x1;
	[smem:s22+$0xA] =	sst s23;
	s23 =	spop (v2sf)  }
0x117: {  	(v2sf) =	vpush v48, $0x2;
	[smem:s22+$0x20A] =	sst s23;
	s23 =	spop (v2sf)  }
0x118: {  	(v2sf) =	vpush v49, $0x2;
	[smem:s22+$0xB] =	sst s23;
	s23 =	spop (v2sf)  }
0x119: {  	(v2sf) =	vpush v48, $0x3;
	[smem:s22+$0x20B] =	sst s23;
	s23 =	spop (v2sf)  }
0x11a: {  	(v2sf) =	vpush v49, $0x3;
	[smem:s22+$0xC] =	sst s23;
	s23 =	spop (v2sf)  }
0x11b: {  	(v2sf) =	vpush v48, $0x4;
	[smem:s22+$0x20C] =	sst s23;
	s23 =	spop (v2sf)  }
0x11c: {  	[smem:s22+$0xD] =	sst s23  }
.Ltmp0:
0x11d: {  	(v2sf) =	vpush v49, $0x4;
	s23 =	spop (v2sf);
	(pc) =	sbr.rel @p0 .LBB2_2-.Ltmp0, $4  }
0x11e: {  	(v2sf) =	vpush v48, $0x5;
	[smem:s22+$0x20D] =	sst s23;
	s26 =	spop (v2sf)  }
0x11f: {  	(v2sf) =	vpush v49, $0x5;
	s23 =	spop (v2sf);
	[smem:s22+$0xE] =	sst s25  }
0x120: {  	(v2sf) =	vpush v48, $0x6;
	[smem:s22+$0x20E] =	sst s26;
	s25 =	spop (v2sf)  }
0x121: {  	(v2sf) =	vpush v49, $0x6;
	[smem:s22+$0xF] =	sst s25;
	s26 =	spop (v2sf);
	s25 =	smov.u32 s24  }
0x122: {  	(v2sf) =	vpush v48, $0xE  }
0x123: {  	s24 =	spop (v2sf);
	[smem:s22+$0x20F] =	sst s26;
	(v2sf) =	vpush v49, $0x7  }
0x124: {  	[smem:s21] =	sst s24;
	s31 =	spop (v2sf);
	(v2sf) =	vpush v48, $0x8  }
0x125: {  	[smem:s21+$0x200] =	sst s31;
	s24 =	spop (v2sf);
	(v2sf) =	vpush v49, $0x8  }
0x126: {  	[smem:s21+$0x1] =	sst s24;
	s25 =	spop (v2sf);
	(v2sf) =	vpush v48, $0x9  }
0x127: {  	[smem:s21+$0x201] =	sst s25;
	s26 =	spop (v2sf);
	(v2sf) =	vpush v49, $0x9  }
0x128: {  	[smem:s21+$0x2] =	sst s26;
	s28 =	spop (v2sf);
	(v2sf) =	vpush v48, $0xA  }
0x129: {  	[smem:s21+$0x202] =	sst s28;
	s29 =	spop (v2sf);
	(v2sf) =	vpush v49, $0xA  }
0x12a: {  	[smem:s21+$0x3] =	sst s29;
	s30 =	spop (v2sf);
	(v2sf) =	vpush v48, $0xB  }
0x12b: {  	[smem:s21+$0x203] =	sst s30;
	s31 =	spop (v2sf);
	(v2sf) =	vpush v49, $0xB  }
0x12c: {  	[smem:s21+$0x4] =	sst s31;
	s24 =	spop (v2sf);
	(v2sf) =	vpush v48, $0xC  }
0x12d: {  	[smem:s21+$0x204] =	sst s24;
	s25 =	spop (v2sf);
	(v2sf) =	vpush v49, $0xC  }
0x12e: {  	[smem:s21+$0x5] =	sst s25;
	s26 =	spop (v2sf);
	(v2sf) =	vpush v48, $0xD  }
0x12f: {  	[smem:s21+$0x205] =	sst s26;
	s28 =	spop (v2sf);
	(v2sf) =	vpush v49, $0xD  }
0x130: {  	[smem:s21+$0x6] =	sst s28;
	s29 =	spop (v2sf)  }
0x131: {  	(v2sf) =	vpush v49, $0xE;
	[smem:s21+$0x206] =	sst s29;
	s22 =	spop (v2sf)  }
0x132: {  	[smem:s21+$0x7] =	sst s23;
	s30 =	spop (v2sf);
	(v2sf) =	vpush v48, $0xF  }
0x133: {  	[smem:s21+$0x207] =	sst s30;
	s31 =	spop (v2sf);
	(v2sf) =	vpush v49, $0xF  }
0x134: {  	[smem:s21+$0x8] =	sst s31;
	s24 =	spop (v2sf)  }
0x135: {  	[smem:s21+$0x208] =	sst s24;
	s25 =	spop (v2sf)  }
0x136: {  	[smem:s21+$0x9] =	sst s25;
	s26 =	spop (v2sf)  }
0x137: {  	[smem:s21+$0x209] =	sst s26;
	s28 =	spop (v2sf)  }
0x138: {  	[smem:s21+$0xA] =	sst s28;
	s29 =	spop (v2sf)  }
0x139: {  	[smem:s21+$0x20A] =	sst s29;
	s30 =	spop (v2sf)  }
0x13a: {  	[smem:s21+$0xB] =	sst s30;
	s31 =	spop (v2sf)  }
0x13b: {  	[smem:s21+$0x20B] =	sst s31;
	s24 =	spop (v2sf)  }
0x13c: {  	[smem:s21+$0xC] =	sst s24;
	s25 =	spop (v2sf)  }
0x13d: {  	[smem:s21+$0x20C] =	sst s25;
	s26 =	spop (v2sf)  }
0x13e: {  	[smem:s21+$0xD] =	sst s26;
	s28 =	spop (v2sf)  }
0x13f: {  	[smem:s21+$0x20D] =	sst s28  }
0x140: {  	s29 =	spop (v2sf);
	[smem:s21+$0xE] =	sst s22  }
0x141: {  	[smem:s21+$0x20E] =	sst s29;
	s30 =	spop (v2sf)  }
0x142: {  	s23 =	simm.s32 $0x5;
	[smem:s21+$0xF] =	sst s30;
	s31 =	spop (v2sf)  }
0x143: {  	s22 =	simm.s32 $0x205;
	[smem:s21+$0x20F] =	sst s31;
	s21 =	simm.s32 $0x0  }
.LBB2_4:
0x144: {  	s24 =	sld [smem:s23+$0xFFFFFFFB]  }
0x145: {  	s25 =	sld [smem:s23+$0xFFFFFFFC];
	_ =	sdelay $0x1  }
0x146: {  	s31 =	sld [smem:s23+$0xFFFFFFFD];
	s24 =	sand.u32 $0xFFFFF80, s24  }
0x147: {  	s26 =	sld [smem:s23+$0xFFFFFFFE];
	s30 =	sand.u32 $0xFFFFF80, s25;
	s24 =	sadd.s32 s0, s24  }
0x148: {  	[tilespmem:s10], [sflag:$0x1] =	stream.strided.gather [hbm4b:s24+s8], $0x2000, s9, s8, $0x38;
	[tilespmem:$0x1E200] =	vst v63  }
0x149: {  	s29 =	sld [smem:s23+$0xFFFFFFFF];
	s25 =	sand.u32 $0xFFFFF80, s31;
	s24 =	sadd.s32 s0, s30  }
0x14a: {  	[tilespmem:s11], [sflag:$0x1] =	stream.strided.gather [hbm4b:s24+s8], $0x2000, s9, s8, $0x38;
	[tilespmem:$0x1E200] =	vst v63  }
0x14b: {  	s28 =	sand.u32 $0xFFFFF80, s26;
	s31 =	sld [smem:s23+$0x0];
	s24 =	sadd.s32 s0, s25  }
0x14c: {  	[tilespmem:s12], [sflag:$0x1] =	stream.strided.gather [hbm4b:s24+s8], $0x2000, s9, s8, $0x38;
	[tilespmem:$0x1E200] =	vst v63  }
0x14d: {  	s26 =	sld [smem:s23+$0x1];
	s30 =	sand.u32 $0xFFFFF80, s29;
	s24 =	sadd.s32 s0, s28  }
0x14e: {  	[tilespmem:s13], [sflag:$0x1] =	stream.strided.gather [hbm4b:s24+s8], $0x2000, s9, s8, $0x38;
	[tilespmem:$0x1E200] =	vst v63  }
0x14f: {  	s25 =	sand.u32 $0xFFFFF80, s31;
	s24 =	sadd.s32 s0, s30  }
0x150: {  	[tilespmem:s14], [sflag:$0x1] =	stream.strided.gather [hbm4b:s24+s8], $0x2000, s9, s8, $0x38;
	[tilespmem:$0x1E200] =	vst v63  }
0x151: {  	s24 =	sadd.s32 s0, s25;
	s25 =	sand.u32 $0xFFFFF80, s26;
	s26 =	sld [smem:s23+$0x2]  }
0x152: {  	s31 =	sld [smem:s23+$0x3]  }
0x153: {  	[tilespmem:s15], [sflag:$0x1] =	stream.strided.gather [hbm4b:s24+s8], $0x2000, s9, s8, $0x38;
	[tilespmem:$0x1E200] =	vst v63  }
0x154: {  	s28 =	rddreg [dreg:$0x4];
	s25 =	sadd.s32 s0, s25;
	s30 =	sand.u32 $0xFFFFF80, s26  }
0x155: {  	[tilespmem:s28], [sflag:$0x1] =	stream.strided.gather [hbm4b:s25+s8], $0x2000, s9, s8, $0x38;
	[tilespmem:$0x1E200] =	vst v63  }
0x156: {  	s29 =	rddreg [dreg:$0x5];
	s25 =	sadd.s32 s0, s30  }
0x157: {  	[tilespmem:s29], [sflag:$0x1] =	stream.strided.gather [hbm4b:s25+s8], $0x2000, s9, s8, $0x38;
	[tilespmem:$0x1E200] =	vst v63  }
0x158: {  	s30 =	sld [smem:s23+$0x4];
	s29 =	sand.u32 $0xFFFFF80, s31  }
0x159: {  	s28 =	rddreg [dreg:$0x6];
	s25 =	sadd.s32 s0, s29  }
0x15a: {  	[tilespmem:s28], [sflag:$0x1] =	stream.strided.gather [hbm4b:s25+s8], $0x2000, s9, s8, $0x38;
	[tilespmem:$0x1E200] =	vst v63  }
0x15b: {  	s29 =	sld [smem:s23+$0x5];
	s28 =	sand.u32 $0xFFFFF80, s30  }
0x15c: {  	s31 =	rddreg [dreg:$0x7];
	s25 =	sadd.s32 s0, s28  }
0x15d: {  	[tilespmem:s31], [sflag:$0x1] =	stream.strided.gather [hbm4b:s25+s8], $0x2000, s9, s8, $0x38;
	[tilespmem:$0x1E200] =	vst v63  }
0x15e: {  	s31 =	sand.u32 $0xFFFFF80, s29  }
0x15f: {  	s30 =	rddreg [dreg:$0x8];
	s25 =	sadd.s32 s0, s31  }
0x160: {  	[tilespmem:s30], [sflag:$0x1] =	stream.strided.gather [hbm4b:s25+s8], $0x2000, s9, s8, $0x38;
	[tilespmem:$0x1E200] =	vst v63  }
0x161: {  	_ =	swait.ge [sflag:s16], $0x2000  }
0x162: {  	[sflag:s16] =	ssyncset.done $0x0  }
0x163: {  	[sflag:s16] =	ssyncadd.s32 $0xFFFFE000  }
0x164: {  	_ =	swait.ge [sflag:s16], $0x2000  }
0x165: {  	[sflag:s16] =	ssyncset.done $0x0  }
0x166: {  	[sflag:s16] =	ssyncadd.s32 $0xFFFFE000  }
0x167: {  	_ =	swait.ge [sflag:s16], $0x2000  }
0x168: {  	[sflag:s16] =	ssyncset.done $0x0  }
0x169: {  	[sflag:s16] =	ssyncadd.s32 $0xFFFFE000  }
0x16a: {  	_ =	swait.ge [sflag:s16], $0x2000  }
0x16b: {  	[sflag:s16] =	ssyncset.done $0x0  }
0x16c: {  	[sflag:s16] =	ssyncadd.s32 $0xFFFFE000  }
0x16d: {  	_ =	swait.ge [sflag:s16], $0x2000  }
0x16e: {  	[sflag:s16] =	ssyncset.done $0x0  }
0x16f: {  	[sflag:s16] =	ssyncadd.s32 $0xFFFFE000  }
0x170: {  	_ =	swait.ge [sflag:s16], $0x2000  }
0x171: {  	[sflag:s16] =	ssyncset.done $0x0  }
0x172: {  	[sflag:s16] =	ssyncadd.s32 $0xFFFFE000  }
0x173: {  	_ =	swait.ge [sflag:s16], $0x2000  }
0x174: {  	[sflag:s16] =	ssyncset.done $0x0  }
0x175: {  	[sflag:s16] =	ssyncadd.s32 $0xFFFFE000  }
0x176: {  	_ =	swait.ge [sflag:s16], $0x2000  }
0x177: {  	[sflag:s16] =	ssyncset.done $0x0  }
0x178: {  	[sflag:s16] =	ssyncadd.s32 $0xFFFFE000  }
0x179: {  	_ =	swait.ge [sflag:s16], $0x2000  }
0x17a: {  	[sflag:s16] =	ssyncset.done $0x0  }
0x17b: {  	[sflag:s16] =	ssyncadd.s32 $0xFFFFE000  }
0x17c: {  	_ =	swait.ge [sflag:s16], $0x2000  }
0x17d: {  	[sflag:s16] =	ssyncset.done $0x0  }
0x17e: {  	[sflag:s16] =	ssyncadd.s32 $0xFFFFE000  }
0x17f: {  	_ =	swait.ge [sflag:s16], $0x2000  }
0x180: {  	[sflag:s16] =	ssyncset.done $0x0  }
0x181: {  	[sflag:s16] =	ssyncadd.s32 $0xFFFFE000  }
0x182: {  	s25 =	sld [smem:s22+$0xFFFFFFFB];
	_ =	sdelay $0x2  }
0x183: {  	v48 =	vadd.s32 s25, v0  }
0x184: {  	v49 =	vmov s21  }
0x185: {  	v50 =	vshll.u32 v49, $0x3  }
0x186: {  	v49 =	vand.u32 $0x7F, v49;
	v50 =	vand.u32 $0x1C00, v50  }
0x187: {  	v49 =	vor.u32 v49, v50  }
0x188: {  	v50 =	vadd.s32 v1, v49;
	v48 =	vld.idx.msk [tilespmem:v48+s10+$0x0], $0xffff  }
0x189: {  	v51 =	vadd.s32 s25, v2;
	_ =	sdelay $0x3  }
0x18a: {  	[tilespmem:v50+s17+$0x0] =	vst.idx.msk $0xffff, v48  }
0x18b: {  	v50 =	vadd.s32 v3, v49;
	v48 =	vld.idx.msk [tilespmem:v51+s10+$0x0], $0xffff  }
0x18c: {  	v51 =	vadd.s32 s25, v4;
	_ =	sdelay $0x3  }
0x18d: {  	[tilespmem:v50+s17+$0x0] =	vst.idx.msk $0xffff, v48  }
0x18e: {  	v50 =	vadd.s32 v5, v49;
	v48 =	vld.idx.msk [tilespmem:v51+s10+$0x0], $0xffff  }
0x18f: {  	v51 =	vadd.s32 s25, v6;
	_ =	sdelay $0x2  }
0x190: {  	s26 =	sld [smem:s22+$0xFFFFFFFC]  }
0x191: {  	[tilespmem:v50+s17+$0x0] =	vst.idx.msk $0xffff, v48  }
0x192: {  	v49 =	vadd.s32 v7, v49;
	v48 =	vld.idx.msk [tilespmem:v51+s10+$0x0], $0xffff  }
0x193: {  	s28 =	sadd.s32 $0x1, s21;
	v50 =	vadd.s32 s26, v8  }
0x194: {  	v51 =	vmov s28  }
0x195: {  	v52 =	vshll.u32 v51, $0x3  }
0x196: {  	v51 =	vand.u32 $0x7F, v51;
	v52 =	vand.u32 $0x3C00, v52  }
0x197: {  	[tilespmem:v49+s17+$0x0] =	vst.idx.msk $0xffff, v48;
	v48 =	vor.u32 v51, v52  }
0x198: {  	v49 =	vld.idx.msk [tilespmem:v50+s10+$0x0], $0xffff;
	v50 =	vadd.s32 v1, v48  }
0x199: {  	v51 =	vadd.s32 s26, v9;
	_ =	sdelay $0x3  }
0x19a: {  	[tilespmem:v50+s17+$0x0] =	vst.idx.msk $0xffff, v49  }
0x19b: {  	v50 =	vadd.s32 v3, v48;
	v49 =	vld.idx.msk [tilespmem:v51+s10+$0x0], $0xffff  }
0x19c: {  	v51 =	vadd.s32 s26, v10;
	_ =	sdelay $0x3  }
0x19d: {  	[tilespmem:v50+s17+$0x0] =	vst.idx.msk $0xffff, v49  }
0x19e: {  	v50 =	vadd.s32 v5, v48;
	v49 =	vld.idx.msk [tilespmem:v51+s10+$0x0], $0xffff  }
0x19f: {  	v51 =	vadd.s32 s26, v11;
	_ =	sdelay $0x2  }
0x1a0: {  	s29 =	sld [smem:s22+$0xFFFFFFFD]  }
0x1a1: {  	[tilespmem:v50+s17+$0x0] =	vst.idx.msk $0xffff, v49  }
0x1a2: {  	v48 =	vadd.s32 v7, v48;
	v49 =	vld.idx.msk [tilespmem:v51+s10+$0x0], $0xffff  }
0x1a3: {  	s30 =	sadd.s32 $0x2, s21;
	v50 =	vadd.s32 s29, v12  }
0x1a4: {  	v51 =	vmov s30  }
0x1a5: {  	v52 =	vshll.u32 v51, $0x3  }
0x1a6: {  	v51 =	vand.u32 $0x7F, v51;
	v52 =	vand.u32 $0x3C00, v52  }
0x1a7: {  	[tilespmem:v48+s17+$0x0] =	vst.idx.msk $0xffff, v49;
	v48 =	vor.u32 v51, v52  }
0x1a8: {  	v49 =	vld.idx.msk [tilespmem:v50+s10+$0x0], $0xffff;
	v50 =	vadd.s32 v1, v48  }
0x1a9: {  	v51 =	vadd.s32 s29, v13;
	_ =	sdelay $0x3  }
0x1aa: {  	[tilespmem:v50+s17+$0x0] =	vst.idx.msk $0xffff, v49  }
0x1ab: {  	v50 =	vadd.s32 v3, v48;
	v49 =	vld.idx.msk [tilespmem:v51+s10+$0x0], $0xffff  }
0x1ac: {  	v51 =	vadd.s32 s29, v14;
	_ =	sdelay $0x3  }
0x1ad: {  	[tilespmem:v50+s17+$0x0] =	vst.idx.msk $0xffff, v49  }
0x1ae: {  	v50 =	vadd.s32 v5, v48;
	v49 =	vld.idx.msk [tilespmem:v51+s10+$0x0], $0xffff  }
0x1af: {  	v51 =	vadd.s32 s29, v15;
	_ =	sdelay $0x2  }
0x1b0: {  	s31 =	sld [smem:s22+$0xFFFFFFFE]  }
0x1b1: {  	[tilespmem:v50+s17+$0x0] =	vst.idx.msk $0xffff, v49  }
0x1b2: {  	v48 =	vadd.s32 v7, v48;
	v49 =	vld.idx.msk [tilespmem:v51+s10+$0x0], $0xffff  }
0x1b3: {  	s26 =	sadd.s32 $0x3, s21;
	v50 =	vadd.s32 s31, v16  }
0x1b4: {  	v51 =	vmov s26  }
0x1b5: {  	v52 =	vshll.u32 v51, $0x3  }
0x1b6: {  	v51 =	vand.u32 $0x7F, v51;
	v52 =	vand.u32 $0x3C00, v52  }
0x1b7: {  	[tilespmem:v48+s17+$0x0] =	vst.idx.msk $0xffff, v49;
	v48 =	vor.u32 v51, v52  }
0x1b8: {  	v49 =	vld.idx.msk [tilespmem:v50+s10+$0x0], $0xffff;
	v50 =	vadd.s32 v1, v48  }
0x1b9: {  	v51 =	vadd.s32 s31, v17;
	_ =	sdelay $0x3  }
0x1ba: {  	[tilespmem:v50+s17+$0x0] =	vst.idx.msk $0xffff, v49  }
0x1bb: {  	v50 =	vadd.s32 v3, v48;
	v49 =	vld.idx.msk [tilespmem:v51+s10+$0x0], $0xffff  }
0x1bc: {  	v51 =	vadd.s32 s31, v18;
	_ =	sdelay $0x3  }
0x1bd: {  	[tilespmem:v50+s17+$0x0] =	vst.idx.msk $0xffff, v49  }
0x1be: {  	v50 =	vadd.s32 v5, v48;
	v49 =	vld.idx.msk [tilespmem:v51+s10+$0x0], $0xffff  }
0x1bf: {  	v51 =	vadd.s32 s31, v19;
	_ =	sdelay $0x2  }
0x1c0: {  	s28 =	sld [smem:s22+$0xFFFFFFFF]  }
0x1c1: {  	[tilespmem:v50+s17+$0x0] =	vst.idx.msk $0xffff, v49  }
0x1c2: {  	v48 =	vadd.s32 v7, v48;
	v49 =	vld.idx.msk [tilespmem:v51+s10+$0x0], $0xffff  }
0x1c3: {  	s29 =	sadd.s32 $0x4, s21;
	v50 =	vadd.s32 s28, v20  }
0x1c4: {  	v51 =	vmov s29  }
0x1c5: {  	v52 =	vshll.u32 v51, $0x3  }
0x1c6: {  	v51 =	vand.u32 $0x7F, v51;
	v52 =	vand.u32 $0x3C00, v52  }
0x1c7: {  	[tilespmem:v48+s17+$0x0] =	vst.idx.msk $0xffff, v49;
	v48 =	vor.u32 v51, v52  }
0x1c8: {  	v49 =	vld.idx.msk [tilespmem:v50+s10+$0x0], $0xffff;
	v50 =	vadd.s32 v1, v48  }
0x1c9: {  	v51 =	vadd.s32 s28, v21;
	_ =	sdelay $0x3  }
0x1ca: {  	[tilespmem:v50+s17+$0x0] =	vst.idx.msk $0xffff, v49  }
0x1cb: {  	v50 =	vadd.s32 v3, v48;
	v49 =	vld.idx.msk [tilespmem:v51+s10+$0x0], $0xffff  }
0x1cc: {  	v51 =	vadd.s32 s28, v22;
	_ =	sdelay $0x3  }
0x1cd: {  	[tilespmem:v50+s17+$0x0] =	vst.idx.msk $0xffff, v49  }
0x1ce: {  	v50 =	vadd.s32 v5, v48;
	v49 =	vld.idx.msk [tilespmem:v51+s10+$0x0], $0xffff  }
0x1cf: {  	v51 =	vadd.s32 s28, v23;
	_ =	sdelay $0x2  }
0x1d0: {  	s30 =	sld [smem:s22+$0x0]  }
0x1d1: {  	[tilespmem:v50+s17+$0x0] =	vst.idx.msk $0xffff, v49  }
0x1d2: {  	v48 =	vadd.s32 v7, v48;
	v49 =	vld.idx.msk [tilespmem:v51+s10+$0x0], $0xffff  }
0x1d3: {  	s31 =	sadd.s32 $0x5, s21;
	v50 =	vadd.s32 s30, v24  }
0x1d4: {  	v51 =	vmov s31  }
0x1d5: {  	v52 =	vshll.u32 v51, $0x3  }
0x1d6: {  	v51 =	vand.u32 $0x7F, v51;
	v52 =	vand.u32 $0x3C00, v52  }
0x1d7: {  	[tilespmem:v48+s17+$0x0] =	vst.idx.msk $0xffff, v49;
	v48 =	vor.u32 v51, v52  }
0x1d8: {  	v49 =	vld.idx.msk [tilespmem:v50+s10+$0x0], $0xffff;
	v50 =	vadd.s32 v1, v48  }
0x1d9: {  	v51 =	vadd.s32 s30, v25;
	_ =	sdelay $0x3  }
0x1da: {  	[tilespmem:v50+s17+$0x0] =	vst.idx.msk $0xffff, v49  }
0x1db: {  	v50 =	vadd.s32 v3, v48;
	v49 =	vld.idx.msk [tilespmem:v51+s10+$0x0], $0xffff  }
0x1dc: {  	v51 =	vadd.s32 s30, v26;
	_ =	sdelay $0x3  }
0x1dd: {  	[tilespmem:v50+s17+$0x0] =	vst.idx.msk $0xffff, v49  }
0x1de: {  	v50 =	vadd.s32 v5, v48;
	v49 =	vld.idx.msk [tilespmem:v51+s10+$0x0], $0xffff  }
0x1df: {  	v51 =	vadd.s32 s30, v27;
	_ =	sdelay $0x2  }
0x1e0: {  	s26 =	sld [smem:s22+$0x1]  }
0x1e1: {  	[tilespmem:v50+s17+$0x0] =	vst.idx.msk $0xffff, v49  }
0x1e2: {  	v48 =	vadd.s32 v7, v48;
	v49 =	vld.idx.msk [tilespmem:v51+s10+$0x0], $0xffff  }
0x1e3: {  	s28 =	sadd.s32 $0x6, s21;
	v50 =	vadd.s32 s26, v28  }
0x1e4: {  	v51 =	vmov s28  }
0x1e5: {  	v52 =	vshll.u32 v51, $0x3  }
0x1e6: {  	v51 =	vand.u32 $0x7F, v51;
	v52 =	vand.u32 $0x3C00, v52  }
0x1e7: {  	[tilespmem:v48+s17+$0x0] =	vst.idx.msk $0xffff, v49;
	v48 =	vor.u32 v51, v52  }
0x1e8: {  	v49 =	vld.idx.msk [tilespmem:v50+s10+$0x0], $0xffff;
	v50 =	vadd.s32 v1, v48  }
0x1e9: {  	v51 =	vadd.s32 s26, v29;
	_ =	sdelay $0x3  }
0x1ea: {  	[tilespmem:v50+s17+$0x0] =	vst.idx.msk $0xffff, v49  }
0x1eb: {  	v50 =	vadd.s32 v3, v48;
	v49 =	vld.idx.msk [tilespmem:v51+s10+$0x0], $0xffff  }
0x1ec: {  	v51 =	vadd.s32 s26, v30;
	_ =	sdelay $0x3  }
0x1ed: {  	[tilespmem:v50+s17+$0x0] =	vst.idx.msk $0xffff, v49  }
0x1ee: {  	v50 =	vadd.s32 v5, v48;
	v49 =	vld.idx.msk [tilespmem:v51+s10+$0x0], $0xffff  }
0x1ef: {  	v51 =	vadd.s32 s26, v31;
	_ =	sdelay $0x2  }
0x1f0: {  	s29 =	sld [smem:s22+$0x2]  }
0x1f1: {  	[tilespmem:v50+s17+$0x0] =	vst.idx.msk $0xffff, v49  }
0x1f2: {  	v48 =	vadd.s32 v7, v48;
	v49 =	vld.idx.msk [tilespmem:v51+s10+$0x0], $0xffff  }
0x1f3: {  	s30 =	sadd.s32 $0x7, s21;
	v50 =	vadd.s32 s29, v32  }
0x1f4: {  	v51 =	vmov s30  }
0x1f5: {  	v52 =	vshll.u32 v51, $0x3  }
0x1f6: {  	v51 =	vand.u32 $0x7F, v51;
	v52 =	vand.u32 $0x3C00, v52  }
0x1f7: {  	[tilespmem:v48+s17+$0x0] =	vst.idx.msk $0xffff, v49;
	v48 =	vor.u32 v51, v52  }
0x1f8: {  	v49 =	vld.idx.msk [tilespmem:v50+s10+$0x0], $0xffff;
	v50 =	vadd.s32 v1, v48  }
0x1f9: {  	v51 =	vadd.s32 s29, v33;
	_ =	sdelay $0x3  }
0x1fa: {  	[tilespmem:v50+s17+$0x0] =	vst.idx.msk $0xffff, v49  }
0x1fb: {  	v50 =	vadd.s32 v3, v48;
	v49 =	vld.idx.msk [tilespmem:v51+s10+$0x0], $0xffff  }
0x1fc: {  	v51 =	vadd.s32 s29, v34;
	_ =	sdelay $0x3  }
0x1fd: {  	[tilespmem:v50+s17+$0x0] =	vst.idx.msk $0xffff, v49  }
0x1fe: {  	v50 =	vadd.s32 v5, v48;
	v49 =	vld.idx.msk [tilespmem:v51+s10+$0x0], $0xffff  }
0x1ff: {  	v51 =	vadd.s32 s29, v35;
	_ =	sdelay $0x2  }
0x200: {  	s31 =	sld [smem:s22+$0x3]  }
0x201: {  	[tilespmem:v50+s17+$0x0] =	vst.idx.msk $0xffff, v49  }
0x202: {  	v48 =	vadd.s32 v7, v48;
	v49 =	vld.idx.msk [tilespmem:v51+s10+$0x0], $0xffff  }
0x203: {  	s26 =	sadd.s32 $0x8, s21;
	v50 =	vadd.s32 s31, v36  }
0x204: {  	v51 =	vmov s26  }
0x205: {  	v52 =	vshll.u32 v51, $0x3  }
0x206: {  	v51 =	vand.u32 $0x7F, v51;
	v52 =	vand.u32 $0x3C00, v52  }
0x207: {  	[tilespmem:v48+s17+$0x0] =	vst.idx.msk $0xffff, v49;
	v48 =	vor.u32 v51, v52  }
0x208: {  	v49 =	vld.idx.msk [tilespmem:v50+s10+$0x0], $0xffff;
	v50 =	vadd.s32 v1, v48  }
0x209: {  	v51 =	vadd.s32 s31, v37;
	_ =	sdelay $0x3  }
0x20a: {  	[tilespmem:v50+s17+$0x0] =	vst.idx.msk $0xffff, v49  }
0x20b: {  	v50 =	vadd.s32 v3, v48;
	v49 =	vld.idx.msk [tilespmem:v51+s10+$0x0], $0xffff  }
0x20c: {  	v51 =	vadd.s32 s31, v38;
	_ =	sdelay $0x3  }
0x20d: {  	[tilespmem:v50+s17+$0x0] =	vst.idx.msk $0xffff, v49  }
0x20e: {  	v50 =	vadd.s32 v5, v48;
	v49 =	vld.idx.msk [tilespmem:v51+s10+$0x0], $0xffff  }
0x20f: {  	v51 =	vadd.s32 s31, v39;
	_ =	sdelay $0x2  }
0x210: {  	s28 =	sld [smem:s22+$0x4]  }
0x211: {  	[tilespmem:v50+s17+$0x0] =	vst.idx.msk $0xffff, v49  }
0x212: {  	v48 =	vadd.s32 v7, v48;
	v49 =	vld.idx.msk [tilespmem:v51+s10+$0x0], $0xffff  }
0x213: {  	s29 =	sadd.s32 $0x9, s21;
	v50 =	vadd.s32 s28, v40  }
0x214: {  	v51 =	vmov s29  }
0x215: {  	v52 =	vshll.u32 v51, $0x3  }
0x216: {  	v51 =	vand.u32 $0x7F, v51;
	v52 =	vand.u32 $0x3C00, v52  }
0x217: {  	[tilespmem:v48+s17+$0x0] =	vst.idx.msk $0xffff, v49;
	v48 =	vor.u32 v51, v52  }
0x218: {  	v49 =	vld.idx.msk [tilespmem:v50+s10+$0x0], $0xffff;
	v50 =	vadd.s32 v1, v48  }
0x219: {  	v51 =	vadd.s32 s28, v41;
	_ =	sdelay $0x3  }
0x21a: {  	[tilespmem:v50+s17+$0x0] =	vst.idx.msk $0xffff, v49  }
0x21b: {  	v50 =	vadd.s32 v3, v48;
	v49 =	vld.idx.msk [tilespmem:v51+s10+$0x0], $0xffff  }
0x21c: {  	v51 =	vadd.s32 s28, v42;
	_ =	sdelay $0x3  }
0x21d: {  	[tilespmem:v50+s17+$0x0] =	vst.idx.msk $0xffff, v49  }
0x21e: {  	v50 =	vadd.s32 v5, v48;
	v49 =	vld.idx.msk [tilespmem:v51+s10+$0x0], $0xffff  }
0x21f: {  	v51 =	vadd.s32 s28, v43;
	_ =	sdelay $0x2  }
0x220: {  	s30 =	sld [smem:s22+$0x5]  }
0x221: {  	[tilespmem:v50+s17+$0x0] =	vst.idx.msk $0xffff, v49  }
0x222: {  	v48 =	vadd.s32 v7, v48;
	v49 =	vld.idx.msk [tilespmem:v51+s10+$0x0], $0xffff  }
0x223: {  	s31 =	sadd.s32 $0xA, s21;
	v50 =	vadd.s32 s30, v44  }
0x224: {  	v51 =	vmov s31  }
0x225: {  	v52 =	vshll.u32 v51, $0x3  }
0x226: {  	v51 =	vand.u32 $0x7F, v51;
	v52 =	vand.u32 $0x3C00, v52  }
0x227: {  	[tilespmem:v48+s17+$0x0] =	vst.idx.msk $0xffff, v49;
	v48 =	vor.u32 v51, v52  }
0x228: {  	v49 =	vld.idx.msk [tilespmem:v50+s10+$0x0], $0xffff;
	v50 =	vadd.s32 v1, v48  }
0x229: {  	v51 =	vadd.s32 s30, v45;
	_ =	sdelay $0x3  }
0x22a: {  	[tilespmem:v50+s17+$0x0] =	vst.idx.msk $0xffff, v49  }
0x22b: {  	v50 =	vadd.s32 v3, v48;
	v49 =	vld.idx.msk [tilespmem:v51+s10+$0x0], $0xffff  }
0x22c: {  	v51 =	vadd.s32 s30, v46;
	_ =	sdelay $0x3  }
0x22d: {  	[tilespmem:v50+s17+$0x0] =	vst.idx.msk $0xffff, v49  }
0x22e: {  	v50 =	vadd.s32 v5, v48;
	v49 =	vld.idx.msk [tilespmem:v51+s10+$0x0], $0xffff  }
0x22f: {  	v51 =	vadd.s32 s30, v47;
	_ =	sdelay $0x3  }
0x230: {  	[tilespmem:v50+s17+$0x0] =	vst.idx.msk $0xffff, v49  }
0x231: {  	p0 =	sne.s32 s21, $0x1EF;
	v48 =	vadd.s32 v7, v48;
	v49 =	vld.idx.msk [tilespmem:v51+s10+$0x0], $0xffff  }
.Ltmp1:
0x232: {  	_ = 	snop;
	(pc) =	sbr.rel @p0 .LBB2_4-.Ltmp1, $2  }
0x233: {  	_ =	sdelay $0x2  }
0x234: {  	s23 =	sadd.s32 $0xB, s23;
	s22 =	sadd.s32 $0xB, s22;
	s21 =	sadd.s32 $0xB, s21;
	[tilespmem:v48+s17+$0x0] =	vst.idx.msk $0xffff, v49  }
0x235: {  	s21 =	sld [smem:$0x1FA]  }
0x236: {  	s22 =	sld [smem:$0x1FB];
	_ =	sdelay $0x1  }
0x237: {  	s26 =	sld [smem:$0x1FC];
	s21 =	sand.u32 $0xFFFFF80, s21  }
0x238: {  	s29 =	sld [smem:$0x1FD];
	s25 =	sand.u32 $0xFFFFF80, s22;
	s21 =	sadd.s32 s0, s21  }
0x239: {  	[tilespmem:s10], [sflag:$0x1] =	stream.strided.gather [hbm4b:s21+s8], $0x2000, s9, s8, $0x38;
	[tilespmem:$0x1E200] =	vst v63  }
0x23a: {  	s31 =	sld [smem:$0x1FE];
	s28 =	sand.u32 $0xFFFFF80, s26;
	s21 =	sadd.s32 s0, s25  }
0x23b: {  	[tilespmem:s11], [sflag:$0x1] =	stream.strided.gather [hbm4b:s21+s8], $0x2000, s9, s8, $0x38;
	[tilespmem:$0x1E200] =	vst v63  }
0x23c: {  	s23 =	sld [smem:$0x1FF];
	s30 =	sand.u32 $0xFFFFF80, s29;
	s21 =	sadd.s32 s0, s28  }
0x23d: {  	[tilespmem:s12], [sflag:$0x1] =	stream.strided.gather [hbm4b:s21+s8], $0x2000, s9, s8, $0x38;
	[tilespmem:$0x1E200] =	vst v63  }
0x23e: {  	s22 =	sand.u32 $0xFFFFF80, s31;
	s21 =	sadd.s32 s0, s30  }
0x23f: {  	[tilespmem:s13], [sflag:$0x1] =	stream.strided.gather [hbm4b:s21+s8], $0x2000, s9, s8, $0x38;
	[tilespmem:$0x1E200] =	vst v63  }
0x240: {  	s24 =	sand.u32 $0xFFFFF80, s23;
	s21 =	sadd.s32 s0, s22  }
0x241: {  	[tilespmem:s14], [sflag:$0x1] =	stream.strided.gather [hbm4b:s21+s8], $0x2000, s9, s8, $0x38;
	[tilespmem:$0x1E200] =	vst v63  }
0x242: {  	s21 =	sadd.s32 s0, s24  }
0x243: {  	[tilespmem:s15], [sflag:$0x1] =	stream.strided.gather [hbm4b:s21+s8], $0x2000, s9, s8, $0x38;
	[tilespmem:$0x1E200] =	vst v63  }
0x244: {  	_ =	swait.ge [sflag:s16], $0x2000  }
0x245: {  	[sflag:s16] =	ssyncset.done $0x0  }
0x246: {  	[sflag:s16] =	ssyncadd.s32 $0xFFFFE000  }
0x247: {  	_ =	swait.ge [sflag:s16], $0x2000  }
0x248: {  	[sflag:s16] =	ssyncset.done $0x0  }
0x249: {  	[sflag:s16] =	ssyncadd.s32 $0xFFFFE000  }
0x24a: {  	_ =	swait.ge [sflag:s16], $0x2000  }
0x24b: {  	[sflag:s16] =	ssyncset.done $0x0  }
0x24c: {  	[sflag:s16] =	ssyncadd.s32 $0xFFFFE000  }
0x24d: {  	_ =	swait.ge [sflag:s16], $0x2000  }
0x24e: {  	[sflag:s16] =	ssyncset.done $0x0  }
0x24f: {  	[sflag:s16] =	ssyncadd.s32 $0xFFFFE000  }
0x250: {  	_ =	swait.ge [sflag:s16], $0x2000  }
0x251: {  	[sflag:s16] =	ssyncset.done $0x0  }
0x252: {  	[sflag:s16] =	ssyncadd.s32 $0xFFFFE000  }
0x253: {  	_ =	swait.ge [sflag:s16], $0x2000  }
0x254: {  	[sflag:s16] =	ssyncset.done $0x0  }
0x255: {  	[sflag:s16] =	ssyncadd.s32 $0xFFFFE000  }
0x256: {  	s25 =	sld [smem:$0x3FA];
	_ =	sdelay $0x2  }
0x257: {  	v48 =	vadd.s32 s25, v0;
	_ =	sdelay $0x1  }
0x258: {  	v50 =	vld [tilespmem:$0x1FF30];
	_ =	sdelay $0x2  }
0x259: {  	v48 =	vld.idx.msk [tilespmem:v48+s10+$0x0], $0xffff  }
0x25a: {  	v49 =	vadd.s32 s25, v2;
	_ =	sdelay $0x1  }
0x25b: {  	v52 =	vld [tilespmem:$0x1FF40];
	_ =	sdelay $0x1  }
0x25c: {  	[tilespmem:v50+s17+$0x0] =	vst.idx.msk $0xffff, v48  }
0x25d: {  	v48 =	vld.idx.msk [tilespmem:v49+s10+$0x0], $0xffff;
	_ =	sdelay $0x2  }
0x25e: {  	v49 =	vadd.s32 s25, v4;
	_ =	sdelay $0x1  }
0x25f: {  	[tilespmem:v52+s17+$0x0] =	vst.idx.msk $0xffff, v48;
	v52 =	vld [tilespmem:$0x1FF50];
	_ =	sdelay $0x2  }
0x260: {  	v48 =	vld.idx.msk [tilespmem:v49+s10+$0x0], $0xffff;
	_ =	sdelay $0x2  }
0x261: {  	v49 =	vadd.s32 s25, v6;
	_ =	sdelay $0x1  }
0x262: {  	[tilespmem:v52+s17+$0x0] =	vst.idx.msk $0xffff, v48;
	v52 =	vld [tilespmem:$0x1FF60];
	_ =	sdelay $0x2  }
0x263: {  	s26 =	sld [smem:$0x3FB];
	v48 =	vld.idx.msk [tilespmem:v49+s10+$0x0], $0xffff;
	_ =	sdelay $0x2  }
0x264: {  	v49 =	vadd.s32 s26, v8;
	_ =	sdelay $0x1  }
0x265: {  	[tilespmem:v52+s17+$0x0] =	vst.idx.msk $0xffff, v48;
	v52 =	vld [tilespmem:$0x1FF70];
	_ =	sdelay $0x2  }
0x266: {  	v48 =	vld.idx.msk [tilespmem:v49+s10+$0x0], $0xffff;
	_ =	sdelay $0x2  }
0x267: {  	v49 =	vadd.s32 s26, v9;
	_ =	sdelay $0x1  }
0x268: {  	[tilespmem:v52+s17+$0x0] =	vst.idx.msk $0xffff, v48;
	v52 =	vld [tilespmem:$0x1FF80];
	_ =	sdelay $0x2  }
0x269: {  	v48 =	vld.idx.msk [tilespmem:v49+s10+$0x0], $0xffff;
	_ =	sdelay $0x2  }
0x26a: {  	v49 =	vadd.s32 s26, v10;
	_ =	sdelay $0x1  }
0x26b: {  	[tilespmem:v52+s17+$0x0] =	vst.idx.msk $0xffff, v48;
	v52 =	vld [tilespmem:$0x1FF90];
	_ =	sdelay $0x2  }
0x26c: {  	v48 =	vld.idx.msk [tilespmem:v49+s10+$0x0], $0xffff;
	_ =	sdelay $0x2  }
0x26d: {  	v49 =	vadd.s32 s26, v11;
	_ =	sdelay $0x1  }
0x26e: {  	[tilespmem:v52+s17+$0x0] =	vst.idx.msk $0xffff, v48;
	v52 =	vld [tilespmem:$0x1FFA0];
	_ =	sdelay $0x2  }
0x26f: {  	s28 =	sld [smem:$0x3FC];
	v48 =	vld.idx.msk [tilespmem:v49+s10+$0x0], $0xffff;
	_ =	sdelay $0x2  }
0x270: {  	v49 =	vadd.s32 s28, v12;
	_ =	sdelay $0x1  }
0x271: {  	[tilespmem:v52+s17+$0x0] =	vst.idx.msk $0xffff, v48;
	v52 =	vld [tilespmem:$0x1FFB0];
	_ =	sdelay $0x2  }
0x272: {  	v48 =	vld.idx.msk [tilespmem:v49+s10+$0x0], $0xffff;
	_ =	sdelay $0x2  }
0x273: {  	v49 =	vadd.s32 s28, v13;
	_ =	sdelay $0x1  }
0x274: {  	[tilespmem:v52+s17+$0x0] =	vst.idx.msk $0xffff, v48;
	v52 =	vld [tilespmem:$0x1FFC0];
	_ =	sdelay $0x2  }
0x275: {  	v48 =	vld.idx.msk [tilespmem:v49+s10+$0x0], $0xffff;
	_ =	sdelay $0x2  }
0x276: {  	v49 =	vadd.s32 s28, v14;
	_ =	sdelay $0x1  }
0x277: {  	[tilespmem:v52+s17+$0x0] =	vst.idx.msk $0xffff, v48;
	v52 =	vld [tilespmem:$0x1FFD0];
	_ =	sdelay $0x2  }
0x278: {  	v48 =	vld.idx.msk [tilespmem:v49+s10+$0x0], $0xffff;
	_ =	sdelay $0x2  }
0x279: {  	v49 =	vadd.s32 s28, v15;
	_ =	sdelay $0x1  }
0x27a: {  	[tilespmem:v52+s17+$0x0] =	vst.idx.msk $0xffff, v48;
	v52 =	vld [tilespmem:$0x1FFE0];
	_ =	sdelay $0x2  }
0x27b: {  	s29 =	sld [smem:$0x3FD];
	v48 =	vld.idx.msk [tilespmem:v49+s10+$0x0], $0xffff;
	_ =	sdelay $0x2  }
0x27c: {  	v49 =	vadd.s32 s29, v16;
	_ =	sdelay $0x1  }
0x27d: {  	[tilespmem:v52+s17+$0x0] =	vst.idx.msk $0xffff, v48;
	v52 =	vld [tilespmem:$0x1FFF0];
	_ =	sdelay $0x2  }
0x27e: {  	v48 =	vld.idx.msk [tilespmem:v49+s10+$0x0], $0xffff  }
0x27f: {  	v49 =	vadd.s32 s29, v17;
	_ =	sdelay $0x3  }
0x280: {  	[tilespmem:v52+s17+$0x0] =	vst.idx.msk $0xffff, v48  }
0x281: {  	v48 =	vld.idx.msk [tilespmem:v49+s10+$0x0], $0xffff  }
0x282: {  	v52 =	vadd.s32 s29, v18;
	_ =	sdelay $0x3  }
0x283: {  	[tilespmem:v53+s17+$0x0] =	vst.idx.msk $0xffff, v48  }
0x284: {  	v48 =	vld.idx.msk [tilespmem:v52+s10+$0x0], $0xffff  }
0x285: {  	v52 =	vadd.s32 s29, v19;
	_ =	sdelay $0x2  }
0x286: {  	s30 =	sld [smem:$0x3FE]  }
0x287: {  	[tilespmem:v54+s17+$0x0] =	vst.idx.msk $0xffff, v48  }
0x288: {  	v48 =	vld.idx.msk [tilespmem:v52+s10+$0x0], $0xffff  }
0x289: {  	v52 =	vadd.s32 s30, v20;
	_ =	sdelay $0x3  }
0x28a: {  	[tilespmem:v55+s17+$0x0] =	vst.idx.msk $0xffff, v48  }
0x28b: {  	v48 =	vld.idx.msk [tilespmem:v52+s10+$0x0], $0xffff  }
0x28c: {  	v52 =	vadd.s32 s30, v21;
	_ =	sdelay $0x3  }
0x28d: {  	[tilespmem:v56+s17+$0x0] =	vst.idx.msk $0xffff, v48  }
0x28e: {  	v48 =	vld.idx.msk [tilespmem:v52+s10+$0x0], $0xffff  }
0x28f: {  	v52 =	vadd.s32 s30, v22;
	_ =	sdelay $0x3  }
0x290: {  	[tilespmem:v57+s17+$0x0] =	vst.idx.msk $0xffff, v48  }
0x291: {  	v48 =	vld.idx.msk [tilespmem:v52+s10+$0x0], $0xffff  }
0x292: {  	v52 =	vadd.s32 s30, v23;
	_ =	sdelay $0x2  }
0x293: {  	s31 =	sld [smem:$0x3FF]  }
0x294: {  	[tilespmem:v58+s17+$0x0] =	vst.idx.msk $0xffff, v48  }
0x295: {  	v48 =	vld.idx.msk [tilespmem:v52+s10+$0x0], $0xffff  }
0x296: {  	v52 =	vadd.s32 s31, v24;
	_ =	sdelay $0x3  }
0x297: {  	[tilespmem:v59+s17+$0x0] =	vst.idx.msk $0xffff, v48  }
0x298: {  	v48 =	vld.idx.msk [tilespmem:v52+s10+$0x0], $0xffff  }
0x299: {  	v52 =	vadd.s32 s31, v25;
	_ =	sdelay $0x3  }
0x29a: {  	[tilespmem:v60+s17+$0x0] =	vst.idx.msk $0xffff, v48  }
0x29b: {  	v48 =	vld.idx.msk [tilespmem:v52+s10+$0x0], $0xffff  }
0x29c: {  	v52 =	vadd.s32 s31, v26;
	_ =	sdelay $0x3  }
0x29d: {  	[tilespmem:v61+s17+$0x0] =	vst.idx.msk $0xffff, v48  }
0x29e: {  	v48 =	vld.idx.msk [tilespmem:v52+s10+$0x0], $0xffff  }
0x29f: {  	v52 =	vadd.s32 s31, v27;
	_ =	sdelay $0x3  }
0x2a0: {  	[tilespmem:v62+s17+$0x0] =	vst.idx.msk $0xffff, v48  }
0x2a1: {  	v48 =	vld.idx.msk [tilespmem:v52+s10+$0x0], $0xffff;
	_ =	sdelay $0x2  }
0x2a2: {  	s20 =	sadd.s32 $0x1, s20  }
0x2a3: {  	p0 =	sne.s32 s20, s6  }
.Ltmp2:
0x2a4: {  	[tilespmem:v63+s17+$0x0] =	vst.idx.msk $0xffff, v48;
	(pc) =	sbr.rel @p0 .LBB2_1-.Ltmp2, $4  }
0x2a5: {  	[hbm4b:s5+s18] =	stream.strided.scatter [tilespmem:s17], [sflag:$0x2], $0x8000, s19, s18, $0x38;
	[tilespmem:$0x1E200] =	vst v63  }
0x2a6: {  	_ =	swait.ge [sflag:s7], $0x8000  }
0x2a7: {  	[sflag:s7] =	ssyncset.done $0x0  }
0x2a8: {  	[sflag:s7] =	ssyncadd.s32 $0xFFFF8000  }
0x2a9: {  	_ =	sfence.sel $0x180000  }
0x2aa: {  	[bflag:$0x0] =	sbarrier.arrive $0xFFFF  }
0x2ab: {  	p0 =	sne.s32 s2, $0x0;
	_ =	strace $0x90000047  }
0x2ac: {  	s0 =	sadd.s32 @!p0 $0x100000, s1;
	[bflag:$0x2] =	sbarrier.arrive $0xFFFF  }
0x2ad: {  	[sflag:s0] =	ssyncadd.tile.s32 @!p0 $0x1;
	_ =	shalt  }
.Lfunc_end2:
_tile_overlayer_lowered:
.L_overlay_start_2:
0x2ae: {  	(tag) =	ssettag $0x2  }
0x2af: {  	s0 =	rddreg [dreg:$0x0];
	s2 =	stileid.u32  }
0x2b0: {  	s1 =	rddreg [dreg:$0x1];
	p0 =	sne.s32 s2, $0x0  }
0x2b1: {  	s3 =	rddreg [dreg:$0x2];
	[bflag:$0x3] =	sbarrier.arrive $0xFFFF;
	s2 =	simm.s32 @!p0 $0x1C02  }
0x2b2: {  	[timem:s3], [sflag:s2] =	dma.local @!p0 [hbm:s0], s1  }
0x2b3: {  	s0 =	simm.s32 @!p0 $0x2  }
0x2b4: {  	_ =	swait.ge @!p0 [sflag:s0], s1  }
0x2b5: {  	s1 =	ssub.s32 @!p0 $0x0, s1;
	[sflag:s0] =	ssyncset.done @!p0 $0x0  }
0x2b6: {  	[sflag:s0] =	ssyncadd.s32 @!p0 s1  }
0x2b7: {  	[bflag:$0x3] =	sbarrier.arrive $0xFFFF  }
0x2b8: {  	_ =	shalt  }

</sc_bundles>
